<compile_context>
chip_gen: v7x
topology: tpu7x:2x2x1
jax: 0.10.2.dev20260603
libtpu: 0.0.44.dev20260713+nightly
codegen_flags: <defaults>
</compile_context>

<pallas_src>
import functools

import jax
import jax.numpy as jnp
from jax import lax
from jax.experimental import pallas as pl
from jax.experimental.pallas import tpu as pltpu
from jax.experimental.pallas import tpu_sc as plsc

_NC, _NS, _L = 2, 16, 16
_NW = _NC * _NS
_R, _C = 512, 32768
_B = 128
_BEAM = 4
_EOS = 0
_NEG = float("-inf")
_LN2 = 0.6931471805599453

_SC_BATCHES = _NW
_SC_ROWS = _SC_BATCHES * _BEAM
_TC_ROWS = _R - _SC_ROWS
_TC_B = _TC_ROWS // _BEAM
_ROW0_SC = _TC_ROWS
_CHUNKS = _C // _L
_RPW = _BEAM



def _gather16(arr, idx):
    return arr.at[idx].get(mode="promise_in_bounds")


def _allmax(x):
    i = lax.iota(jnp.int32, 16)
    for d in (1, 2, 4, 8):
        x = jnp.maximum(x, _gather16(x, i ^ d))
    return x


def _allmin(x):
    i = lax.iota(jnp.int32, 16)
    for d in (1, 2, 4, 8):
        x = jnp.minimum(x, _gather16(x, i ^ d))
    return x


def _allsum(x):
    i = lax.iota(jnp.int32, 16)
    for d in (1, 2, 4, 8):
        x = x + _gather16(x, i ^ d)
    return x


def _ln_vec(s):
    bits = lax.bitcast_convert_type(s, jnp.int32)
    e = ((bits >> 23) & 0xFF) - 127
    mant = lax.bitcast_convert_type((bits & 0x7FFFFF) | 0x3F800000,
                                    jnp.float32)
    u = mant - 1.0
    y = e.astype(jnp.float32) * _LN2 + u * (1.0 + u * (-0.5 + u * (1.0 / 3.0)))
    for _ in range(3):
        y = y + s * jnp.exp(-y) - 1.0
    return y


def _sc_process_row(buf, rlocal, acc):
    lse_a, rtv, rti = acc
    iota16 = lax.iota(jnp.int32, 16)

    def pb(j, c):
        s, t1, t2, t3, t4, i1, i2, i3, i4 = c
        x = buf[pl.ds(j * _L, _L)]
        s = s + jnp.exp(x)
        idx = j * _L + iota16
        b1 = x > t1
        b2 = x > t2
        b3 = x > t3
        b4 = x > t4
        t4n = jnp.where(b3, t3, jnp.where(b4, x, t4))
        i4n = jnp.where(b3, i3, jnp.where(b4, idx, i4))
        t3n = jnp.where(b2, t2, jnp.where(b3, x, t3))
        i3n = jnp.where(b2, i2, jnp.where(b3, idx, i3))
        t2n = jnp.where(b1, t1, jnp.where(b2, x, t2))
        i2n = jnp.where(b1, i1, jnp.where(b2, idx, i2))
        t1n = jnp.where(b1, x, t1)
        i1n = jnp.where(b1, idx, i1)
        return (s, t1n, t2n, t3n, t4n, i1n, i2n, i3n, i4n)

    zf = jnp.zeros((_L,), jnp.float32)
    nf = jnp.full((_L,), _NEG, jnp.float32)
    zi = jnp.zeros((_L,), jnp.int32)
    s, t1, t2, t3, t4, i1, i2, i3, i4 = lax.fori_loop(
        0, _CHUNKS, pb, (zf, nf, nf, nf, nf, zi, zi, zi, zi), unroll=4)

    S = _allsum(s)
    lse = _ln_vec(S)
    here = iota16 == rlocal
    lse_a = jnp.where(here, lse, lse_a)

    rtv_n = list(rtv)
    rti_n = list(rti)
    for k in range(4):
        mk = _allmax(t1)
        isel = _allmin(jnp.where(t1 == mk, i1, _C))
        rtv_n[k] = jnp.where(here, mk, rtv_n[k])
        rti_n[k] = jnp.where(here, isel, rti_n[k])
        w = (t1 == mk) & (i1 == isel)
        t1 = jnp.where(w, t2, t1)
        i1 = jnp.where(w, i2, i1)
        t2 = jnp.where(w, t3, t2)
        i2 = jnp.where(w, i3, i2)
        t3 = jnp.where(w, t4, t3)
        i3 = jnp.where(w, i4, i3)
        t4 = jnp.where(w, nf, t4)
    return (lse_a, tuple(rtv_n), tuple(rti_n))


def _sc_body(x_hbm, lpp_hbm, out_hbm, buf0, buf1, lpp_v, ov, sem0, sem1):
    wid = lax.axis_index("s") * _NC + lax.axis_index("c")
    batch = _TC_B + wid
    row0 = batch * _BEAM
    pltpu.sync_copy(lpp_hbm.at[batch], lpp_v)

    iota16 = lax.iota(jnp.int32, 16)
    bufs = (buf0, buf1)
    sems = (sem0, sem1)
    pltpu.async_copy(x_hbm.at[row0], buf0, sem0)

    zf = jnp.zeros((_L,), jnp.float32)
    zi = jnp.zeros((_L,), jnp.int32)

    def group(g, acc):
        for b in range(2):
            r = g * 2 + b
            pltpu.make_async_copy(x_hbm.at[row0 + r], bufs[b], sems[b]).wait()

            @pl.when(r + 1 < _RPW)
            def _():
                pltpu.async_copy(x_hbm.at[row0 + r + 1], bufs[1 - b],
                                 sems[1 - b])
            lse_a, rtv, rti = _sc_process_row(
                bufs[b], r, (acc[0], acc[1:5], acc[5:9]))
            acc = (lse_a,) + rtv + rti
        return acc

    acc = lax.fori_loop(0, _RPW // 2, group,
                        (zf, zf, zf, zf, zf, zi, zi, zi, zi))
    lse_a = acc[0]
    rtv = acc[1:5]
    rti = acc[5:9]
    lpp = lpp_v[...]

    k_in = iota16 & 3
    rsel = iota16 >> 2
    gv = [_gather16(rtv[k], rsel) for k in range(4)]
    gi = [_gather16(rti[k], rsel) for k in range(4)]
    v = jnp.where(k_in == 0, gv[0],
                  jnp.where(k_in == 1, gv[1],
                            jnp.where(k_in == 2, gv[2], gv[3])))
    ci = jnp.where(k_in == 0, gi[0],
                   jnp.where(k_in == 1, gi[1],
                             jnp.where(k_in == 2, gi[2], gi[3])))
    lpg = _gather16(lpp, rsel)
    lseg = _gather16(lse_a, rsel)
    predg = _gather16(lpp, 4 + rsel)
    fin = predg == jnp.float32(_EOS)
    candv = jnp.where(fin,
                      jnp.where(k_in == 0, lpg,
                                jnp.full((16,), _NEG, jnp.float32)),
                      lpg + (v - lseg))
    candc = jnp.where(fin, 0, ci)
    flat = ((iota16 >> 2) << 15) | candc

    pack = jnp.zeros((_L,), jnp.float32)
    for k in range(4):
        mk = _allmax(candv)
        fsel = _allmin(jnp.where(candv == mk, flat, _BEAM * _C))
        candv = jnp.where(flat == fsel, _NEG, candv)
        clsf = (fsel & (_C - 1)).astype(jnp.float32)
        bpf = (fsel >> 15).astype(jnp.float32)
        pack = jnp.where(iota16 == k, mk, pack)
        pack = jnp.where(iota16 == 4 + k, clsf, pack)
        pack = jnp.where(iota16 == 8 + k, bpf, pack)

    ov[...] = pack
    pltpu.sync_copy(ov, out_hbm.at[wid])


def _make_sc_call():
    mesh = plsc.VectorSubcoreMesh(core_axis_name="c", subcore_axis_name="s",
                                  num_cores=_NC, num_subcores=_NS)
    return pl.kernel(
        _sc_body,
        out_type=jax.ShapeDtypeStruct((_SC_BATCHES, _L), jnp.float32),
        mesh=mesh,
        scratch_types=[
            pltpu.VMEM((_C,), jnp.float32),
            pltpu.VMEM((_C,), jnp.float32),
            pltpu.VMEM((_L,), jnp.float32),
            pltpu.VMEM((_L,), jnp.float32),
            pltpu.SemaphoreType.DMA,
            pltpu.SemaphoreType.DMA,
        ],
    )



def _scan_body(x_ref, topv_ref, topi_ref, lse_ref):
    x = x_ref[...]
    rows, C = x.shape
    m = jnp.max(x, axis=1, keepdims=True)
    s = jnp.sum(jnp.exp(x - m), axis=1, keepdims=True)
    lse_ref[...] = m + jnp.log(s)

    iota = lax.broadcasted_iota(jnp.int32, x.shape, 1)
    xc = x
    vals = []
    idxs = []
    for k in range(_BEAM):
        mk = m if k == 0 else jnp.max(xc, axis=1, keepdims=True)
        ik = jnp.min(jnp.where(xc == mk, iota, C), axis=1, keepdims=True)
        vals.append(mk)
        idxs.append(ik)
        xc = jnp.where(iota == ik, _NEG, xc)
    topv_ref[...] = jnp.concatenate(vals, axis=1)
    topi_ref[...] = jnp.concatenate(idxs, axis=1)


def _rep4(a):
    return jnp.concatenate(
        [a[:, b:b + 1] for b in range(_BEAM) for _ in range(_BEAM)], axis=1)


def _merge_body(C, topv_ref, topi_ref, lse4_ref, lp4_ref, pred4_ref,
                outv_ref, outc_ref, outb_ref):
    topv = topv_ref[...]
    topi = topi_ref[...]
    lse16 = _rep4(lse4_ref[...])
    lp16 = _rep4(lp4_ref[...])
    pred16 = _rep4(pred4_ref[...])
    B = topv.shape[0]

    lane = lax.broadcasted_iota(jnp.int32, (B, 16), 1)
    beam = lane // _BEAM
    k_in_beam = lane % _BEAM
    finished = pred16 == _EOS

    base_v = lp16 + (topv - lse16)
    fin_v = jnp.where(k_in_beam == 0, lp16, _NEG)
    cand_v = jnp.where(finished, fin_v, base_v)
    cand_c = jnp.where(finished, 0, topi)
    flat = beam * C + cand_c

    big = _BEAM * C
    outv = []
    outc = []
    outb = []
    for _ in range(_BEAM):
        mk = jnp.max(cand_v, axis=1, keepdims=True)
        fsel = jnp.min(jnp.where(cand_v == mk, flat, big), axis=1,
                       keepdims=True)
        outv.append(mk)
        outb.append(fsel // C)
        outc.append(fsel % C)
        cand_v = jnp.where(flat == fsel, _NEG, cand_v)
    outv_ref[...] = jnp.concatenate(outv, axis=1)
    outc_ref[...] = jnp.concatenate(outc, axis=1)
    outb_ref[...] = jnp.concatenate(outb, axis=1)



@jax.jit
def kernel(class_log_probabilities, last_predictions, last_log_probabilities):
    B, beam = last_log_probabilities.shape
    C = _C
    ROWS_PER_STEP = 64
    steps = _TC_ROWS // ROWS_PER_STEP

    predf = last_predictions.reshape(B, beam).astype(jnp.float32)
    lpp = jnp.concatenate(
        [last_log_probabilities, predf,
         jnp.zeros((B, 8), jnp.float32)], axis=1)

    sc_out = _make_sc_call()(class_log_probabilities, lpp)

    topv, topi, lse = pl.pallas_call(
        _scan_body,
        grid=(steps,),
        in_specs=[pl.BlockSpec((ROWS_PER_STEP, C), lambda i: (i, 0))],
        out_specs=[
            pl.BlockSpec((ROWS_PER_STEP, beam), lambda i: (i, 0)),
            pl.BlockSpec((ROWS_PER_STEP, beam), lambda i: (i, 0)),
            pl.BlockSpec((ROWS_PER_STEP, 1), lambda i: (i, 0)),
        ],
        out_shape=[
            jax.ShapeDtypeStruct((_TC_ROWS, beam), jnp.float32),
            jax.ShapeDtypeStruct((_TC_ROWS, beam), jnp.int32),
            jax.ShapeDtypeStruct((_TC_ROWS, 1), jnp.float32),
        ],
    )(class_log_probabilities)

    topv16 = topv.reshape(_TC_B, beam * _BEAM)
    topi16 = topi.reshape(_TC_B, beam * _BEAM)
    lse4 = lse.reshape(_TC_B, beam)
    lp4 = last_log_probabilities[:_TC_B]
    pred4 = last_predictions[:_TC_ROWS].reshape(_TC_B, beam)

    tc_outv, tc_outc, tc_outb = pl.pallas_call(
        functools.partial(_merge_body, C),
        out_shape=[
            jax.ShapeDtypeStruct((_TC_B, beam), jnp.float32),
            jax.ShapeDtypeStruct((_TC_B, beam), jnp.int32),
            jax.ShapeDtypeStruct((_TC_B, beam), jnp.int32),
        ],
    )(topv16, topi16, lse4, lp4, pred4)

    sc_v = sc_out[:, 0:4]
    sc_c = sc_out[:, 4:8].astype(jnp.int32)
    sc_b = sc_out[:, 8:12].astype(jnp.int32)

    outv = jnp.concatenate([tc_outv, sc_v], axis=0)
    outc = jnp.concatenate([tc_outc, sc_c], axis=0)
    outb = jnp.concatenate([tc_outb, sc_b], axis=0)
    return outv, outc, outb

# --- scband reference (transcript-rebuilt; emitter-appended) ---
"""Pipeline reference for scband-pointer-net-decoder-40973988004349 (READ-ONLY COPY).

The authoritative reference and input builder live on the scoring server;
editing this copy changes nothing except your own understanding.
"""

import jax, jax.numpy as jnp
import numpy as np

BEAM_SIZE = 4
EOS_IDX = 0
BATCH = 128
NUM_CLASSES = 32768


def setup_inputs(seed: int = 0) -> dict:
    key = jax.random.key(seed)
    k1, k2, k3 = jax.random.split(key, 3)
    class_log_probabilities = jax.random.normal(k1, (BATCH * BEAM_SIZE, NUM_CLASSES), dtype=jnp.float32)
    last_predictions = jax.random.randint(k2, (BATCH * BEAM_SIZE,), 0, NUM_CLASSES, dtype=jnp.int32)
    last_log_probabilities = jax.random.normal(k3, (BATCH, BEAM_SIZE), dtype=jnp.float32)
    return {
        "class_log_probabilities": class_log_probabilities,
        "last_predictions": last_predictions,
        "last_log_probabilities": last_log_probabilities,
    }


def reference(class_log_probabilities, last_predictions, last_log_probabilities):
    # One beam-search expansion step of PointerNetDecoder's BeamSearchHelper.search:
    # 1) normalize step logits to log-probs
    # 2) beams that already emitted EOS get a masked distribution (-inf everywhere,
    #    0 at eos) so they only continue with EOS ("log_probs_after_end")
    # 3) accumulate with running beam log-probs, flatten to (B, beam*C)
    # 4) top-k over the flattened candidate set; recover backpointers and classes
    B, beam = last_log_probabilities.shape
    C = class_log_probabilities.shape[1]
    logp = jax.nn.log_softmax(class_log_probabilities, axis=-1)
    log_probs_after_end = jnp.full((B * beam, C), -jnp.inf, dtype=logp.dtype)
    log_probs_after_end = log_probs_after_end.at[:, EOS_IDX].set(0.0)
    finished = (last_predictions == EOS_IDX)[:, None]
    cleaned_log_probabilities = jnp.where(finished, log_probs_after_end, logp)
    summed = last_log_probabilities.reshape(B * beam, 1) + cleaned_log_probabilities
    summed = summed.reshape(B, beam * C)
    top_log_probabilities, topk_idxs = jax.lax.top_k(summed, beam)
    backpointer = topk_idxs // C
    predicted_classes = topk_idxs % C
    return top_log_probabilities, predicted_classes, backpointer

if __name__ == "__main__":
    import jax
    _d = setup_inputs()
    print(jax.jit(kernel)(*tuple(_d.values())))

</pallas_src>

<mosaic_0001>
#map = affine_map<(d0, d1) -> (0, 0)>
module attributes {stable_mosaic.version = 14 : i64} {
  func.func @_sc_body(%arg0: i32, %arg1: i32, %arg2: memref<512x32768xf32, #tpu.memory_space<hbm>>, %arg3: memref<128x16xf32, #tpu.memory_space<hbm>>, %arg4: memref<32x16xf32, #tpu.memory_space<hbm>>, %arg5: memref<32768xf32, #tpu.memory_space<vmem>>, %arg6: memref<32768xf32, #tpu.memory_space<vmem>>, %arg7: memref<16xf32, #tpu.memory_space<vmem>>, %arg8: memref<16xf32, #tpu.memory_space<vmem>>, %arg9: memref<!tpu.dma_semaphore, #tpu.memory_space<semaphore_mem>>, %arg10: memref<!tpu.dma_semaphore, #tpu.memory_space<semaphore_mem>>) attributes {dimension_semantics = [#tpu.dimension_semantics<core_parallel>, #tpu.dimension_semantics<subcore_parallel>], iteration_bounds = array<i64: 2, 16>, scalar_prefetch = 0 : i64, scratch_operands = 6 : i64, tpu.core_type = #tpu.core_type<sc_vector_subcore>, window_params = [{transform_indices = #map}, {transform_indices = #map}, {transform_indices = #map}]} {
    %mul3A = arith.constant 2 : i32
    %mul3A_0 = arith.muli %arg1, %mul3A : i32
    %add3A = arith.addi %mul3A_0, %arg0 : i32
    %add3A_1 = arith.constant 96 : i32
    %add3A_2 = arith.addi %add3A_1, %add3A : i32
    %mul3A_3 = arith.constant 4 : i32
    %mul3A_4 = arith.muli %add3A_2, %mul3A_3 : i32
    "tpu.region"() ({
      %run_scoped3A = tpu.sem_alloc : memref<!tpu.dma_semaphore, #tpu.memory_space<semaphore_mem>>
      %dma_start3A_744 = arith.constant 0 : i32
      %dma_start3A_745 = tpu.memref_slice %arg3[%add3A_2, %dma_start3A_744] : memref<128x16xf32, #tpu.memory_space<hbm>> -> memref<1x16xf32, #tpu.memory_space<hbm>>
      %dma_start3A_746 = tpu.memref_squeeze %dma_start3A_745 : memref<1x16xf32, #tpu.memory_space<hbm>> -> memref<16xf32, #tpu.memory_space<hbm>>
      %dma_start3A_747 = arith.constant 0 : i32
      %dma_start3A_748 = tpu.memref_slice %arg3[%add3A_2, %dma_start3A_747] : memref<128x16xf32, #tpu.memory_space<hbm>> -> memref<1x16xf32, #tpu.memory_space<hbm>>
      %dma_start3A_749 = tpu.memref_squeeze %dma_start3A_748 : memref<1x16xf32, #tpu.memory_space<hbm>> -> memref<16xf32, #tpu.memory_space<hbm>>
      tpu.enqueue_dma source(%dma_start3A_749 : memref<16xf32, #tpu.memory_space<hbm>>) target(%arg7 : memref<16xf32, #tpu.memory_space<vmem>>) target_semaphore(%run_scoped3A : memref<!tpu.dma_semaphore, #tpu.memory_space<semaphore_mem>>)
      %dma_wait3A = arith.constant 0 : i32
      %dma_wait3A_750 = tpu.memref_slice %arg3[%add3A_2, %dma_wait3A] : memref<128x16xf32, #tpu.memory_space<hbm>> -> memref<1x16xf32, #tpu.memory_space<hbm>>
      %dma_wait3A_751 = tpu.memref_squeeze %dma_wait3A_750 : memref<1x16xf32, #tpu.memory_space<hbm>> -> memref<16xf32, #tpu.memory_space<hbm>>
      %dma_wait3A_752 = arith.constant 0 : i32
      %dma_wait3A_753 = tpu.memref_slice %arg3[%add3A_2, %dma_wait3A_752] : memref<128x16xf32, #tpu.memory_space<hbm>> -> memref<1x16xf32, #tpu.memory_space<hbm>>
      %dma_wait3A_754 = tpu.memref_squeeze %dma_wait3A_753 : memref<1x16xf32, #tpu.memory_space<hbm>> -> memref<16xf32, #tpu.memory_space<hbm>>
      tpu.wait_dma2 semaphore(%run_scoped3A : memref<!tpu.dma_semaphore, #tpu.memory_space<semaphore_mem>>) src(%dma_wait3A_754 : memref<16xf32, #tpu.memory_space<hbm>>) dst(%arg7 : memref<16xf32, #tpu.memory_space<vmem>>)
      tpu.yield
    }) : () -> ()
    %iota3A = tpu.iota {dimensions = array<i32: 0>} : vector<16xi32>
    %dma_start3A = arith.constant 0 : i32
    %dma_start3A_5 = tpu.memref_slice %arg2[%mul3A_4, %dma_start3A] : memref<512x32768xf32, #tpu.memory_space<hbm>> -> memref<1x32768xf32, #tpu.memory_space<hbm>>
    %dma_start3A_6 = tpu.memref_squeeze %dma_start3A_5 : memref<1x32768xf32, #tpu.memory_space<hbm>> -> memref<32768xf32, #tpu.memory_space<hbm>>
    %dma_start3A_7 = arith.constant 0 : i32
    %dma_start3A_8 = tpu.memref_slice %arg2[%mul3A_4, %dma_start3A_7] : memref<512x32768xf32, #tpu.memory_space<hbm>> -> memref<1x32768xf32, #tpu.memory_space<hbm>>
    %dma_start3A_9 = tpu.memref_squeeze %dma_start3A_8 : memref<1x32768xf32, #tpu.memory_space<hbm>> -> memref<32768xf32, #tpu.memory_space<hbm>>
    tpu.enqueue_dma source(%dma_start3A_9 : memref<32768xf32, #tpu.memory_space<hbm>>) target(%arg5 : memref<32768xf32, #tpu.memory_space<vmem>>) target_semaphore(%arg9 : memref<!tpu.dma_semaphore, #tpu.memory_space<semaphore_mem>>)
    %broadcast_in_dim3A = arith.constant 0.000000e+00 : f32
    %broadcast_in_dim3A_10 = vector.broadcast %broadcast_in_dim3A : f32 to vector<16xf32>
    %broadcast_in_dim3A_11 = arith.constant 0 : i32
    %broadcast_in_dim3A_12 = vector.broadcast %broadcast_in_dim3A_11 : i32 to vector<16xi32>
    %scan3A = arith.constant 0 : i32
    %scan3A_13 = arith.constant 2 : i32
    %scan3A_14 = arith.addi %scan3A, %scan3A_13 : i32
    %scan3A_15 = arith.constant 1 : i32
    %scan3A_16:9 = scf.for %scan3A_744 = %scan3A to %scan3A_14 step %scan3A_15 iter_args(%scan3A_745 = %broadcast_in_dim3A_10, %scan3A_746 = %broadcast_in_dim3A_10, %scan3A_747 = %broadcast_in_dim3A_10, %scan3A_748 = %broadcast_in_dim3A_10, %scan3A_749 = %broadcast_in_dim3A_10, %scan3A_750 = %broadcast_in_dim3A_12, %scan3A_751 = %broadcast_in_dim3A_12, %scan3A_752 = %broadcast_in_dim3A_12, %scan3A_753 = %broadcast_in_dim3A_12) -> (vector<16xf32>, vector<16xf32>, vector<16xf32>, vector<16xf32>, vector<16xf32>, vector<16xi32>, vector<16xi32>, vector<16xi32>, vector<16xi32>)  : i32 {
      %mul3A_754 = arith.constant 2 : i32
      %mul3A_755 = arith.muli %scan3A_744, %mul3A_754 : i32
      %add3A_756 = arith.constant 0 : i32
      %add3A_757 = arith.addi %mul3A_755, %add3A_756 : i32
      %add3A_758 = arith.addi %mul3A_4, %add3A_757 : i32
      %dma_wait3A = arith.constant 0 : i32
      %dma_wait3A_759 = tpu.memref_slice %arg2[%add3A_758, %dma_wait3A] : memref<512x32768xf32, #tpu.memory_space<hbm>> -> memref<1x32768xf32, #tpu.memory_space<hbm>>
      %dma_wait3A_760 = tpu.memref_squeeze %dma_wait3A_759 : memref<1x32768xf32, #tpu.memory_space<hbm>> -> memref<32768xf32, #tpu.memory_space<hbm>>
      %dma_wait3A_761 = arith.constant 0 : i32
      %dma_wait3A_762 = tpu.memref_slice %arg2[%add3A_758, %dma_wait3A_761] : memref<512x32768xf32, #tpu.memory_space<hbm>> -> memref<1x32768xf32, #tpu.memory_space<hbm>>
      %dma_wait3A_763 = tpu.memref_squeeze %dma_wait3A_762 : memref<1x32768xf32, #tpu.memory_space<hbm>> -> memref<32768xf32, #tpu.memory_space<hbm>>
      tpu.wait_dma2 semaphore(%arg9 : memref<!tpu.dma_semaphore, #tpu.memory_space<semaphore_mem>>) src(%dma_wait3A_763 : memref<32768xf32, #tpu.memory_space<hbm>>) dst(%arg5 : memref<32768xf32, #tpu.memory_space<vmem>>)
      %add3A_764 = arith.constant 1 : i32
      %add3A_765 = arith.addi %add3A_757, %add3A_764 : i32
      %lt3A_766 = arith.constant 4 : i32
      %lt3A_767 = arith.cmpi slt, %add3A_765, %lt3A_766 : i32
      %convert_element_type3A_768 = arith.extui %lt3A_767 : i1 to i32
      %cond3A = arith.constant 0 : i32
      %cond3A_769 = arith.cmpi ne, %convert_element_type3A_768, %cond3A : i32
      scf.if %cond3A_769 {
        %add3A_2097 = arith.addi %mul3A_4, %add3A_757 : i32
        %add3A_2098 = arith.constant 1 : i32
        %add3A_2099 = arith.addi %add3A_2097, %add3A_2098 : i32
        %dma_start3A_2100 = arith.constant 0 : i32
        %dma_start3A_2101 = tpu.memref_slice %arg2[%add3A_2099, %dma_start3A_2100] : memref<512x32768xf32, #tpu.memory_space<hbm>> -> memref<1x32768xf32, #tpu.memory_space<hbm>>
        %dma_start3A_2102 = tpu.memref_squeeze %dma_start3A_2101 : memref<1x32768xf32, #tpu.memory_space<hbm>> -> memref<32768xf32, #tpu.memory_space<hbm>>
        %dma_start3A_2103 = arith.constant 0 : i32
        %dma_start3A_2104 = tpu.memref_slice %arg2[%add3A_2099, %dma_start3A_2103] : memref<512x32768xf32, #tpu.memory_space<hbm>> -> memref<1x32768xf32, #tpu.memory_space<hbm>>
        %dma_start3A_2105 = tpu.memref_squeeze %dma_start3A_2104 : memref<1x32768xf32, #tpu.memory_space<hbm>> -> memref<32768xf32, #tpu.memory_space<hbm>>
        tpu.enqueue_dma source(%dma_start3A_2105 : memref<32768xf32, #tpu.memory_space<hbm>>) target(%arg6 : memref<32768xf32, #tpu.memory_space<vmem>>) target_semaphore(%arg10 : memref<!tpu.dma_semaphore, #tpu.memory_space<semaphore_mem>>)
      } else {
      }
      %iota3A_770 = tpu.iota {dimensions = array<i32: 0>} : vector<16xi32>
      %broadcast_in_dim3A_771 = arith.constant 0.000000e+00 : f32
      %broadcast_in_dim3A_772 = vector.broadcast %broadcast_in_dim3A_771 : f32 to vector<16xf32>
      %broadcast_in_dim3A_773 = arith.constant 0xFF800000 : f32
      %broadcast_in_dim3A_774 = vector.broadcast %broadcast_in_dim3A_773 : f32 to vector<16xf32>
      %broadcast_in_dim3A_775 = arith.constant 0 : i32
      %broadcast_in_dim3A_776 = vector.broadcast %broadcast_in_dim3A_775 : i32 to vector<16xi32>
      %scan3A_777 = arith.constant 0 : i32
      %scan3A_778 = arith.constant 2048 : i32
      %scan3A_779 = arith.addi %scan3A_777, %scan3A_778 : i32
      %scan3A_780 = arith.constant 4 : i32
      %scan3A_781:9 = scf.for %scan3A_2097 = %scan3A_777 to %scan3A_779 step %scan3A_780 iter_args(%scan3A_2098 = %broadcast_in_dim3A_772, %scan3A_2099 = %broadcast_in_dim3A_774, %scan3A_2100 = %broadcast_in_dim3A_774, %scan3A_2101 = %broadcast_in_dim3A_774, %scan3A_2102 = %broadcast_in_dim3A_774, %scan3A_2103 = %broadcast_in_dim3A_776, %scan3A_2104 = %broadcast_in_dim3A_776, %scan3A_2105 = %broadcast_in_dim3A_776, %scan3A_2106 = %broadcast_in_dim3A_776) -> (vector<16xf32>, vector<16xf32>, vector<16xf32>, vector<16xf32>, vector<16xf32>, vector<16xi32>, vector<16xi32>, vector<16xi32>, vector<16xi32>)  : i32 {
        %mul3A_2107 = arith.constant 16 : i32
        %mul3A_2108 = arith.muli %scan3A_2097, %mul3A_2107 : i32
        %get3A_2109 = arith.index_cast %mul3A_2108 : i32 to index
        %get3A_2110 = tpu.vector_load %arg5[%get3A_2109] {strides = array<i32>} : memref<32768xf32, #tpu.memory_space<vmem>>, vector<16xf32>,
        %get3A_2111 = vector.shape_cast %get3A_2110 : vector<16xf32> to vector<16xf32>
        %exp3A_2112 = math.exp %get3A_2111 : vector<16xf32>
        %add3A_2113 = arith.addf %scan3A_2098, %exp3A_2112 : vector<16xf32>
        %mul3A_2114 = arith.constant 16 : i32
        %mul3A_2115 = arith.muli %scan3A_2097, %mul3A_2114 : i32
        %add3A_2116 = vector.broadcast %mul3A_2115 : i32 to vector<16xi32>
        %add3A_2117 = arith.addi %add3A_2116, %iota3A_770 : vector<16xi32>
        %gt3A = arith.cmpf ogt, %get3A_2111, %scan3A_2099 : vector<16xf32>
        %gt3A_2118 = arith.cmpf ogt, %get3A_2111, %scan3A_2100 : vector<16xf32>
        %gt3A_2119 = arith.cmpf ogt, %get3A_2111, %scan3A_2101 : vector<16xf32>
        %gt3A_2120 = arith.cmpf ogt, %get3A_2111, %scan3A_2102 : vector<16xf32>
        %select_n3A_2121 = arith.select %gt3A_2120, %get3A_2111, %scan3A_2102 : vector<16xi1>, vector<16xf32>
        %select_n3A_2122 = arith.select %gt3A_2119, %scan3A_2101, %select_n3A_2121 : vector<16xi1>, vector<16xf32>
        %select_n3A_2123 = arith.select %gt3A_2120, %add3A_2117, %scan3A_2106 : vector<16xi1>, vector<16xi32>
        %select_n3A_2124 = arith.select %gt3A_2119, %scan3A_2105, %select_n3A_2123 : vector<16xi1>, vector<16xi32>
        %select_n3A_2125 = arith.select %gt3A_2119, %get3A_2111, %scan3A_2101 : vector<16xi1>, vector<16xf32>
        %select_n3A_2126 = arith.select %gt3A_2118, %scan3A_2100, %select_n3A_2125 : vector<16xi1>, vector<16xf32>
        %select_n3A_2127 = arith.select %gt3A_2119, %add3A_2117, %scan3A_2105 : vector<16xi1>, vector<16xi32>
        %select_n3A_2128 = arith.select %gt3A_2118, %scan3A_2104, %select_n3A_2127 : vector<16xi1>, vector<16xi32>
        %select_n3A_2129 = arith.select %gt3A_2118, %get3A_2111, %scan3A_2100 : vector<16xi1>, vector<16xf32>
        %select_n3A_2130 = arith.select %gt3A, %scan3A_2099, %select_n3A_2129 : vector<16xi1>, vector<16xf32>
        %select_n3A_2131 = arith.select %gt3A_2118, %add3A_2117, %scan3A_2104 : vector<16xi1>, vector<16xi32>
        %select_n3A_2132 = arith.select %gt3A, %scan3A_2103, %select_n3A_2131 : vector<16xi1>, vector<16xi32>
        %select_n3A_2133 = arith.select %gt3A, %get3A_2111, %scan3A_2099 : vector<16xi1>, vector<16xf32>
        %select_n3A_2134 = arith.select %gt3A, %add3A_2117, %scan3A_2103 : vector<16xi1>, vector<16xi32>
        %scan3A_2135 = arith.constant 1 : i32
        %scan3A_2136 = arith.addi %scan3A_2097, %scan3A_2135 : i32
        %mul3A_2137 = arith.constant 16 : i32
        %mul3A_2138 = arith.muli %scan3A_2136, %mul3A_2137 : i32
        %get3A_2139 = arith.index_cast %mul3A_2138 : i32 to index
        %get3A_2140 = tpu.vector_load %arg5[%get3A_2139] {strides = array<i32>} : memref<32768xf32, #tpu.memory_space<vmem>>, vector<16xf32>,
        %get3A_2141 = vector.shape_cast %get3A_2140 : vector<16xf32> to vector<16xf32>
        %exp3A_2142 = math.exp %get3A_2141 : vector<16xf32>
        %add3A_2143 = arith.addf %add3A_2113, %exp3A_2142 : vector<16xf32>
        %mul3A_2144 = arith.constant 16 : i32
        %mul3A_2145 = arith.muli %scan3A_2136, %mul3A_2144 : i32
        %add3A_2146 = vector.broadcast %mul3A_2145 : i32 to vector<16xi32>
        %add3A_2147 = arith.addi %add3A_2146, %iota3A_770 : vector<16xi32>
        %gt3A_2148 = arith.cmpf ogt, %get3A_2141, %select_n3A_2133 : vector<16xf32>
        %gt3A_2149 = arith.cmpf ogt, %get3A_2141, %select_n3A_2130 : vector<16xf32>
        %gt3A_2150 = arith.cmpf ogt, %get3A_2141, %select_n3A_2126 : vector<16xf32>
        %gt3A_2151 = arith.cmpf ogt, %get3A_2141, %select_n3A_2122 : vector<16xf32>
        %select_n3A_2152 = arith.select %gt3A_2151, %get3A_2141, %select_n3A_2122 : vector<16xi1>, vector<16xf32>
        %select_n3A_2153 = arith.select %gt3A_2150, %select_n3A_2126, %select_n3A_2152 : vector<16xi1>, vector<16xf32>
        %select_n3A_2154 = arith.select %gt3A_2151, %add3A_2147, %select_n3A_2124 : vector<16xi1>, vector<16xi32>
        %select_n3A_2155 = arith.select %gt3A_2150, %select_n3A_2128, %select_n3A_2154 : vector<16xi1>, vector<16xi32>
        %select_n3A_2156 = arith.select %gt3A_2150, %get3A_2141, %select_n3A_2126 : vector<16xi1>, vector<16xf32>
        %select_n3A_2157 = arith.select %gt3A_2149, %select_n3A_2130, %select_n3A_2156 : vector<16xi1>, vector<16xf32>
        %select_n3A_2158 = arith.select %gt3A_2150, %add3A_2147, %select_n3A_2128 : vector<16xi1>, vector<16xi32>
        %select_n3A_2159 = arith.select %gt3A_2149, %select_n3A_2132, %select_n3A_2158 : vector<16xi1>, vector<16xi32>
        %select_n3A_2160 = arith.select %gt3A_2149, %get3A_2141, %select_n3A_2130 : vector<16xi1>, vector<16xf32>
        %select_n3A_2161 = arith.select %gt3A_2148, %select_n3A_2133, %select_n3A_2160 : vector<16xi1>, vector<16xf32>
        %select_n3A_2162 = arith.select %gt3A_2149, %add3A_2147, %select_n3A_2132 : vector<16xi1>, vector<16xi32>
        %select_n3A_2163 = arith.select %gt3A_2148, %select_n3A_2134, %select_n3A_2162 : vector<16xi1>, vector<16xi32>
        %select_n3A_2164 = arith.select %gt3A_2148, %get3A_2141, %select_n3A_2133 : vector<16xi1>, vector<16xf32>
        %select_n3A_2165 = arith.select %gt3A_2148, %add3A_2147, %select_n3A_2134 : vector<16xi1>, vector<16xi32>
        %scan3A_2166 = arith.constant 2 : i32
        %scan3A_2167 = arith.addi %scan3A_2097, %scan3A_2166 : i32
        %mul3A_2168 = arith.constant 16 : i32
        %mul3A_2169 = arith.muli %scan3A_2167, %mul3A_2168 : i32
        %get3A_2170 = arith.index_cast %mul3A_2169 : i32 to index
        %get3A_2171 = tpu.vector_load %arg5[%get3A_2170] {strides = array<i32>} : memref<32768xf32, #tpu.memory_space<vmem>>, vector<16xf32>,
        %get3A_2172 = vector.shape_cast %get3A_2171 : vector<16xf32> to vector<16xf32>
        %exp3A_2173 = math.exp %get3A_2172 : vector<16xf32>
        %add3A_2174 = arith.addf %add3A_2143, %exp3A_2173 : vector<16xf32>
        %mul3A_2175 = arith.constant 16 : i32
        %mul3A_2176 = arith.muli %scan3A_2167, %mul3A_2175 : i32
        %add3A_2177 = vector.broadcast %mul3A_2176 : i32 to vector<16xi32>
        %add3A_2178 = arith.addi %add3A_2177, %iota3A_770 : vector<16xi32>
        %gt3A_2179 = arith.cmpf ogt, %get3A_2172, %select_n3A_2164 : vector<16xf32>
        %gt3A_2180 = arith.cmpf ogt, %get3A_2172, %select_n3A_2161 : vector<16xf32>
        %gt3A_2181 = arith.cmpf ogt, %get3A_2172, %select_n3A_2157 : vector<16xf32>
        %gt3A_2182 = arith.cmpf ogt, %get3A_2172, %select_n3A_2153 : vector<16xf32>
        %select_n3A_2183 = arith.select %gt3A_2182, %get3A_2172, %select_n3A_2153 : vector<16xi1>, vector<16xf32>
        %select_n3A_2184 = arith.select %gt3A_2181, %select_n3A_2157, %select_n3A_2183 : vector<16xi1>, vector<16xf32>
        %select_n3A_2185 = arith.select %gt3A_2182, %add3A_2178, %select_n3A_2155 : vector<16xi1>, vector<16xi32>
        %select_n3A_2186 = arith.select %gt3A_2181, %select_n3A_2159, %select_n3A_2185 : vector<16xi1>, vector<16xi32>
        %select_n3A_2187 = arith.select %gt3A_2181, %get3A_2172, %select_n3A_2157 : vector<16xi1>, vector<16xf32>
        %select_n3A_2188 = arith.select %gt3A_2180, %select_n3A_2161, %select_n3A_2187 : vector<16xi1>, vector<16xf32>
        %select_n3A_2189 = arith.select %gt3A_2181, %add3A_2178, %select_n3A_2159 : vector<16xi1>, vector<16xi32>
        %select_n3A_2190 = arith.select %gt3A_2180, %select_n3A_2163, %select_n3A_2189 : vector<16xi1>, vector<16xi32>
        %select_n3A_2191 = arith.select %gt3A_2180, %get3A_2172, %select_n3A_2161 : vector<16xi1>, vector<16xf32>
        %select_n3A_2192 = arith.select %gt3A_2179, %select_n3A_2164, %select_n3A_2191 : vector<16xi1>, vector<16xf32>
        %select_n3A_2193 = arith.select %gt3A_2180, %add3A_2178, %select_n3A_2163 : vector<16xi1>, vector<16xi32>
        %select_n3A_2194 = arith.select %gt3A_2179, %select_n3A_2165, %select_n3A_2193 : vector<16xi1>, vector<16xi32>
        %select_n3A_2195 = arith.select %gt3A_2179, %get3A_2172, %select_n3A_2164 : vector<16xi1>, vector<16xf32>
        %select_n3A_2196 = arith.select %gt3A_2179, %add3A_2178, %select_n3A_2165 : vector<16xi1>, vector<16xi32>
        %scan3A_2197 = arith.constant 3 : i32
        %scan3A_2198 = arith.addi %scan3A_2097, %scan3A_2197 : i32
        %mul3A_2199 = arith.constant 16 : i32
        %mul3A_2200 = arith.muli %scan3A_2198, %mul3A_2199 : i32
        %get3A_2201 = arith.index_cast %mul3A_2200 : i32 to index
        %get3A_2202 = tpu.vector_load %arg5[%get3A_2201] {strides = array<i32>} : memref<32768xf32, #tpu.memory_space<vmem>>, vector<16xf32>,
        %get3A_2203 = vector.shape_cast %get3A_2202 : vector<16xf32> to vector<16xf32>
        %exp3A_2204 = math.exp %get3A_2203 : vector<16xf32>
        %add3A_2205 = arith.addf %add3A_2174, %exp3A_2204 : vector<16xf32>
        %mul3A_2206 = arith.constant 16 : i32
        %mul3A_2207 = arith.muli %scan3A_2198, %mul3A_2206 : i32
        %add3A_2208 = vector.broadcast %mul3A_2207 : i32 to vector<16xi32>
        %add3A_2209 = arith.addi %add3A_2208, %iota3A_770 : vector<16xi32>
        %gt3A_2210 = arith.cmpf ogt, %get3A_2203, %select_n3A_2195 : vector<16xf32>
        %gt3A_2211 = arith.cmpf ogt, %get3A_2203, %select_n3A_2192 : vector<16xf32>
        %gt3A_2212 = arith.cmpf ogt, %get3A_2203, %select_n3A_2188 : vector<16xf32>
        %gt3A_2213 = arith.cmpf ogt, %get3A_2203, %select_n3A_2184 : vector<16xf32>
        %select_n3A_2214 = arith.select %gt3A_2213, %get3A_2203, %select_n3A_2184 : vector<16xi1>, vector<16xf32>
        %select_n3A_2215 = arith.select %gt3A_2212, %select_n3A_2188, %select_n3A_2214 : vector<16xi1>, vector<16xf32>
        %select_n3A_2216 = arith.select %gt3A_2213, %add3A_2209, %select_n3A_2186 : vector<16xi1>, vector<16xi32>
        %select_n3A_2217 = arith.select %gt3A_2212, %select_n3A_2190, %select_n3A_2216 : vector<16xi1>, vector<16xi32>
        %select_n3A_2218 = arith.select %gt3A_2212, %get3A_2203, %select_n3A_2188 : vector<16xi1>, vector<16xf32>
        %select_n3A_2219 = arith.select %gt3A_2211, %select_n3A_2192, %select_n3A_2218 : vector<16xi1>, vector<16xf32>
        %select_n3A_2220 = arith.select %gt3A_2212, %add3A_2209, %select_n3A_2190 : vector<16xi1>, vector<16xi32>
        %select_n3A_2221 = arith.select %gt3A_2211, %select_n3A_2194, %select_n3A_2220 : vector<16xi1>, vector<16xi32>
        %select_n3A_2222 = arith.select %gt3A_2211, %get3A_2203, %select_n3A_2192 : vector<16xi1>, vector<16xf32>
        %select_n3A_2223 = arith.select %gt3A_2210, %select_n3A_2195, %select_n3A_2222 : vector<16xi1>, vector<16xf32>
        %select_n3A_2224 = arith.select %gt3A_2211, %add3A_2209, %select_n3A_2194 : vector<16xi1>, vector<16xi32>
        %select_n3A_2225 = arith.select %gt3A_2210, %select_n3A_2196, %select_n3A_2224 : vector<16xi1>, vector<16xi32>
        %select_n3A_2226 = arith.select %gt3A_2210, %get3A_2203, %select_n3A_2195 : vector<16xi1>, vector<16xf32>
        %select_n3A_2227 = arith.select %gt3A_2210, %add3A_2209, %select_n3A_2196 : vector<16xi1>, vector<16xi32>
        scf.yield %add3A_2205, %select_n3A_2226, %select_n3A_2223, %select_n3A_2219, %select_n3A_2215, %select_n3A_2227, %select_n3A_2225, %select_n3A_2221, %select_n3A_2217 : vector<16xf32>, vector<16xf32>, vector<16xf32>, vector<16xf32>, vector<16xf32>, vector<16xi32>, vector<16xi32>, vector<16xi32>, vector<16xi32>
      }
      %scan3A_782 = arith.constant 2048 : i32
      %iota3A_783 = tpu.iota {dimensions = array<i32: 0>} : vector<16xi32>
      %xor3A_784 = arith.constant 1 : i32
      %xor3A_785 = vector.broadcast %xor3A_784 : i32 to vector<16xi32>
      %xor3A_786 = arith.xori %iota3A_783, %xor3A_785 : vector<16xi32>
      %lt3A_787 = arith.constant 0 : i32
      %lt3A_788 = vector.broadcast %lt3A_787 : i32 to vector<16xi32>
      %lt3A_789 = arith.cmpi slt, %xor3A_786, %lt3A_788 : vector<16xi32>
      %add3A_790 = arith.constant 16 : i32
      %add3A_791 = vector.broadcast %add3A_790 : i32 to vector<16xi32>
      %add3A_792 = arith.addi %xor3A_786, %add3A_791 : vector<16xi32>
      %select_n3A_793 = arith.select %lt3A_789, %add3A_792, %xor3A_786 : vector<16xi1>, vector<16xi32>
      %broadcast_in_dim3A_794 = vector.shape_cast %select_n3A_793 : vector<16xi32> to vector<16x1xi32>
      %gather3A_795 = vector.shape_cast %broadcast_in_dim3A_794 : vector<16x1xi32> to vector<16xi32>
      %gather3A_796 = tpu.dynamic_gather %scan3A_781#0[%gather3A_795] in [0] : vector<16xf32>, vector<16xi32> -> vector<16xf32>
      %add3A_797 = arith.addf %scan3A_781#0, %gather3A_796 : vector<16xf32>
      %xor3A_798 = arith.constant 2 : i32
      %xor3A_799 = vector.broadcast %xor3A_798 : i32 to vector<16xi32>
      %xor3A_800 = arith.xori %iota3A_783, %xor3A_799 : vector<16xi32>
      %lt3A_801 = arith.constant 0 : i32
      %lt3A_802 = vector.broadcast %lt3A_801 : i32 to vector<16xi32>
      %lt3A_803 = arith.cmpi slt, %xor3A_800, %lt3A_802 : vector<16xi32>
      %add3A_804 = arith.constant 16 : i32
      %add3A_805 = vector.broadcast %add3A_804 : i32 to vector<16xi32>
      %add3A_806 = arith.addi %xor3A_800, %add3A_805 : vector<16xi32>
      %select_n3A_807 = arith.select %lt3A_803, %add3A_806, %xor3A_800 : vector<16xi1>, vector<16xi32>
      %broadcast_in_dim3A_808 = vector.shape_cast %select_n3A_807 : vector<16xi32> to vector<16x1xi32>
      %gather3A_809 = vector.shape_cast %broadcast_in_dim3A_808 : vector<16x1xi32> to vector<16xi32>
      %gather3A_810 = tpu.dynamic_gather %add3A_797[%gather3A_809] in [0] : vector<16xf32>, vector<16xi32> -> vector<16xf32>
      %add3A_811 = arith.addf %add3A_797, %gather3A_810 : vector<16xf32>
      %xor3A_812 = arith.constant 4 : i32
      %xor3A_813 = vector.broadcast %xor3A_812 : i32 to vector<16xi32>
      %xor3A_814 = arith.xori %iota3A_783, %xor3A_813 : vector<16xi32>
      %lt3A_815 = arith.constant 0 : i32
      %lt3A_816 = vector.broadcast %lt3A_815 : i32 to vector<16xi32>
      %lt3A_817 = arith.cmpi slt, %xor3A_814, %lt3A_816 : vector<16xi32>
      %add3A_818 = arith.constant 16 : i32
      %add3A_819 = vector.broadcast %add3A_818 : i32 to vector<16xi32>
      %add3A_820 = arith.addi %xor3A_814, %add3A_819 : vector<16xi32>
      %select_n3A_821 = arith.select %lt3A_817, %add3A_820, %xor3A_814 : vector<16xi1>, vector<16xi32>
      %broadcast_in_dim3A_822 = vector.shape_cast %select_n3A_821 : vector<16xi32> to vector<16x1xi32>
      %gather3A_823 = vector.shape_cast %broadcast_in_dim3A_822 : vector<16x1xi32> to vector<16xi32>
      %gather3A_824 = tpu.dynamic_gather %add3A_811[%gather3A_823] in [0] : vector<16xf32>, vector<16xi32> -> vector<16xf32>
      %add3A_825 = arith.addf %add3A_811, %gather3A_824 : vector<16xf32>
      %xor3A_826 = arith.constant 8 : i32
      %xor3A_827 = vector.broadcast %xor3A_826 : i32 to vector<16xi32>
      %xor3A_828 = arith.xori %iota3A_783, %xor3A_827 : vector<16xi32>
      %lt3A_829 = arith.constant 0 : i32
      %lt3A_830 = vector.broadcast %lt3A_829 : i32 to vector<16xi32>
      %lt3A_831 = arith.cmpi slt, %xor3A_828, %lt3A_830 : vector<16xi32>
      %add3A_832 = arith.constant 16 : i32
      %add3A_833 = vector.broadcast %add3A_832 : i32 to vector<16xi32>
      %add3A_834 = arith.addi %xor3A_828, %add3A_833 : vector<16xi32>
      %select_n3A_835 = arith.select %lt3A_831, %add3A_834, %xor3A_828 : vector<16xi1>, vector<16xi32>
      %broadcast_in_dim3A_836 = vector.shape_cast %select_n3A_835 : vector<16xi32> to vector<16x1xi32>
      %gather3A_837 = vector.shape_cast %broadcast_in_dim3A_836 : vector<16x1xi32> to vector<16xi32>
      %gather3A_838 = tpu.dynamic_gather %add3A_825[%gather3A_837] in [0] : vector<16xf32>, vector<16xi32> -> vector<16xf32>
      %add3A_839 = arith.addf %add3A_825, %gather3A_838 : vector<16xf32>
      %bitcast_convert_type3A = tpu.bitcast %add3A_839 : vector<16xf32> -> vector<16xi32>
      %shift_right_arithmetic3A_840 = arith.constant 23 : i32
      %shift_right_arithmetic3A_841 = vector.broadcast %shift_right_arithmetic3A_840 : i32 to vector<16xi32>
      %shift_right_arithmetic3A_842 = arith.shrsi %bitcast_convert_type3A, %shift_right_arithmetic3A_841 : vector<16xi32>
      %and3A_843 = arith.constant 255 : i32
      %and3A_844 = vector.broadcast %and3A_843 : i32 to vector<16xi32>
      %and3A_845 = arith.andi %shift_right_arithmetic3A_842, %and3A_844 : vector<16xi32>
      %sub3A_846 = arith.constant 127 : i32
      %sub3A_847 = vector.broadcast %sub3A_846 : i32 to vector<16xi32>
      %sub3A_848 = arith.subi %and3A_845, %sub3A_847 : vector<16xi32>
      %and3A_849 = arith.constant 8388607 : i32
      %and3A_850 = vector.broadcast %and3A_849 : i32 to vector<16xi32>
      %and3A_851 = arith.andi %bitcast_convert_type3A, %and3A_850 : vector<16xi32>
      %or3A_852 = arith.constant 1065353216 : i32
      %or3A_853 = vector.broadcast %or3A_852 : i32 to vector<16xi32>
      %or3A_854 = arith.ori %and3A_851, %or3A_853 : vector<16xi32>
      %bitcast_convert_type3A_855 = tpu.bitcast %or3A_854 : vector<16xi32> -> vector<16xf32>
      %sub3A_856 = arith.constant 1.000000e+00 : f32
      %sub3A_857 = vector.broadcast %sub3A_856 : f32 to vector<16xf32>
      %sub3A_858 = arith.subf %bitcast_convert_type3A_855, %sub3A_857 : vector<16xf32>
      %convert_element_type3A_859 = arith.sitofp %sub3A_848 : vector<16xi32> to vector<16xf32>
      %mul3A_860 = arith.constant 0.693147182 : f32
      %mul3A_861 = vector.broadcast %mul3A_860 : f32 to vector<16xf32>
      %mul3A_862 = arith.mulf %convert_element_type3A_859, %mul3A_861 : vector<16xf32>
      %mul3A_863 = arith.constant 0.333333343 : f32
      %mul3A_864 = vector.broadcast %mul3A_863 : f32 to vector<16xf32>
      %mul3A_865 = arith.mulf %sub3A_858, %mul3A_864 : vector<16xf32>
      %add3A_866 = arith.constant -5.000000e-01 : f32
      %add3A_867 = vector.broadcast %add3A_866 : f32 to vector<16xf32>
      %add3A_868 = arith.addf %add3A_867, %mul3A_865 : vector<16xf32>
      %mul3A_869 = arith.mulf %sub3A_858, %add3A_868 : vector<16xf32>
      %add3A_870 = arith.constant 1.000000e+00 : f32
      %add3A_871 = vector.broadcast %add3A_870 : f32 to vector<16xf32>
      %add3A_872 = arith.addf %add3A_871, %mul3A_869 : vector<16xf32>
      %mul3A_873 = arith.mulf %sub3A_858, %add3A_872 : vector<16xf32>
      %add3A_874 = arith.addf %mul3A_862, %mul3A_873 : vector<16xf32>
      %neg3A = arith.constant 0.000000e+00 : f32
      %neg3A_875 = vector.broadcast %neg3A : f32 to vector<16xf32>
      %neg3A_876 = arith.subf %neg3A_875, %add3A_874 : vector<16xf32>
      %exp3A = math.exp %neg3A_876 : vector<16xf32>
      %mul3A_877 = arith.mulf %add3A_839, %exp3A : vector<16xf32>
      %add3A_878 = arith.addf %add3A_874, %mul3A_877 : vector<16xf32>
      %sub3A_879 = arith.constant 1.000000e+00 : f32
      %sub3A_880 = vector.broadcast %sub3A_879 : f32 to vector<16xf32>
      %sub3A_881 = arith.subf %add3A_878, %sub3A_880 : vector<16xf32>
      %neg3A_882 = arith.constant 0.000000e+00 : f32
      %neg3A_883 = vector.broadcast %neg3A_882 : f32 to vector<16xf32>
      %neg3A_884 = arith.subf %neg3A_883, %sub3A_881 : vector<16xf32>
      %exp3A_885 = math.exp %neg3A_884 : vector<16xf32>
      %mul3A_886 = arith.mulf %add3A_839, %exp3A_885 : vector<16xf32>
      %add3A_887 = arith.addf %sub3A_881, %mul3A_886 : vector<16xf32>
      %sub3A_888 = arith.constant 1.000000e+00 : f32
      %sub3A_889 = vector.broadcast %sub3A_888 : f32 to vector<16xf32>
      %sub3A_890 = arith.subf %add3A_887, %sub3A_889 : vector<16xf32>
      %neg3A_891 = arith.constant 0.000000e+00 : f32
      %neg3A_892 = vector.broadcast %neg3A_891 : f32 to vector<16xf32>
      %neg3A_893 = arith.subf %neg3A_892, %sub3A_890 : vector<16xf32>
      %exp3A_894 = math.exp %neg3A_893 : vector<16xf32>
      %mul3A_895 = arith.mulf %add3A_839, %exp3A_894 : vector<16xf32>
      %add3A_896 = arith.addf %sub3A_890, %mul3A_895 : vector<16xf32>
      %sub3A_897 = arith.constant 1.000000e+00 : f32
      %sub3A_898 = vector.broadcast %sub3A_897 : f32 to vector<16xf32>
      %sub3A_899 = arith.subf %add3A_896, %sub3A_898 : vector<16xf32>
      %eq3A_900 = vector.broadcast %add3A_757 : i32 to vector<16xi32>
      %eq3A_901 = arith.cmpi eq, %iota3A_770, %eq3A_900 : vector<16xi32>
      %select_n3A_902 = arith.select %eq3A_901, %sub3A_899, %scan3A_745 : vector<16xi1>, vector<16xf32>
      %iota3A_903 = tpu.iota {dimensions = array<i32: 0>} : vector<16xi32>
      %xor3A_904 = arith.constant 1 : i32
      %xor3A_905 = vector.broadcast %xor3A_904 : i32 to vector<16xi32>
      %xor3A_906 = arith.xori %iota3A_903, %xor3A_905 : vector<16xi32>
      %lt3A_907 = arith.constant 0 : i32
      %lt3A_908 = vector.broadcast %lt3A_907 : i32 to vector<16xi32>
      %lt3A_909 = arith.cmpi slt, %xor3A_906, %lt3A_908 : vector<16xi32>
      %add3A_910 = arith.constant 16 : i32
      %add3A_911 = vector.broadcast %add3A_910 : i32 to vector<16xi32>
      %add3A_912 = arith.addi %xor3A_906, %add3A_911 : vector<16xi32>
      %select_n3A_913 = arith.select %lt3A_909, %add3A_912, %xor3A_906 : vector<16xi1>, vector<16xi32>
      %broadcast_in_dim3A_914 = vector.shape_cast %select_n3A_913 : vector<16xi32> to vector<16x1xi32>
      %gather3A_915 = vector.shape_cast %broadcast_in_dim3A_914 : vector<16x1xi32> to vector<16xi32>
      %gather3A_916 = tpu.dynamic_gather %scan3A_781#1[%gather3A_915] in [0] : vector<16xf32>, vector<16xi32> -> vector<16xf32>
      %max3A_917 = arith.maximumf %scan3A_781#1, %gather3A_916 : vector<16xf32>
      %xor3A_918 = arith.constant 2 : i32
      %xor3A_919 = vector.broadcast %xor3A_918 : i32 to vector<16xi32>
      %xor3A_920 = arith.xori %iota3A_903, %xor3A_919 : vector<16xi32>
      %lt3A_921 = arith.constant 0 : i32
      %lt3A_922 = vector.broadcast %lt3A_921 : i32 to vector<16xi32>
      %lt3A_923 = arith.cmpi slt, %xor3A_920, %lt3A_922 : vector<16xi32>
      %add3A_924 = arith.constant 16 : i32
      %add3A_925 = vector.broadcast %add3A_924 : i32 to vector<16xi32>
      %add3A_926 = arith.addi %xor3A_920, %add3A_925 : vector<16xi32>
      %select_n3A_927 = arith.select %lt3A_923, %add3A_926, %xor3A_920 : vector<16xi1>, vector<16xi32>
      %broadcast_in_dim3A_928 = vector.shape_cast %select_n3A_927 : vector<16xi32> to vector<16x1xi32>
      %gather3A_929 = vector.shape_cast %broadcast_in_dim3A_928 : vector<16x1xi32> to vector<16xi32>
      %gather3A_930 = tpu.dynamic_gather %max3A_917[%gather3A_929] in [0] : vector<16xf32>, vector<16xi32> -> vector<16xf32>
      %max3A_931 = arith.maximumf %max3A_917, %gather3A_930 : vector<16xf32>
      %xor3A_932 = arith.constant 4 : i32
      %xor3A_933 = vector.broadcast %xor3A_932 : i32 to vector<16xi32>
      %xor3A_934 = arith.xori %iota3A_903, %xor3A_933 : vector<16xi32>
      %lt3A_935 = arith.constant 0 : i32
      %lt3A_936 = vector.broadcast %lt3A_935 : i32 to vector<16xi32>
      %lt3A_937 = arith.cmpi slt, %xor3A_934, %lt3A_936 : vector<16xi32>
      %add3A_938 = arith.constant 16 : i32
      %add3A_939 = vector.broadcast %add3A_938 : i32 to vector<16xi32>
      %add3A_940 = arith.addi %xor3A_934, %add3A_939 : vector<16xi32>
      %select_n3A_941 = arith.select %lt3A_937, %add3A_940, %xor3A_934 : vector<16xi1>, vector<16xi32>
      %broadcast_in_dim3A_942 = vector.shape_cast %select_n3A_941 : vector<16xi32> to vector<16x1xi32>
      %gather3A_943 = vector.shape_cast %broadcast_in_dim3A_942 : vector<16x1xi32> to vector<16xi32>
      %gather3A_944 = tpu.dynamic_gather %max3A_931[%gather3A_943] in [0] : vector<16xf32>, vector<16xi32> -> vector<16xf32>
      %max3A_945 = arith.maximumf %max3A_931, %gather3A_944 : vector<16xf32>
      %xor3A_946 = arith.constant 8 : i32
      %xor3A_947 = vector.broadcast %xor3A_946 : i32 to vector<16xi32>
      %xor3A_948 = arith.xori %iota3A_903, %xor3A_947 : vector<16xi32>
      %lt3A_949 = arith.constant 0 : i32
      %lt3A_950 = vector.broadcast %lt3A_949 : i32 to vector<16xi32>
      %lt3A_951 = arith.cmpi slt, %xor3A_948, %lt3A_950 : vector<16xi32>
      %add3A_952 = arith.constant 16 : i32
      %add3A_953 = vector.broadcast %add3A_952 : i32 to vector<16xi32>
      %add3A_954 = arith.addi %xor3A_948, %add3A_953 : vector<16xi32>
      %select_n3A_955 = arith.select %lt3A_951, %add3A_954, %xor3A_948 : vector<16xi1>, vector<16xi32>
      %broadcast_in_dim3A_956 = vector.shape_cast %select_n3A_955 : vector<16xi32> to vector<16x1xi32>
      %gather3A_957 = vector.shape_cast %broadcast_in_dim3A_956 : vector<16x1xi32> to vector<16xi32>
      %gather3A_958 = tpu.dynamic_gather %max3A_945[%gather3A_957] in [0] : vector<16xf32>, vector<16xi32> -> vector<16xf32>
      %max3A_959 = arith.maximumf %max3A_945, %gather3A_958 : vector<16xf32>
      %eq3A_960 = arith.cmpf oeq, %scan3A_781#1, %max3A_959 : vector<16xf32>
      %jit3A_961 = arith.constant 32768 : i32
      %broadcast_in_dim3A_962 = vector.broadcast %jit3A_961 : i32 to vector<16xi32>
      %select_n3A_963 = arith.select %eq3A_960, %scan3A_781#5, %broadcast_in_dim3A_962 : vector<16xi1>, vector<16xi32>
      %iota3A_964 = tpu.iota {dimensions = array<i32: 0>} : vector<16xi32>
      %xor3A_965 = arith.constant 1 : i32
      %xor3A_966 = vector.broadcast %xor3A_965 : i32 to vector<16xi32>
      %xor3A_967 = arith.xori %iota3A_964, %xor3A_966 : vector<16xi32>
      %lt3A_968 = arith.constant 0 : i32
      %lt3A_969 = vector.broadcast %lt3A_968 : i32 to vector<16xi32>
      %lt3A_970 = arith.cmpi slt, %xor3A_967, %lt3A_969 : vector<16xi32>
      %add3A_971 = arith.constant 16 : i32
      %add3A_972 = vector.broadcast %add3A_971 : i32 to vector<16xi32>
      %add3A_973 = arith.addi %xor3A_967, %add3A_972 : vector<16xi32>
      %select_n3A_974 = arith.select %lt3A_970, %add3A_973, %xor3A_967 : vector<16xi1>, vector<16xi32>
      %broadcast_in_dim3A_975 = vector.shape_cast %select_n3A_974 : vector<16xi32> to vector<16x1xi32>
      %gather3A_976 = vector.shape_cast %broadcast_in_dim3A_975 : vector<16x1xi32> to vector<16xi32>
      %gather3A_977 = tpu.dynamic_gather %select_n3A_963[%gather3A_976] in [0] : vector<16xi32>, vector<16xi32> -> vector<16xi32>
      %min3A_978 = arith.minsi %select_n3A_963, %gather3A_977 : vector<16xi32>
      %xor3A_979 = arith.constant 2 : i32
      %xor3A_980 = vector.broadcast %xor3A_979 : i32 to vector<16xi32>
      %xor3A_981 = arith.xori %iota3A_964, %xor3A_980 : vector<16xi32>
      %lt3A_982 = arith.constant 0 : i32
      %lt3A_983 = vector.broadcast %lt3A_982 : i32 to vector<16xi32>
      %lt3A_984 = arith.cmpi slt, %xor3A_981, %lt3A_983 : vector<16xi32>
      %add3A_985 = arith.constant 16 : i32
      %add3A_986 = vector.broadcast %add3A_985 : i32 to vector<16xi32>
      %add3A_987 = arith.addi %xor3A_981, %add3A_986 : vector<16xi32>
      %select_n3A_988 = arith.select %lt3A_984, %add3A_987, %xor3A_981 : vector<16xi1>, vector<16xi32>
      %broadcast_in_dim3A_989 = vector.shape_cast %select_n3A_988 : vector<16xi32> to vector<16x1xi32>
      %gather3A_990 = vector.shape_cast %broadcast_in_dim3A_989 : vector<16x1xi32> to vector<16xi32>
      %gather3A_991 = tpu.dynamic_gather %min3A_978[%gather3A_990] in [0] : vector<16xi32>, vector<16xi32> -> vector<16xi32>
      %min3A_992 = arith.minsi %min3A_978, %gather3A_991 : vector<16xi32>
      %xor3A_993 = arith.constant 4 : i32
      %xor3A_994 = vector.broadcast %xor3A_993 : i32 to vector<16xi32>
      %xor3A_995 = arith.xori %iota3A_964, %xor3A_994 : vector<16xi32>
      %lt3A_996 = arith.constant 0 : i32
      %lt3A_997 = vector.broadcast %lt3A_996 : i32 to vector<16xi32>
      %lt3A_998 = arith.cmpi slt, %xor3A_995, %lt3A_997 : vector<16xi32>
      %add3A_999 = arith.constant 16 : i32
      %add3A_1000 = vector.broadcast %add3A_999 : i32 to vector<16xi32>
      %add3A_1001 = arith.addi %xor3A_995, %add3A_1000 : vector<16xi32>
      %select_n3A_1002 = arith.select %lt3A_998, %add3A_1001, %xor3A_995 : vector<16xi1>, vector<16xi32>
      %broadcast_in_dim3A_1003 = vector.shape_cast %select_n3A_1002 : vector<16xi32> to vector<16x1xi32>
      %gather3A_1004 = vector.shape_cast %broadcast_in_dim3A_1003 : vector<16x1xi32> to vector<16xi32>
      %gather3A_1005 = tpu.dynamic_gather %min3A_992[%gather3A_1004] in [0] : vector<16xi32>, vector<16xi32> -> vector<16xi32>
      %min3A_1006 = arith.minsi %min3A_992, %gather3A_1005 : vector<16xi32>
      %xor3A_1007 = arith.constant 8 : i32
      %xor3A_1008 = vector.broadcast %xor3A_1007 : i32 to vector<16xi32>
      %xor3A_1009 = arith.xori %iota3A_964, %xor3A_1008 : vector<16xi32>
      %lt3A_1010 = arith.constant 0 : i32
      %lt3A_1011 = vector.broadcast %lt3A_1010 : i32 to vector<16xi32>
      %lt3A_1012 = arith.cmpi slt, %xor3A_1009, %lt3A_1011 : vector<16xi32>
      %add3A_1013 = arith.constant 16 : i32
      %add3A_1014 = vector.broadcast %add3A_1013 : i32 to vector<16xi32>
      %add3A_1015 = arith.addi %xor3A_1009, %add3A_1014 : vector<16xi32>
      %select_n3A_1016 = arith.select %lt3A_1012, %add3A_1015, %xor3A_1009 : vector<16xi1>, vector<16xi32>
      %broadcast_in_dim3A_1017 = vector.shape_cast %select_n3A_1016 : vector<16xi32> to vector<16x1xi32>
      %gather3A_1018 = vector.shape_cast %broadcast_in_dim3A_1017 : vector<16x1xi32> to vector<16xi32>
      %gather3A_1019 = tpu.dynamic_gather %min3A_1006[%gather3A_1018] in [0] : vector<16xi32>, vector<16xi32> -> vector<16xi32>
      %min3A_1020 = arith.minsi %min3A_1006, %gather3A_1019 : vector<16xi32>
      %select_n3A_1021 = arith.select %eq3A_901, %max3A_959, %scan3A_746 : vector<16xi1>, vector<16xf32>
      %select_n3A_1022 = arith.select %eq3A_901, %min3A_1020, %scan3A_750 : vector<16xi1>, vector<16xi32>
      %eq3A_1023 = arith.cmpf oeq, %scan3A_781#1, %max3A_959 : vector<16xf32>
      %eq3A_1024 = arith.cmpi eq, %scan3A_781#5, %min3A_1020 : vector<16xi32>
      %and3A_1025 = arith.andi %eq3A_1023, %eq3A_1024 : vector<16xi1>
      %select_n3A_1026 = arith.select %and3A_1025, %scan3A_781#2, %scan3A_781#1 : vector<16xi1>, vector<16xf32>
      %select_n3A_1027 = arith.select %and3A_1025, %scan3A_781#6, %scan3A_781#5 : vector<16xi1>, vector<16xi32>
      %select_n3A_1028 = arith.select %and3A_1025, %scan3A_781#3, %scan3A_781#2 : vector<16xi1>, vector<16xf32>
      %select_n3A_1029 = arith.select %and3A_1025, %scan3A_781#7, %scan3A_781#6 : vector<16xi1>, vector<16xi32>
      %select_n3A_1030 = arith.select %and3A_1025, %scan3A_781#4, %scan3A_781#3 : vector<16xi1>, vector<16xf32>
      %select_n3A_1031 = arith.select %and3A_1025, %scan3A_781#8, %scan3A_781#7 : vector<16xi1>, vector<16xi32>
      %select_n3A_1032 = arith.select %and3A_1025, %broadcast_in_dim3A_774, %scan3A_781#4 : vector<16xi1>, vector<16xf32>
      %iota3A_1033 = tpu.iota {dimensions = array<i32: 0>} : vector<16xi32>
      %xor3A_1034 = arith.constant 1 : i32
      %xor3A_1035 = vector.broadcast %xor3A_1034 : i32 to vector<16xi32>
      %xor3A_1036 = arith.xori %iota3A_1033, %xor3A_1035 : vector<16xi32>
      %lt3A_1037 = arith.constant 0 : i32
      %lt3A_1038 = vector.broadcast %lt3A_1037 : i32 to vector<16xi32>
      %lt3A_1039 = arith.cmpi slt, %xor3A_1036, %lt3A_1038 : vector<16xi32>
      %add3A_1040 = arith.constant 16 : i32
      %add3A_1041 = vector.broadcast %add3A_1040 : i32 to vector<16xi32>
      %add3A_1042 = arith.addi %xor3A_1036, %add3A_1041 : vector<16xi32>
      %select_n3A_1043 = arith.select %lt3A_1039, %add3A_1042, %xor3A_1036 : vector<16xi1>, vector<16xi32>
      %broadcast_in_dim3A_1044 = vector.shape_cast %select_n3A_1043 : vector<16xi32> to vector<16x1xi32>
      %gather3A_1045 = vector.shape_cast %broadcast_in_dim3A_1044 : vector<16x1xi32> to vector<16xi32>
      %gather3A_1046 = tpu.dynamic_gather %select_n3A_1026[%gather3A_1045] in [0] : vector<16xf32>, vector<16xi32> -> vector<16xf32>
      %max3A_1047 = arith.maximumf %select_n3A_1026, %gather3A_1046 : vector<16xf32>
      %xor3A_1048 = arith.constant 2 : i32
      %xor3A_1049 = vector.broadcast %xor3A_1048 : i32 to vector<16xi32>
      %xor3A_1050 = arith.xori %iota3A_1033, %xor3A_1049 : vector<16xi32>
      %lt3A_1051 = arith.constant 0 : i32
      %lt3A_1052 = vector.broadcast %lt3A_1051 : i32 to vector<16xi32>
      %lt3A_1053 = arith.cmpi slt, %xor3A_1050, %lt3A_1052 : vector<16xi32>
      %add3A_1054 = arith.constant 16 : i32
      %add3A_1055 = vector.broadcast %add3A_1054 : i32 to vector<16xi32>
      %add3A_1056 = arith.addi %xor3A_1050, %add3A_1055 : vector<16xi32>
      %select_n3A_1057 = arith.select %lt3A_1053, %add3A_1056, %xor3A_1050 : vector<16xi1>, vector<16xi32>
      %broadcast_in_dim3A_1058 = vector.shape_cast %select_n3A_1057 : vector<16xi32> to vector<16x1xi32>
      %gather3A_1059 = vector.shape_cast %broadcast_in_dim3A_1058 : vector<16x1xi32> to vector<16xi32>
      %gather3A_1060 = tpu.dynamic_gather %max3A_1047[%gather3A_1059] in [0] : vector<16xf32>, vector<16xi32> -> vector<16xf32>
      %max3A_1061 = arith.maximumf %max3A_1047, %gather3A_1060 : vector<16xf32>
      %xor3A_1062 = arith.constant 4 : i32
      %xor3A_1063 = vector.broadcast %xor3A_1062 : i32 to vector<16xi32>
      %xor3A_1064 = arith.xori %iota3A_1033, %xor3A_1063 : vector<16xi32>
      %lt3A_1065 = arith.constant 0 : i32
      %lt3A_1066 = vector.broadcast %lt3A_1065 : i32 to vector<16xi32>
      %lt3A_1067 = arith.cmpi slt, %xor3A_1064, %lt3A_1066 : vector<16xi32>
      %add3A_1068 = arith.constant 16 : i32
      %add3A_1069 = vector.broadcast %add3A_1068 : i32 to vector<16xi32>
      %add3A_1070 = arith.addi %xor3A_1064, %add3A_1069 : vector<16xi32>
      %select_n3A_1071 = arith.select %lt3A_1067, %add3A_1070, %xor3A_1064 : vector<16xi1>, vector<16xi32>
      %broadcast_in_dim3A_1072 = vector.shape_cast %select_n3A_1071 : vector<16xi32> to vector<16x1xi32>
      %gather3A_1073 = vector.shape_cast %broadcast_in_dim3A_1072 : vector<16x1xi32> to vector<16xi32>
      %gather3A_1074 = tpu.dynamic_gather %max3A_1061[%gather3A_1073] in [0] : vector<16xf32>, vector<16xi32> -> vector<16xf32>
      %max3A_1075 = arith.maximumf %max3A_1061, %gather3A_1074 : vector<16xf32>
      %xor3A_1076 = arith.constant 8 : i32
      %xor3A_1077 = vector.broadcast %xor3A_1076 : i32 to vector<16xi32>
      %xor3A_1078 = arith.xori %iota3A_1033, %xor3A_1077 : vector<16xi32>
      %lt3A_1079 = arith.constant 0 : i32
      %lt3A_1080 = vector.broadcast %lt3A_1079 : i32 to vector<16xi32>
      %lt3A_1081 = arith.cmpi slt, %xor3A_1078, %lt3A_1080 : vector<16xi32>
      %add3A_1082 = arith.constant 16 : i32
      %add3A_1083 = vector.broadcast %add3A_1082 : i32 to vector<16xi32>
      %add3A_1084 = arith.addi %xor3A_1078, %add3A_1083 : vector<16xi32>
      %select_n3A_1085 = arith.select %lt3A_1081, %add3A_1084, %xor3A_1078 : vector<16xi1>, vector<16xi32>
      %broadcast_in_dim3A_1086 = vector.shape_cast %select_n3A_1085 : vector<16xi32> to vector<16x1xi32>
      %gather3A_1087 = vector.shape_cast %broadcast_in_dim3A_1086 : vector<16x1xi32> to vector<16xi32>
      %gather3A_1088 = tpu.dynamic_gather %max3A_1075[%gather3A_1087] in [0] : vector<16xf32>, vector<16xi32> -> vector<16xf32>
      %max3A_1089 = arith.maximumf %max3A_1075, %gather3A_1088 : vector<16xf32>
      %eq3A_1090 = arith.cmpf oeq, %select_n3A_1026, %max3A_1089 : vector<16xf32>
      %jit3A_1091 = arith.constant 32768 : i32
      %broadcast_in_dim3A_1092 = vector.broadcast %jit3A_1091 : i32 to vector<16xi32>
      %select_n3A_1093 = arith.select %eq3A_1090, %select_n3A_1027, %broadcast_in_dim3A_1092 : vector<16xi1>, vector<16xi32>
      %iota3A_1094 = tpu.iota {dimensions = array<i32: 0>} : vector<16xi32>
      %xor3A_1095 = arith.constant 1 : i32
      %xor3A_1096 = vector.broadcast %xor3A_1095 : i32 to vector<16xi32>
      %xor3A_1097 = arith.xori %iota3A_1094, %xor3A_1096 : vector<16xi32>
      %lt3A_1098 = arith.constant 0 : i32
      %lt3A_1099 = vector.broadcast %lt3A_1098 : i32 to vector<16xi32>
      %lt3A_1100 = arith.cmpi slt, %xor3A_1097, %lt3A_1099 : vector<16xi32>
      %add3A_1101 = arith.constant 16 : i32
      %add3A_1102 = vector.broadcast %add3A_1101 : i32 to vector<16xi32>
      %add3A_1103 = arith.addi %xor3A_1097, %add3A_1102 : vector<16xi32>
      %select_n3A_1104 = arith.select %lt3A_1100, %add3A_1103, %xor3A_1097 : vector<16xi1>, vector<16xi32>
      %broadcast_in_dim3A_1105 = vector.shape_cast %select_n3A_1104 : vector<16xi32> to vector<16x1xi32>
      %gather3A_1106 = vector.shape_cast %broadcast_in_dim3A_1105 : vector<16x1xi32> to vector<16xi32>
      %gather3A_1107 = tpu.dynamic_gather %select_n3A_1093[%gather3A_1106] in [0] : vector<16xi32>, vector<16xi32> -> vector<16xi32>
      %min3A_1108 = arith.minsi %select_n3A_1093, %gather3A_1107 : vector<16xi32>
      %xor3A_1109 = arith.constant 2 : i32
      %xor3A_1110 = vector.broadcast %xor3A_1109 : i32 to vector<16xi32>
      %xor3A_1111 = arith.xori %iota3A_1094, %xor3A_1110 : vector<16xi32>
      %lt3A_1112 = arith.constant 0 : i32
      %lt3A_1113 = vector.broadcast %lt3A_1112 : i32 to vector<16xi32>
      %lt3A_1114 = arith.cmpi slt, %xor3A_1111, %lt3A_1113 : vector<16xi32>
      %add3A_1115 = arith.constant 16 : i32
      %add3A_1116 = vector.broadcast %add3A_1115 : i32 to vector<16xi32>
      %add3A_1117 = arith.addi %xor3A_1111, %add3A_1116 : vector<16xi32>
      %select_n3A_1118 = arith.select %lt3A_1114, %add3A_1117, %xor3A_1111 : vector<16xi1>, vector<16xi32>
      %broadcast_in_dim3A_1119 = vector.shape_cast %select_n3A_1118 : vector<16xi32> to vector<16x1xi32>
      %gather3A_1120 = vector.shape_cast %broadcast_in_dim3A_1119 : vector<16x1xi32> to vector<16xi32>
      %gather3A_1121 = tpu.dynamic_gather %min3A_1108[%gather3A_1120] in [0] : vector<16xi32>, vector<16xi32> -> vector<16xi32>
      %min3A_1122 = arith.minsi %min3A_1108, %gather3A_1121 : vector<16xi32>
      %xor3A_1123 = arith.constant 4 : i32
      %xor3A_1124 = vector.broadcast %xor3A_1123 : i32 to vector<16xi32>
      %xor3A_1125 = arith.xori %iota3A_1094, %xor3A_1124 : vector<16xi32>
      %lt3A_1126 = arith.constant 0 : i32
      %lt3A_1127 = vector.broadcast %lt3A_1126 : i32 to vector<16xi32>
      %lt3A_1128 = arith.cmpi slt, %xor3A_1125, %lt3A_1127 : vector<16xi32>
      %add3A_1129 = arith.constant 16 : i32
      %add3A_1130 = vector.broadcast %add3A_1129 : i32 to vector<16xi32>
      %add3A_1131 = arith.addi %xor3A_1125, %add3A_1130 : vector<16xi32>
      %select_n3A_1132 = arith.select %lt3A_1128, %add3A_1131, %xor3A_1125 : vector<16xi1>, vector<16xi32>
      %broadcast_in_dim3A_1133 = vector.shape_cast %select_n3A_1132 : vector<16xi32> to vector<16x1xi32>
      %gather3A_1134 = vector.shape_cast %broadcast_in_dim3A_1133 : vector<16x1xi32> to vector<16xi32>
      %gather3A_1135 = tpu.dynamic_gather %min3A_1122[%gather3A_1134] in [0] : vector<16xi32>, vector<16xi32> -> vector<16xi32>
      %min3A_1136 = arith.minsi %min3A_1122, %gather3A_1135 : vector<16xi32>
      %xor3A_1137 = arith.constant 8 : i32
      %xor3A_1138 = vector.broadcast %xor3A_1137 : i32 to vector<16xi32>
      %xor3A_1139 = arith.xori %iota3A_1094, %xor3A_1138 : vector<16xi32>
      %lt3A_1140 = arith.constant 0 : i32
      %lt3A_1141 = vector.broadcast %lt3A_1140 : i32 to vector<16xi32>
      %lt3A_1142 = arith.cmpi slt, %xor3A_1139, %lt3A_1141 : vector<16xi32>
      %add3A_1143 = arith.constant 16 : i32
      %add3A_1144 = vector.broadcast %add3A_1143 : i32 to vector<16xi32>
      %add3A_1145 = arith.addi %xor3A_1139, %add3A_1144 : vector<16xi32>
      %select_n3A_1146 = arith.select %lt3A_1142, %add3A_1145, %xor3A_1139 : vector<16xi1>, vector<16xi32>
      %broadcast_in_dim3A_1147 = vector.shape_cast %select_n3A_1146 : vector<16xi32> to vector<16x1xi32>
      %gather3A_1148 = vector.shape_cast %broadcast_in_dim3A_1147 : vector<16x1xi32> to vector<16xi32>
      %gather3A_1149 = tpu.dynamic_gather %min3A_1136[%gather3A_1148] in [0] : vector<16xi32>, vector<16xi32> -> vector<16xi32>
      %min3A_1150 = arith.minsi %min3A_1136, %gather3A_1149 : vector<16xi32>
      %select_n3A_1151 = arith.select %eq3A_901, %max3A_1089, %scan3A_747 : vector<16xi1>, vector<16xf32>
      %select_n3A_1152 = arith.select %eq3A_901, %min3A_1150, %scan3A_751 : vector<16xi1>, vector<16xi32>
      %eq3A_1153 = arith.cmpf oeq, %select_n3A_1026, %max3A_1089 : vector<16xf32>
      %eq3A_1154 = arith.cmpi eq, %select_n3A_1027, %min3A_1150 : vector<16xi32>
      %and3A_1155 = arith.andi %eq3A_1153, %eq3A_1154 : vector<16xi1>
      %select_n3A_1156 = arith.select %and3A_1155, %select_n3A_1028, %select_n3A_1026 : vector<16xi1>, vector<16xf32>
      %select_n3A_1157 = arith.select %and3A_1155, %select_n3A_1029, %select_n3A_1027 : vector<16xi1>, vector<16xi32>
      %select_n3A_1158 = arith.select %and3A_1155, %select_n3A_1030, %select_n3A_1028 : vector<16xi1>, vector<16xf32>
      %select_n3A_1159 = arith.select %and3A_1155, %select_n3A_1031, %select_n3A_1029 : vector<16xi1>, vector<16xi32>
      %select_n3A_1160 = arith.select %and3A_1155, %select_n3A_1032, %select_n3A_1030 : vector<16xi1>, vector<16xf32>
      %select_n3A_1161 = arith.select %and3A_1155, %scan3A_781#8, %select_n3A_1031 : vector<16xi1>, vector<16xi32>
      %select_n3A_1162 = arith.select %and3A_1155, %broadcast_in_dim3A_774, %select_n3A_1032 : vector<16xi1>, vector<16xf32>
      %iota3A_1163 = tpu.iota {dimensions = array<i32: 0>} : vector<16xi32>
      %xor3A_1164 = arith.constant 1 : i32
      %xor3A_1165 = vector.broadcast %xor3A_1164 : i32 to vector<16xi32>
      %xor3A_1166 = arith.xori %iota3A_1163, %xor3A_1165 : vector<16xi32>
      %lt3A_1167 = arith.constant 0 : i32
      %lt3A_1168 = vector.broadcast %lt3A_1167 : i32 to vector<16xi32>
      %lt3A_1169 = arith.cmpi slt, %xor3A_1166, %lt3A_1168 : vector<16xi32>
      %add3A_1170 = arith.constant 16 : i32
      %add3A_1171 = vector.broadcast %add3A_1170 : i32 to vector<16xi32>
      %add3A_1172 = arith.addi %xor3A_1166, %add3A_1171 : vector<16xi32>
      %select_n3A_1173 = arith.select %lt3A_1169, %add3A_1172, %xor3A_1166 : vector<16xi1>, vector<16xi32>
      %broadcast_in_dim3A_1174 = vector.shape_cast %select_n3A_1173 : vector<16xi32> to vector<16x1xi32>
      %gather3A_1175 = vector.shape_cast %broadcast_in_dim3A_1174 : vector<16x1xi32> to vector<16xi32>
      %gather3A_1176 = tpu.dynamic_gather %select_n3A_1156[%gather3A_1175] in [0] : vector<16xf32>, vector<16xi32> -> vector<16xf32>
      %max3A_1177 = arith.maximumf %select_n3A_1156, %gather3A_1176 : vector<16xf32>
      %xor3A_1178 = arith.constant 2 : i32
      %xor3A_1179 = vector.broadcast %xor3A_1178 : i32 to vector<16xi32>
      %xor3A_1180 = arith.xori %iota3A_1163, %xor3A_1179 : vector<16xi32>
      %lt3A_1181 = arith.constant 0 : i32
      %lt3A_1182 = vector.broadcast %lt3A_1181 : i32 to vector<16xi32>
      %lt3A_1183 = arith.cmpi slt, %xor3A_1180, %lt3A_1182 : vector<16xi32>
      %add3A_1184 = arith.constant 16 : i32
      %add3A_1185 = vector.broadcast %add3A_1184 : i32 to vector<16xi32>
      %add3A_1186 = arith.addi %xor3A_1180, %add3A_1185 : vector<16xi32>
      %select_n3A_1187 = arith.select %lt3A_1183, %add3A_1186, %xor3A_1180 : vector<16xi1>, vector<16xi32>
      %broadcast_in_dim3A_1188 = vector.shape_cast %select_n3A_1187 : vector<16xi32> to vector<16x1xi32>
      %gather3A_1189 = vector.shape_cast %broadcast_in_dim3A_1188 : vector<16x1xi32> to vector<16xi32>
      %gather3A_1190 = tpu.dynamic_gather %max3A_1177[%gather3A_1189] in [0] : vector<16xf32>, vector<16xi32> -> vector<16xf32>
      %max3A_1191 = arith.maximumf %max3A_1177, %gather3A_1190 : vector<16xf32>
      %xor3A_1192 = arith.constant 4 : i32
      %xor3A_1193 = vector.broadcast %xor3A_1192 : i32 to vector<16xi32>
      %xor3A_1194 = arith.xori %iota3A_1163, %xor3A_1193 : vector<16xi32>
      %lt3A_1195 = arith.constant 0 : i32
      %lt3A_1196 = vector.broadcast %lt3A_1195 : i32 to vector<16xi32>
      %lt3A_1197 = arith.cmpi slt, %xor3A_1194, %lt3A_1196 : vector<16xi32>
      %add3A_1198 = arith.constant 16 : i32
      %add3A_1199 = vector.broadcast %add3A_1198 : i32 to vector<16xi32>
      %add3A_1200 = arith.addi %xor3A_1194, %add3A_1199 : vector<16xi32>
      %select_n3A_1201 = arith.select %lt3A_1197, %add3A_1200, %xor3A_1194 : vector<16xi1>, vector<16xi32>
      %broadcast_in_dim3A_1202 = vector.shape_cast %select_n3A_1201 : vector<16xi32> to vector<16x1xi32>
      %gather3A_1203 = vector.shape_cast %broadcast_in_dim3A_1202 : vector<16x1xi32> to vector<16xi32>
      %gather3A_1204 = tpu.dynamic_gather %max3A_1191[%gather3A_1203] in [0] : vector<16xf32>, vector<16xi32> -> vector<16xf32>
      %max3A_1205 = arith.maximumf %max3A_1191, %gather3A_1204 : vector<16xf32>
      %xor3A_1206 = arith.constant 8 : i32
      %xor3A_1207 = vector.broadcast %xor3A_1206 : i32 to vector<16xi32>
      %xor3A_1208 = arith.xori %iota3A_1163, %xor3A_1207 : vector<16xi32>
      %lt3A_1209 = arith.constant 0 : i32
      %lt3A_1210 = vector.broadcast %lt3A_1209 : i32 to vector<16xi32>
      %lt3A_1211 = arith.cmpi slt, %xor3A_1208, %lt3A_1210 : vector<16xi32>
      %add3A_1212 = arith.constant 16 : i32
      %add3A_1213 = vector.broadcast %add3A_1212 : i32 to vector<16xi32>
      %add3A_1214 = arith.addi %xor3A_1208, %add3A_1213 : vector<16xi32>
      %select_n3A_1215 = arith.select %lt3A_1211, %add3A_1214, %xor3A_1208 : vector<16xi1>, vector<16xi32>
      %broadcast_in_dim3A_1216 = vector.shape_cast %select_n3A_1215 : vector<16xi32> to vector<16x1xi32>
      %gather3A_1217 = vector.shape_cast %broadcast_in_dim3A_1216 : vector<16x1xi32> to vector<16xi32>
      %gather3A_1218 = tpu.dynamic_gather %max3A_1205[%gather3A_1217] in [0] : vector<16xf32>, vector<16xi32> -> vector<16xf32>
      %max3A_1219 = arith.maximumf %max3A_1205, %gather3A_1218 : vector<16xf32>
      %eq3A_1220 = arith.cmpf oeq, %select_n3A_1156, %max3A_1219 : vector<16xf32>
      %jit3A_1221 = arith.constant 32768 : i32
      %broadcast_in_dim3A_1222 = vector.broadcast %jit3A_1221 : i32 to vector<16xi32>
      %select_n3A_1223 = arith.select %eq3A_1220, %select_n3A_1157, %broadcast_in_dim3A_1222 : vector<16xi1>, vector<16xi32>
      %iota3A_1224 = tpu.iota {dimensions = array<i32: 0>} : vector<16xi32>
      %xor3A_1225 = arith.constant 1 : i32
      %xor3A_1226 = vector.broadcast %xor3A_1225 : i32 to vector<16xi32>
      %xor3A_1227 = arith.xori %iota3A_1224, %xor3A_1226 : vector<16xi32>
      %lt3A_1228 = arith.constant 0 : i32
      %lt3A_1229 = vector.broadcast %lt3A_1228 : i32 to vector<16xi32>
      %lt3A_1230 = arith.cmpi slt, %xor3A_1227, %lt3A_1229 : vector<16xi32>
      %add3A_1231 = arith.constant 16 : i32
      %add3A_1232 = vector.broadcast %add3A_1231 : i32 to vector<16xi32>
      %add3A_1233 = arith.addi %xor3A_1227, %add3A_1232 : vector<16xi32>
      %select_n3A_1234 = arith.select %lt3A_1230, %add3A_1233, %xor3A_1227 : vector<16xi1>, vector<16xi32>
      %broadcast_in_dim3A_1235 = vector.shape_cast %select_n3A_1234 : vector<16xi32> to vector<16x1xi32>
      %gather3A_1236 = vector.shape_cast %broadcast_in_dim3A_1235 : vector<16x1xi32> to vector<16xi32>
      %gather3A_1237 = tpu.dynamic_gather %select_n3A_1223[%gather3A_1236] in [0] : vector<16xi32>, vector<16xi32> -> vector<16xi32>
      %min3A_1238 = arith.minsi %select_n3A_1223, %gather3A_1237 : vector<16xi32>
      %xor3A_1239 = arith.constant 2 : i32
      %xor3A_1240 = vector.broadcast %xor3A_1239 : i32 to vector<16xi32>
      %xor3A_1241 = arith.xori %iota3A_1224, %xor3A_1240 : vector<16xi32>
      %lt3A_1242 = arith.constant 0 : i32
      %lt3A_1243 = vector.broadcast %lt3A_1242 : i32 to vector<16xi32>
      %lt3A_1244 = arith.cmpi slt, %xor3A_1241, %lt3A_1243 : vector<16xi32>
      %add3A_1245 = arith.constant 16 : i32
      %add3A_1246 = vector.broadcast %add3A_1245 : i32 to vector<16xi32>
      %add3A_1247 = arith.addi %xor3A_1241, %add3A_1246 : vector<16xi32>
      %select_n3A_1248 = arith.select %lt3A_1244, %add3A_1247, %xor3A_1241 : vector<16xi1>, vector<16xi32>
      %broadcast_in_dim3A_1249 = vector.shape_cast %select_n3A_1248 : vector<16xi32> to vector<16x1xi32>
      %gather3A_1250 = vector.shape_cast %broadcast_in_dim3A_1249 : vector<16x1xi32> to vector<16xi32>
      %gather3A_1251 = tpu.dynamic_gather %min3A_1238[%gather3A_1250] in [0] : vector<16xi32>, vector<16xi32> -> vector<16xi32>
      %min3A_1252 = arith.minsi %min3A_1238, %gather3A_1251 : vector<16xi32>
      %xor3A_1253 = arith.constant 4 : i32
      %xor3A_1254 = vector.broadcast %xor3A_1253 : i32 to vector<16xi32>
      %xor3A_1255 = arith.xori %iota3A_1224, %xor3A_1254 : vector<16xi32>
      %lt3A_1256 = arith.constant 0 : i32
      %lt3A_1257 = vector.broadcast %lt3A_1256 : i32 to vector<16xi32>
      %lt3A_1258 = arith.cmpi slt, %xor3A_1255, %lt3A_1257 : vector<16xi32>
      %add3A_1259 = arith.constant 16 : i32
      %add3A_1260 = vector.broadcast %add3A_1259 : i32 to vector<16xi32>
      %add3A_1261 = arith.addi %xor3A_1255, %add3A_1260 : vector<16xi32>
      %select_n3A_1262 = arith.select %lt3A_1258, %add3A_1261, %xor3A_1255 : vector<16xi1>, vector<16xi32>
      %broadcast_in_dim3A_1263 = vector.shape_cast %select_n3A_1262 : vector<16xi32> to vector<16x1xi32>
      %gather3A_1264 = vector.shape_cast %broadcast_in_dim3A_1263 : vector<16x1xi32> to vector<16xi32>
      %gather3A_1265 = tpu.dynamic_gather %min3A_1252[%gather3A_1264] in [0] : vector<16xi32>, vector<16xi32> -> vector<16xi32>
      %min3A_1266 = arith.minsi %min3A_1252, %gather3A_1265 : vector<16xi32>
      %xor3A_1267 = arith.constant 8 : i32
      %xor3A_1268 = vector.broadcast %xor3A_1267 : i32 to vector<16xi32>
      %xor3A_1269 = arith.xori %iota3A_1224, %xor3A_1268 : vector<16xi32>
      %lt3A_1270 = arith.constant 0 : i32
      %lt3A_1271 = vector.broadcast %lt3A_1270 : i32 to vector<16xi32>
      %lt3A_1272 = arith.cmpi slt, %xor3A_1269, %lt3A_1271 : vector<16xi32>
      %add3A_1273 = arith.constant 16 : i32
      %add3A_1274 = vector.broadcast %add3A_1273 : i32 to vector<16xi32>
      %add3A_1275 = arith.addi %xor3A_1269, %add3A_1274 : vector<16xi32>
      %select_n3A_1276 = arith.select %lt3A_1272, %add3A_1275, %xor3A_1269 : vector<16xi1>, vector<16xi32>
      %broadcast_in_dim3A_1277 = vector.shape_cast %select_n3A_1276 : vector<16xi32> to vector<16x1xi32>
      %gather3A_1278 = vector.shape_cast %broadcast_in_dim3A_1277 : vector<16x1xi32> to vector<16xi32>
      %gather3A_1279 = tpu.dynamic_gather %min3A_1266[%gather3A_1278] in [0] : vector<16xi32>, vector<16xi32> -> vector<16xi32>
      %min3A_1280 = arith.minsi %min3A_1266, %gather3A_1279 : vector<16xi32>
      %select_n3A_1281 = arith.select %eq3A_901, %max3A_1219, %scan3A_748 : vector<16xi1>, vector<16xf32>
      %select_n3A_1282 = arith.select %eq3A_901, %min3A_1280, %scan3A_752 : vector<16xi1>, vector<16xi32>
      %eq3A_1283 = arith.cmpf oeq, %select_n3A_1156, %max3A_1219 : vector<16xf32>
      %eq3A_1284 = arith.cmpi eq, %select_n3A_1157, %min3A_1280 : vector<16xi32>
      %and3A_1285 = arith.andi %eq3A_1283, %eq3A_1284 : vector<16xi1>
      %select_n3A_1286 = arith.select %and3A_1285, %select_n3A_1158, %select_n3A_1156 : vector<16xi1>, vector<16xf32>
      %select_n3A_1287 = arith.select %and3A_1285, %select_n3A_1159, %select_n3A_1157 : vector<16xi1>, vector<16xi32>
      %select_n3A_1288 = arith.select %and3A_1285, %select_n3A_1160, %select_n3A_1158 : vector<16xi1>, vector<16xf32>
      %select_n3A_1289 = arith.select %and3A_1285, %select_n3A_1161, %select_n3A_1159 : vector<16xi1>, vector<16xi32>
      %select_n3A_1290 = arith.select %and3A_1285, %select_n3A_1162, %select_n3A_1160 : vector<16xi1>, vector<16xf32>
      %select_n3A_1291 = arith.select %and3A_1285, %scan3A_781#8, %select_n3A_1161 : vector<16xi1>, vector<16xi32>
      %select_n3A_1292 = arith.select %and3A_1285, %broadcast_in_dim3A_774, %select_n3A_1162 : vector<16xi1>, vector<16xf32>
      %iota3A_1293 = tpu.iota {dimensions = array<i32: 0>} : vector<16xi32>
      %xor3A_1294 = arith.constant 1 : i32
      %xor3A_1295 = vector.broadcast %xor3A_1294 : i32 to vector<16xi32>
      %xor3A_1296 = arith.xori %iota3A_1293, %xor3A_1295 : vector<16xi32>
      %lt3A_1297 = arith.constant 0 : i32
      %lt3A_1298 = vector.broadcast %lt3A_1297 : i32 to vector<16xi32>
      %lt3A_1299 = arith.cmpi slt, %xor3A_1296, %lt3A_1298 : vector<16xi32>
      %add3A_1300 = arith.constant 16 : i32
      %add3A_1301 = vector.broadcast %add3A_1300 : i32 to vector<16xi32>
      %add3A_1302 = arith.addi %xor3A_1296, %add3A_1301 : vector<16xi32>
      %select_n3A_1303 = arith.select %lt3A_1299, %add3A_1302, %xor3A_1296 : vector<16xi1>, vector<16xi32>
      %broadcast_in_dim3A_1304 = vector.shape_cast %select_n3A_1303 : vector<16xi32> to vector<16x1xi32>
      %gather3A_1305 = vector.shape_cast %broadcast_in_dim3A_1304 : vector<16x1xi32> to vector<16xi32>
      %gather3A_1306 = tpu.dynamic_gather %select_n3A_1286[%gather3A_1305] in [0] : vector<16xf32>, vector<16xi32> -> vector<16xf32>
      %max3A_1307 = arith.maximumf %select_n3A_1286, %gather3A_1306 : vector<16xf32>
      %xor3A_1308 = arith.constant 2 : i32
      %xor3A_1309 = vector.broadcast %xor3A_1308 : i32 to vector<16xi32>
      %xor3A_1310 = arith.xori %iota3A_1293, %xor3A_1309 : vector<16xi32>
      %lt3A_1311 = arith.constant 0 : i32
      %lt3A_1312 = vector.broadcast %lt3A_1311 : i32 to vector<16xi32>
      %lt3A_1313 = arith.cmpi slt, %xor3A_1310, %lt3A_1312 : vector<16xi32>
      %add3A_1314 = arith.constant 16 : i32
      %add3A_1315 = vector.broadcast %add3A_1314 : i32 to vector<16xi32>
      %add3A_1316 = arith.addi %xor3A_1310, %add3A_1315 : vector<16xi32>
      %select_n3A_1317 = arith.select %lt3A_1313, %add3A_1316, %xor3A_1310 : vector<16xi1>, vector<16xi32>
      %broadcast_in_dim3A_1318 = vector.shape_cast %select_n3A_1317 : vector<16xi32> to vector<16x1xi32>
      %gather3A_1319 = vector.shape_cast %broadcast_in_dim3A_1318 : vector<16x1xi32> to vector<16xi32>
      %gather3A_1320 = tpu.dynamic_gather %max3A_1307[%gather3A_1319] in [0] : vector<16xf32>, vector<16xi32> -> vector<16xf32>
      %max3A_1321 = arith.maximumf %max3A_1307, %gather3A_1320 : vector<16xf32>
      %xor3A_1322 = arith.constant 4 : i32
      %xor3A_1323 = vector.broadcast %xor3A_1322 : i32 to vector<16xi32>
      %xor3A_1324 = arith.xori %iota3A_1293, %xor3A_1323 : vector<16xi32>
      %lt3A_1325 = arith.constant 0 : i32
      %lt3A_1326 = vector.broadcast %lt3A_1325 : i32 to vector<16xi32>
      %lt3A_1327 = arith.cmpi slt, %xor3A_1324, %lt3A_1326 : vector<16xi32>
      %add3A_1328 = arith.constant 16 : i32
      %add3A_1329 = vector.broadcast %add3A_1328 : i32 to vector<16xi32>
      %add3A_1330 = arith.addi %xor3A_1324, %add3A_1329 : vector<16xi32>
      %select_n3A_1331 = arith.select %lt3A_1327, %add3A_1330, %xor3A_1324 : vector<16xi1>, vector<16xi32>
      %broadcast_in_dim3A_1332 = vector.shape_cast %select_n3A_1331 : vector<16xi32> to vector<16x1xi32>
      %gather3A_1333 = vector.shape_cast %broadcast_in_dim3A_1332 : vector<16x1xi32> to vector<16xi32>
      %gather3A_1334 = tpu.dynamic_gather %max3A_1321[%gather3A_1333] in [0] : vector<16xf32>, vector<16xi32> -> vector<16xf32>
      %max3A_1335 = arith.maximumf %max3A_1321, %gather3A_1334 : vector<16xf32>
      %xor3A_1336 = arith.constant 8 : i32
      %xor3A_1337 = vector.broadcast %xor3A_1336 : i32 to vector<16xi32>
      %xor3A_1338 = arith.xori %iota3A_1293, %xor3A_1337 : vector<16xi32>
      %lt3A_1339 = arith.constant 0 : i32
      %lt3A_1340 = vector.broadcast %lt3A_1339 : i32 to vector<16xi32>
      %lt3A_1341 = arith.cmpi slt, %xor3A_1338, %lt3A_1340 : vector<16xi32>
      %add3A_1342 = arith.constant 16 : i32
      %add3A_1343 = vector.broadcast %add3A_1342 : i32 to vector<16xi32>
      %add3A_1344 = arith.addi %xor3A_1338, %add3A_1343 : vector<16xi32>
      %select_n3A_1345 = arith.select %lt3A_1341, %add3A_1344, %xor3A_1338 : vector<16xi1>, vector<16xi32>
      %broadcast_in_dim3A_1346 = vector.shape_cast %select_n3A_1345 : vector<16xi32> to vector<16x1xi32>
      %gather3A_1347 = vector.shape_cast %broadcast_in_dim3A_1346 : vector<16x1xi32> to vector<16xi32>
      %gather3A_1348 = tpu.dynamic_gather %max3A_1335[%gather3A_1347] in [0] : vector<16xf32>, vector<16xi32> -> vector<16xf32>
      %max3A_1349 = arith.maximumf %max3A_1335, %gather3A_1348 : vector<16xf32>
      %eq3A_1350 = arith.cmpf oeq, %select_n3A_1286, %max3A_1349 : vector<16xf32>
      %jit3A_1351 = arith.constant 32768 : i32
      %broadcast_in_dim3A_1352 = vector.broadcast %jit3A_1351 : i32 to vector<16xi32>
      %select_n3A_1353 = arith.select %eq3A_1350, %select_n3A_1287, %broadcast_in_dim3A_1352 : vector<16xi1>, vector<16xi32>
      %iota3A_1354 = tpu.iota {dimensions = array<i32: 0>} : vector<16xi32>
      %xor3A_1355 = arith.constant 1 : i32
      %xor3A_1356 = vector.broadcast %xor3A_1355 : i32 to vector<16xi32>
      %xor3A_1357 = arith.xori %iota3A_1354, %xor3A_1356 : vector<16xi32>
      %lt3A_1358 = arith.constant 0 : i32
      %lt3A_1359 = vector.broadcast %lt3A_1358 : i32 to vector<16xi32>
      %lt3A_1360 = arith.cmpi slt, %xor3A_1357, %lt3A_1359 : vector<16xi32>
      %add3A_1361 = arith.constant 16 : i32
      %add3A_1362 = vector.broadcast %add3A_1361 : i32 to vector<16xi32>
      %add3A_1363 = arith.addi %xor3A_1357, %add3A_1362 : vector<16xi32>
      %select_n3A_1364 = arith.select %lt3A_1360, %add3A_1363, %xor3A_1357 : vector<16xi1>, vector<16xi32>
      %broadcast_in_dim3A_1365 = vector.shape_cast %select_n3A_1364 : vector<16xi32> to vector<16x1xi32>
      %gather3A_1366 = vector.shape_cast %broadcast_in_dim3A_1365 : vector<16x1xi32> to vector<16xi32>
      %gather3A_1367 = tpu.dynamic_gather %select_n3A_1353[%gather3A_1366] in [0] : vector<16xi32>, vector<16xi32> -> vector<16xi32>
      %min3A_1368 = arith.minsi %select_n3A_1353, %gather3A_1367 : vector<16xi32>
      %xor3A_1369 = arith.constant 2 : i32
      %xor3A_1370 = vector.broadcast %xor3A_1369 : i32 to vector<16xi32>
      %xor3A_1371 = arith.xori %iota3A_1354, %xor3A_1370 : vector<16xi32>
      %lt3A_1372 = arith.constant 0 : i32
      %lt3A_1373 = vector.broadcast %lt3A_1372 : i32 to vector<16xi32>
      %lt3A_1374 = arith.cmpi slt, %xor3A_1371, %lt3A_1373 : vector<16xi32>
      %add3A_1375 = arith.constant 16 : i32
      %add3A_1376 = vector.broadcast %add3A_1375 : i32 to vector<16xi32>
      %add3A_1377 = arith.addi %xor3A_1371, %add3A_1376 : vector<16xi32>
      %select_n3A_1378 = arith.select %lt3A_1374, %add3A_1377, %xor3A_1371 : vector<16xi1>, vector<16xi32>
      %broadcast_in_dim3A_1379 = vector.shape_cast %select_n3A_1378 : vector<16xi32> to vector<16x1xi32>
      %gather3A_1380 = vector.shape_cast %broadcast_in_dim3A_1379 : vector<16x1xi32> to vector<16xi32>
      %gather3A_1381 = tpu.dynamic_gather %min3A_1368[%gather3A_1380] in [0] : vector<16xi32>, vector<16xi32> -> vector<16xi32>
      %min3A_1382 = arith.minsi %min3A_1368, %gather3A_1381 : vector<16xi32>
      %xor3A_1383 = arith.constant 4 : i32
      %xor3A_1384 = vector.broadcast %xor3A_1383 : i32 to vector<16xi32>
      %xor3A_1385 = arith.xori %iota3A_1354, %xor3A_1384 : vector<16xi32>
      %lt3A_1386 = arith.constant 0 : i32
      %lt3A_1387 = vector.broadcast %lt3A_1386 : i32 to vector<16xi32>
      %lt3A_1388 = arith.cmpi slt, %xor3A_1385, %lt3A_1387 : vector<16xi32>
      %add3A_1389 = arith.constant 16 : i32
      %add3A_1390 = vector.broadcast %add3A_1389 : i32 to vector<16xi32>
      %add3A_1391 = arith.addi %xor3A_1385, %add3A_1390 : vector<16xi32>
      %select_n3A_1392 = arith.select %lt3A_1388, %add3A_1391, %xor3A_1385 : vector<16xi1>, vector<16xi32>
      %broadcast_in_dim3A_1393 = vector.shape_cast %select_n3A_1392 : vector<16xi32> to vector<16x1xi32>
      %gather3A_1394 = vector.shape_cast %broadcast_in_dim3A_1393 : vector<16x1xi32> to vector<16xi32>
      %gather3A_1395 = tpu.dynamic_gather %min3A_1382[%gather3A_1394] in [0] : vector<16xi32>, vector<16xi32> -> vector<16xi32>
      %min3A_1396 = arith.minsi %min3A_1382, %gather3A_1395 : vector<16xi32>
      %xor3A_1397 = arith.constant 8 : i32
      %xor3A_1398 = vector.broadcast %xor3A_1397 : i32 to vector<16xi32>
      %xor3A_1399 = arith.xori %iota3A_1354, %xor3A_1398 : vector<16xi32>
      %lt3A_1400 = arith.constant 0 : i32
      %lt3A_1401 = vector.broadcast %lt3A_1400 : i32 to vector<16xi32>
      %lt3A_1402 = arith.cmpi slt, %xor3A_1399, %lt3A_1401 : vector<16xi32>
      %add3A_1403 = arith.constant 16 : i32
      %add3A_1404 = vector.broadcast %add3A_1403 : i32 to vector<16xi32>
      %add3A_1405 = arith.addi %xor3A_1399, %add3A_1404 : vector<16xi32>
      %select_n3A_1406 = arith.select %lt3A_1402, %add3A_1405, %xor3A_1399 : vector<16xi1>, vector<16xi32>
      %broadcast_in_dim3A_1407 = vector.shape_cast %select_n3A_1406 : vector<16xi32> to vector<16x1xi32>
      %gather3A_1408 = vector.shape_cast %broadcast_in_dim3A_1407 : vector<16x1xi32> to vector<16xi32>
      %gather3A_1409 = tpu.dynamic_gather %min3A_1396[%gather3A_1408] in [0] : vector<16xi32>, vector<16xi32> -> vector<16xi32>
      %min3A_1410 = arith.minsi %min3A_1396, %gather3A_1409 : vector<16xi32>
      %select_n3A_1411 = arith.select %eq3A_901, %max3A_1349, %scan3A_749 : vector<16xi1>, vector<16xf32>
      %select_n3A_1412 = arith.select %eq3A_901, %min3A_1410, %scan3A_753 : vector<16xi1>, vector<16xi32>
      %eq3A_1413 = arith.cmpf oeq, %select_n3A_1286, %max3A_1349 : vector<16xf32>
      %eq3A_1414 = arith.cmpi eq, %select_n3A_1287, %min3A_1410 : vector<16xi32>
      %and3A_1415 = arith.andi %eq3A_1413, %eq3A_1414 : vector<16xi1>
      %select_n3A_1416 = arith.select %and3A_1415, %select_n3A_1288, %select_n3A_1286 : vector<16xi1>, vector<16xf32>
      %select_n3A_1417 = arith.select %and3A_1415, %select_n3A_1289, %select_n3A_1287 : vector<16xi1>, vector<16xi32>
      %select_n3A_1418 = arith.select %and3A_1415, %select_n3A_1290, %select_n3A_1288 : vector<16xi1>, vector<16xf32>
      %select_n3A_1419 = arith.select %and3A_1415, %select_n3A_1291, %select_n3A_1289 : vector<16xi1>, vector<16xi32>
      %select_n3A_1420 = arith.select %and3A_1415, %select_n3A_1292, %select_n3A_1290 : vector<16xi1>, vector<16xf32>
      %select_n3A_1421 = arith.select %and3A_1415, %scan3A_781#8, %select_n3A_1291 : vector<16xi1>, vector<16xi32>
      %select_n3A_1422 = arith.select %and3A_1415, %broadcast_in_dim3A_774, %select_n3A_1292 : vector<16xi1>, vector<16xf32>
      %mul3A_1423 = arith.constant 2 : i32
      %mul3A_1424 = arith.muli %scan3A_744, %mul3A_1423 : i32
      %add3A_1425 = arith.constant 1 : i32
      %add3A_1426 = arith.addi %mul3A_1424, %add3A_1425 : i32
      %add3A_1427 = arith.addi %mul3A_4, %add3A_1426 : i32
      %dma_wait3A_1428 = arith.constant 0 : i32
      %dma_wait3A_1429 = tpu.memref_slice %arg2[%add3A_1427, %dma_wait3A_1428] : memref<512x32768xf32, #tpu.memory_space<hbm>> -> memref<1x32768xf32, #tpu.memory_space<hbm>>
      %dma_wait3A_1430 = tpu.memref_squeeze %dma_wait3A_1429 : memref<1x32768xf32, #tpu.memory_space<hbm>> -> memref<32768xf32, #tpu.memory_space<hbm>>
      %dma_wait3A_1431 = arith.constant 0 : i32
      %dma_wait3A_1432 = tpu.memref_slice %arg2[%add3A_1427, %dma_wait3A_1431] : memref<512x32768xf32, #tpu.memory_space<hbm>> -> memref<1x32768xf32, #tpu.memory_space<hbm>>
      %dma_wait3A_1433 = tpu.memref_squeeze %dma_wait3A_1432 : memref<1x32768xf32, #tpu.memory_space<hbm>> -> memref<32768xf32, #tpu.memory_space<hbm>>
      tpu.wait_dma2 semaphore(%arg10 : memref<!tpu.dma_semaphore, #tpu.memory_space<semaphore_mem>>) src(%dma_wait3A_1433 : memref<32768xf32, #tpu.memory_space<hbm>>) dst(%arg6 : memref<32768xf32, #tpu.memory_space<vmem>>)
      %add3A_1434 = arith.constant 1 : i32
      %add3A_1435 = arith.addi %add3A_1426, %add3A_1434 : i32
      %lt3A_1436 = arith.constant 4 : i32
      %lt3A_1437 = arith.cmpi slt, %add3A_1435, %lt3A_1436 : i32
      %convert_element_type3A_1438 = arith.extui %lt3A_1437 : i1 to i32
      %cond3A_1439 = arith.constant 0 : i32
      %cond3A_1440 = arith.cmpi ne, %convert_element_type3A_1438, %cond3A_1439 : i32
      scf.if %cond3A_1440 {
        %add3A_2097 = arith.addi %mul3A_4, %add3A_1426 : i32
        %add3A_2098 = arith.constant 1 : i32
        %add3A_2099 = arith.addi %add3A_2097, %add3A_2098 : i32
        %dma_start3A_2100 = arith.constant 0 : i32
        %dma_start3A_2101 = tpu.memref_slice %arg2[%add3A_2099, %dma_start3A_2100] : memref<512x32768xf32, #tpu.memory_space<hbm>> -> memref<1x32768xf32, #tpu.memory_space<hbm>>
        %dma_start3A_2102 = tpu.memref_squeeze %dma_start3A_2101 : memref<1x32768xf32, #tpu.memory_space<hbm>> -> memref<32768xf32, #tpu.memory_space<hbm>>
        %dma_start3A_2103 = arith.constant 0 : i32
        %dma_start3A_2104 = tpu.memref_slice %arg2[%add3A_2099, %dma_start3A_2103] : memref<512x32768xf32, #tpu.memory_space<hbm>> -> memref<1x32768xf32, #tpu.memory_space<hbm>>
        %dma_start3A_2105 = tpu.memref_squeeze %dma_start3A_2104 : memref<1x32768xf32, #tpu.memory_space<hbm>> -> memref<32768xf32, #tpu.memory_space<hbm>>
        tpu.enqueue_dma source(%dma_start3A_2105 : memref<32768xf32, #tpu.memory_space<hbm>>) target(%arg5 : memref<32768xf32, #tpu.memory_space<vmem>>) target_semaphore(%arg9 : memref<!tpu.dma_semaphore, #tpu.memory_space<semaphore_mem>>)
      } else {
      }
      %iota3A_1441 = tpu.iota {dimensions = array<i32: 0>} : vector<16xi32>
      %broadcast_in_dim3A_1442 = arith.constant 0.000000e+00 : f32
      %broadcast_in_dim3A_1443 = vector.broadcast %broadcast_in_dim3A_1442 : f32 to vector<16xf32>
      %broadcast_in_dim3A_1444 = arith.constant 0xFF800000 : f32
      %broadcast_in_dim3A_1445 = vector.broadcast %broadcast_in_dim3A_1444 : f32 to vector<16xf32>
      %broadcast_in_dim3A_1446 = arith.constant 0 : i32
      %broadcast_in_dim3A_1447 = vector.broadcast %broadcast_in_dim3A_1446 : i32 to vector<16xi32>
      %scan3A_1448 = arith.constant 0 : i32
      %scan3A_1449 = arith.constant 2048 : i32
      %scan3A_1450 = arith.addi %scan3A_1448, %scan3A_1449 : i32
      %scan3A_1451 = arith.constant 4 : i32
      %scan3A_1452:9 = scf.for %scan3A_2097 = %scan3A_1448 to %scan3A_1450 step %scan3A_1451 iter_args(%scan3A_2098 = %broadcast_in_dim3A_1443, %scan3A_2099 = %broadcast_in_dim3A_1445, %scan3A_2100 = %broadcast_in_dim3A_1445, %scan3A_2101 = %broadcast_in_dim3A_1445, %scan3A_2102 = %broadcast_in_dim3A_1445, %scan3A_2103 = %broadcast_in_dim3A_1447, %scan3A_2104 = %broadcast_in_dim3A_1447, %scan3A_2105 = %broadcast_in_dim3A_1447, %scan3A_2106 = %broadcast_in_dim3A_1447) -> (vector<16xf32>, vector<16xf32>, vector<16xf32>, vector<16xf32>, vector<16xf32>, vector<16xi32>, vector<16xi32>, vector<16xi32>, vector<16xi32>)  : i32 {
        %mul3A_2107 = arith.constant 16 : i32
        %mul3A_2108 = arith.muli %scan3A_2097, %mul3A_2107 : i32
        %get3A_2109 = arith.index_cast %mul3A_2108 : i32 to index
        %get3A_2110 = tpu.vector_load %arg6[%get3A_2109] {strides = array<i32>} : memref<32768xf32, #tpu.memory_space<vmem>>, vector<16xf32>,
        %get3A_2111 = vector.shape_cast %get3A_2110 : vector<16xf32> to vector<16xf32>
        %exp3A_2112 = math.exp %get3A_2111 : vector<16xf32>
        %add3A_2113 = arith.addf %scan3A_2098, %exp3A_2112 : vector<16xf32>
        %mul3A_2114 = arith.constant 16 : i32
        %mul3A_2115 = arith.muli %scan3A_2097, %mul3A_2114 : i32
        %add3A_2116 = vector.broadcast %mul3A_2115 : i32 to vector<16xi32>
        %add3A_2117 = arith.addi %add3A_2116, %iota3A_1441 : vector<16xi32>
        %gt3A = arith.cmpf ogt, %get3A_2111, %scan3A_2099 : vector<16xf32>
        %gt3A_2118 = arith.cmpf ogt, %get3A_2111, %scan3A_2100 : vector<16xf32>
        %gt3A_2119 = arith.cmpf ogt, %get3A_2111, %scan3A_2101 : vector<16xf32>
        %gt3A_2120 = arith.cmpf ogt, %get3A_2111, %scan3A_2102 : vector<16xf32>
        %select_n3A_2121 = arith.select %gt3A_2120, %get3A_2111, %scan3A_2102 : vector<16xi1>, vector<16xf32>
        %select_n3A_2122 = arith.select %gt3A_2119, %scan3A_2101, %select_n3A_2121 : vector<16xi1>, vector<16xf32>
        %select_n3A_2123 = arith.select %gt3A_2120, %add3A_2117, %scan3A_2106 : vector<16xi1>, vector<16xi32>
        %select_n3A_2124 = arith.select %gt3A_2119, %scan3A_2105, %select_n3A_2123 : vector<16xi1>, vector<16xi32>
        %select_n3A_2125 = arith.select %gt3A_2119, %get3A_2111, %scan3A_2101 : vector<16xi1>, vector<16xf32>
        %select_n3A_2126 = arith.select %gt3A_2118, %scan3A_2100, %select_n3A_2125 : vector<16xi1>, vector<16xf32>
        %select_n3A_2127 = arith.select %gt3A_2119, %add3A_2117, %scan3A_2105 : vector<16xi1>, vector<16xi32>
        %select_n3A_2128 = arith.select %gt3A_2118, %scan3A_2104, %select_n3A_2127 : vector<16xi1>, vector<16xi32>
        %select_n3A_2129 = arith.select %gt3A_2118, %get3A_2111, %scan3A_2100 : vector<16xi1>, vector<16xf32>
        %select_n3A_2130 = arith.select %gt3A, %scan3A_2099, %select_n3A_2129 : vector<16xi1>, vector<16xf32>
        %select_n3A_2131 = arith.select %gt3A_2118, %add3A_2117, %scan3A_2104 : vector<16xi1>, vector<16xi32>
        %select_n3A_2132 = arith.select %gt3A, %scan3A_2103, %select_n3A_2131 : vector<16xi1>, vector<16xi32>
        %select_n3A_2133 = arith.select %gt3A, %get3A_2111, %scan3A_2099 : vector<16xi1>, vector<16xf32>
        %select_n3A_2134 = arith.select %gt3A, %add3A_2117, %scan3A_2103 : vector<16xi1>, vector<16xi32>
        %scan3A_2135 = arith.constant 1 : i32
        %scan3A_2136 = arith.addi %scan3A_2097, %scan3A_2135 : i32
        %mul3A_2137 = arith.constant 16 : i32
        %mul3A_2138 = arith.muli %scan3A_2136, %mul3A_2137 : i32
        %get3A_2139 = arith.index_cast %mul3A_2138 : i32 to index
        %get3A_2140 = tpu.vector_load %arg6[%get3A_2139] {strides = array<i32>} : memref<32768xf32, #tpu.memory_space<vmem>>, vector<16xf32>,
        %get3A_2141 = vector.shape_cast %get3A_2140 : vector<16xf32> to vector<16xf32>
        %exp3A_2142 = math.exp %get3A_2141 : vector<16xf32>
        %add3A_2143 = arith.addf %add3A_2113, %exp3A_2142 : vector<16xf32>
        %mul3A_2144 = arith.constant 16 : i32
        %mul3A_2145 = arith.muli %scan3A_2136, %mul3A_2144 : i32
        %add3A_2146 = vector.broadcast %mul3A_2145 : i32 to vector<16xi32>
        %add3A_2147 = arith.addi %add3A_2146, %iota3A_1441 : vector<16xi32>
        %gt3A_2148 = arith.cmpf ogt, %get3A_2141, %select_n3A_2133 : vector<16xf32>
        %gt3A_2149 = arith.cmpf ogt, %get3A_2141, %select_n3A_2130 : vector<16xf32>
        %gt3A_2150 = arith.cmpf ogt, %get3A_2141, %select_n3A_2126 : vector<16xf32>
        %gt3A_2151 = arith.cmpf ogt, %get3A_2141, %select_n3A_2122 : vector<16xf32>
        %select_n3A_2152 = arith.select %gt3A_2151, %get3A_2141, %select_n3A_2122 : vector<16xi1>, vector<16xf32>
        %select_n3A_2153 = arith.select %gt3A_2150, %select_n3A_2126, %select_n3A_2152 : vector<16xi1>, vector<16xf32>
        %select_n3A_2154 = arith.select %gt3A_2151, %add3A_2147, %select_n3A_2124 : vector<16xi1>, vector<16xi32>
        %select_n3A_2155 = arith.select %gt3A_2150, %select_n3A_2128, %select_n3A_2154 : vector<16xi1>, vector<16xi32>
        %select_n3A_2156 = arith.select %gt3A_2150, %get3A_2141, %select_n3A_2126 : vector<16xi1>, vector<16xf32>
        %select_n3A_2157 = arith.select %gt3A_2149, %select_n3A_2130, %select_n3A_2156 : vector<16xi1>, vector<16xf32>
        %select_n3A_2158 = arith.select %gt3A_2150, %add3A_2147, %select_n3A_2128 : vector<16xi1>, vector<16xi32>
        %select_n3A_2159 = arith.select %gt3A_2149, %select_n3A_2132, %select_n3A_2158 : vector<16xi1>, vector<16xi32>
        %select_n3A_2160 = arith.select %gt3A_2149, %get3A_2141, %select_n3A_2130 : vector<16xi1>, vector<16xf32>
        %select_n3A_2161 = arith.select %gt3A_2148, %select_n3A_2133, %select_n3A_2160 : vector<16xi1>, vector<16xf32>
        %select_n3A_2162 = arith.select %gt3A_2149, %add3A_2147, %select_n3A_2132 : vector<16xi1>, vector<16xi32>
        %select_n3A_2163 = arith.select %gt3A_2148, %select_n3A_2134, %select_n3A_2162 : vector<16xi1>, vector<16xi32>
        %select_n3A_2164 = arith.select %gt3A_2148, %get3A_2141, %select_n3A_2133 : vector<16xi1>, vector<16xf32>
        %select_n3A_2165 = arith.select %gt3A_2148, %add3A_2147, %select_n3A_2134 : vector<16xi1>, vector<16xi32>
        %scan3A_2166 = arith.constant 2 : i32
        %scan3A_2167 = arith.addi %scan3A_2097, %scan3A_2166 : i32
        %mul3A_2168 = arith.constant 16 : i32
        %mul3A_2169 = arith.muli %scan3A_2167, %mul3A_2168 : i32
        %get3A_2170 = arith.index_cast %mul3A_2169 : i32 to index
        %get3A_2171 = tpu.vector_load %arg6[%get3A_2170] {strides = array<i32>} : memref<32768xf32, #tpu.memory_space<vmem>>, vector<16xf32>,
        %get3A_2172 = vector.shape_cast %get3A_2171 : vector<16xf32> to vector<16xf32>
        %exp3A_2173 = math.exp %get3A_2172 : vector<16xf32>
        %add3A_2174 = arith.addf %add3A_2143, %exp3A_2173 : vector<16xf32>
        %mul3A_2175 = arith.constant 16 : i32
        %mul3A_2176 = arith.muli %scan3A_2167, %mul3A_2175 : i32
        %add3A_2177 = vector.broadcast %mul3A_2176 : i32 to vector<16xi32>
        %add3A_2178 = arith.addi %add3A_2177, %iota3A_1441 : vector<16xi32>
        %gt3A_2179 = arith.cmpf ogt, %get3A_2172, %select_n3A_2164 : vector<16xf32>
        %gt3A_2180 = arith.cmpf ogt, %get3A_2172, %select_n3A_2161 : vector<16xf32>
        %gt3A_2181 = arith.cmpf ogt, %get3A_2172, %select_n3A_2157 : vector<16xf32>
        %gt3A_2182 = arith.cmpf ogt, %get3A_2172, %select_n3A_2153 : vector<16xf32>
        %select_n3A_2183 = arith.select %gt3A_2182, %get3A_2172, %select_n3A_2153 : vector<16xi1>, vector<16xf32>
        %select_n3A_2184 = arith.select %gt3A_2181, %select_n3A_2157, %select_n3A_2183 : vector<16xi1>, vector<16xf32>
        %select_n3A_2185 = arith.select %gt3A_2182, %add3A_2178, %select_n3A_2155 : vector<16xi1>, vector<16xi32>
        %select_n3A_2186 = arith.select %gt3A_2181, %select_n3A_2159, %select_n3A_2185 : vector<16xi1>, vector<16xi32>
        %select_n3A_2187 = arith.select %gt3A_2181, %get3A_2172, %select_n3A_2157 : vector<16xi1>, vector<16xf32>
        %select_n3A_2188 = arith.select %gt3A_2180, %select_n3A_2161, %select_n3A_2187 : vector<16xi1>, vector<16xf32>
        %select_n3A_2189 = arith.select %gt3A_2181, %add3A_2178, %select_n3A_2159 : vector<16xi1>, vector<16xi32>
        %select_n3A_2190 = arith.select %gt3A_2180, %select_n3A_2163, %select_n3A_2189 : vector<16xi1>, vector<16xi32>
        %select_n3A_2191 = arith.select %gt3A_2180, %get3A_2172, %select_n3A_2161 : vector<16xi1>, vector<16xf32>
        %select_n3A_2192 = arith.select %gt3A_2179, %select_n3A_2164, %select_n3A_2191 : vector<16xi1>, vector<16xf32>
        %select_n3A_2193 = arith.select %gt3A_2180, %add3A_2178, %select_n3A_2163 : vector<16xi1>, vector<16xi32>
        %select_n3A_2194 = arith.select %gt3A_2179, %select_n3A_2165, %select_n3A_2193 : vector<16xi1>, vector<16xi32>
        %select_n3A_2195 = arith.select %gt3A_2179, %get3A_2172, %select_n3A_2164 : vector<16xi1>, vector<16xf32>
        %select_n3A_2196 = arith.select %gt3A_2179, %add3A_2178, %select_n3A_2165 : vector<16xi1>, vector<16xi32>
        %scan3A_2197 = arith.constant 3 : i32
        %scan3A_2198 = arith.addi %scan3A_2097, %scan3A_2197 : i32
        %mul3A_2199 = arith.constant 16 : i32
        %mul3A_2200 = arith.muli %scan3A_2198, %mul3A_2199 : i32
        %get3A_2201 = arith.index_cast %mul3A_2200 : i32 to index
        %get3A_2202 = tpu.vector_load %arg6[%get3A_2201] {strides = array<i32>} : memref<32768xf32, #tpu.memory_space<vmem>>, vector<16xf32>,
        %get3A_2203 = vector.shape_cast %get3A_2202 : vector<16xf32> to vector<16xf32>
        %exp3A_2204 = math.exp %get3A_2203 : vector<16xf32>
        %add3A_2205 = arith.addf %add3A_2174, %exp3A_2204 : vector<16xf32>
        %mul3A_2206 = arith.constant 16 : i32
        %mul3A_2207 = arith.muli %scan3A_2198, %mul3A_2206 : i32
        %add3A_2208 = vector.broadcast %mul3A_2207 : i32 to vector<16xi32>
        %add3A_2209 = arith.addi %add3A_2208, %iota3A_1441 : vector<16xi32>
        %gt3A_2210 = arith.cmpf ogt, %get3A_2203, %select_n3A_2195 : vector<16xf32>
        %gt3A_2211 = arith.cmpf ogt, %get3A_2203, %select_n3A_2192 : vector<16xf32>
        %gt3A_2212 = arith.cmpf ogt, %get3A_2203, %select_n3A_2188 : vector<16xf32>
        %gt3A_2213 = arith.cmpf ogt, %get3A_2203, %select_n3A_2184 : vector<16xf32>
        %select_n3A_2214 = arith.select %gt3A_2213, %get3A_2203, %select_n3A_2184 : vector<16xi1>, vector<16xf32>
        %select_n3A_2215 = arith.select %gt3A_2212, %select_n3A_2188, %select_n3A_2214 : vector<16xi1>, vector<16xf32>
        %select_n3A_2216 = arith.select %gt3A_2213, %add3A_2209, %select_n3A_2186 : vector<16xi1>, vector<16xi32>
        %select_n3A_2217 = arith.select %gt3A_2212, %select_n3A_2190, %select_n3A_2216 : vector<16xi1>, vector<16xi32>
        %select_n3A_2218 = arith.select %gt3A_2212, %get3A_2203, %select_n3A_2188 : vector<16xi1>, vector<16xf32>
        %select_n3A_2219 = arith.select %gt3A_2211, %select_n3A_2192, %select_n3A_2218 : vector<16xi1>, vector<16xf32>
        %select_n3A_2220 = arith.select %gt3A_2212, %add3A_2209, %select_n3A_2190 : vector<16xi1>, vector<16xi32>
        %select_n3A_2221 = arith.select %gt3A_2211, %select_n3A_2194, %select_n3A_2220 : vector<16xi1>, vector<16xi32>
        %select_n3A_2222 = arith.select %gt3A_2211, %get3A_2203, %select_n3A_2192 : vector<16xi1>, vector<16xf32>
        %select_n3A_2223 = arith.select %gt3A_2210, %select_n3A_2195, %select_n3A_2222 : vector<16xi1>, vector<16xf32>
        %select_n3A_2224 = arith.select %gt3A_2211, %add3A_2209, %select_n3A_2194 : vector<16xi1>, vector<16xi32>
        %select_n3A_2225 = arith.select %gt3A_2210, %select_n3A_2196, %select_n3A_2224 : vector<16xi1>, vector<16xi32>
        %select_n3A_2226 = arith.select %gt3A_2210, %get3A_2203, %select_n3A_2195 : vector<16xi1>, vector<16xf32>
        %select_n3A_2227 = arith.select %gt3A_2210, %add3A_2209, %select_n3A_2196 : vector<16xi1>, vector<16xi32>
        scf.yield %add3A_2205, %select_n3A_2226, %select_n3A_2223, %select_n3A_2219, %select_n3A_2215, %select_n3A_2227, %select_n3A_2225, %select_n3A_2221, %select_n3A_2217 : vector<16xf32>, vector<16xf32>, vector<16xf32>, vector<16xf32>, vector<16xf32>, vector<16xi32>, vector<16xi32>, vector<16xi32>, vector<16xi32>
      }
      %scan3A_1453 = arith.constant 2048 : i32
      %iota3A_1454 = tpu.iota {dimensions = array<i32: 0>} : vector<16xi32>
      %xor3A_1455 = arith.constant 1 : i32
      %xor3A_1456 = vector.broadcast %xor3A_1455 : i32 to vector<16xi32>
      %xor3A_1457 = arith.xori %iota3A_1454, %xor3A_1456 : vector<16xi32>
      %lt3A_1458 = arith.constant 0 : i32
      %lt3A_1459 = vector.broadcast %lt3A_1458 : i32 to vector<16xi32>
      %lt3A_1460 = arith.cmpi slt, %xor3A_1457, %lt3A_1459 : vector<16xi32>
      %add3A_1461 = arith.constant 16 : i32
      %add3A_1462 = vector.broadcast %add3A_1461 : i32 to vector<16xi32>
      %add3A_1463 = arith.addi %xor3A_1457, %add3A_1462 : vector<16xi32>
      %select_n3A_1464 = arith.select %lt3A_1460, %add3A_1463, %xor3A_1457 : vector<16xi1>, vector<16xi32>
      %broadcast_in_dim3A_1465 = vector.shape_cast %select_n3A_1464 : vector<16xi32> to vector<16x1xi32>
      %gather3A_1466 = vector.shape_cast %broadcast_in_dim3A_1465 : vector<16x1xi32> to vector<16xi32>
      %gather3A_1467 = tpu.dynamic_gather %scan3A_1452#0[%gather3A_1466] in [0] : vector<16xf32>, vector<16xi32> -> vector<16xf32>
      %add3A_1468 = arith.addf %scan3A_1452#0, %gather3A_1467 : vector<16xf32>
      %xor3A_1469 = arith.constant 2 : i32
      %xor3A_1470 = vector.broadcast %xor3A_1469 : i32 to vector<16xi32>
      %xor3A_1471 = arith.xori %iota3A_1454, %xor3A_1470 : vector<16xi32>
      %lt3A_1472 = arith.constant 0 : i32
      %lt3A_1473 = vector.broadcast %lt3A_1472 : i32 to vector<16xi32>
      %lt3A_1474 = arith.cmpi slt, %xor3A_1471, %lt3A_1473 : vector<16xi32>
      %add3A_1475 = arith.constant 16 : i32
      %add3A_1476 = vector.broadcast %add3A_1475 : i32 to vector<16xi32>
      %add3A_1477 = arith.addi %xor3A_1471, %add3A_1476 : vector<16xi32>
      %select_n3A_1478 = arith.select %lt3A_1474, %add3A_1477, %xor3A_1471 : vector<16xi1>, vector<16xi32>
      %broadcast_in_dim3A_1479 = vector.shape_cast %select_n3A_1478 : vector<16xi32> to vector<16x1xi32>
      %gather3A_1480 = vector.shape_cast %broadcast_in_dim3A_1479 : vector<16x1xi32> to vector<16xi32>
      %gather3A_1481 = tpu.dynamic_gather %add3A_1468[%gather3A_1480] in [0] : vector<16xf32>, vector<16xi32> -> vector<16xf32>
      %add3A_1482 = arith.addf %add3A_1468, %gather3A_1481 : vector<16xf32>
      %xor3A_1483 = arith.constant 4 : i32
      %xor3A_1484 = vector.broadcast %xor3A_1483 : i32 to vector<16xi32>
      %xor3A_1485 = arith.xori %iota3A_1454, %xor3A_1484 : vector<16xi32>
      %lt3A_1486 = arith.constant 0 : i32
      %lt3A_1487 = vector.broadcast %lt3A_1486 : i32 to vector<16xi32>
      %lt3A_1488 = arith.cmpi slt, %xor3A_1485, %lt3A_1487 : vector<16xi32>
      %add3A_1489 = arith.constant 16 : i32
      %add3A_1490 = vector.broadcast %add3A_1489 : i32 to vector<16xi32>
      %add3A_1491 = arith.addi %xor3A_1485, %add3A_1490 : vector<16xi32>
      %select_n3A_1492 = arith.select %lt3A_1488, %add3A_1491, %xor3A_1485 : vector<16xi1>, vector<16xi32>
      %broadcast_in_dim3A_1493 = vector.shape_cast %select_n3A_1492 : vector<16xi32> to vector<16x1xi32>
      %gather3A_1494 = vector.shape_cast %broadcast_in_dim3A_1493 : vector<16x1xi32> to vector<16xi32>
      %gather3A_1495 = tpu.dynamic_gather %add3A_1482[%gather3A_1494] in [0] : vector<16xf32>, vector<16xi32> -> vector<16xf32>
      %add3A_1496 = arith.addf %add3A_1482, %gather3A_1495 : vector<16xf32>
      %xor3A_1497 = arith.constant 8 : i32
      %xor3A_1498 = vector.broadcast %xor3A_1497 : i32 to vector<16xi32>
      %xor3A_1499 = arith.xori %iota3A_1454, %xor3A_1498 : vector<16xi32>
      %lt3A_1500 = arith.constant 0 : i32
      %lt3A_1501 = vector.broadcast %lt3A_1500 : i32 to vector<16xi32>
      %lt3A_1502 = arith.cmpi slt, %xor3A_1499, %lt3A_1501 : vector<16xi32>
      %add3A_1503 = arith.constant 16 : i32
      %add3A_1504 = vector.broadcast %add3A_1503 : i32 to vector<16xi32>
      %add3A_1505 = arith.addi %xor3A_1499, %add3A_1504 : vector<16xi32>
      %select_n3A_1506 = arith.select %lt3A_1502, %add3A_1505, %xor3A_1499 : vector<16xi1>, vector<16xi32>
      %broadcast_in_dim3A_1507 = vector.shape_cast %select_n3A_1506 : vector<16xi32> to vector<16x1xi32>
      %gather3A_1508 = vector.shape_cast %broadcast_in_dim3A_1507 : vector<16x1xi32> to vector<16xi32>
      %gather3A_1509 = tpu.dynamic_gather %add3A_1496[%gather3A_1508] in [0] : vector<16xf32>, vector<16xi32> -> vector<16xf32>
      %add3A_1510 = arith.addf %add3A_1496, %gather3A_1509 : vector<16xf32>
      %bitcast_convert_type3A_1511 = tpu.bitcast %add3A_1510 : vector<16xf32> -> vector<16xi32>
      %shift_right_arithmetic3A_1512 = arith.constant 23 : i32
      %shift_right_arithmetic3A_1513 = vector.broadcast %shift_right_arithmetic3A_1512 : i32 to vector<16xi32>
      %shift_right_arithmetic3A_1514 = arith.shrsi %bitcast_convert_type3A_1511, %shift_right_arithmetic3A_1513 : vector<16xi32>
      %and3A_1515 = arith.constant 255 : i32
      %and3A_1516 = vector.broadcast %and3A_1515 : i32 to vector<16xi32>
      %and3A_1517 = arith.andi %shift_right_arithmetic3A_1514, %and3A_1516 : vector<16xi32>
      %sub3A_1518 = arith.constant 127 : i32
      %sub3A_1519 = vector.broadcast %sub3A_1518 : i32 to vector<16xi32>
      %sub3A_1520 = arith.subi %and3A_1517, %sub3A_1519 : vector<16xi32>
      %and3A_1521 = arith.constant 8388607 : i32
      %and3A_1522 = vector.broadcast %and3A_1521 : i32 to vector<16xi32>
      %and3A_1523 = arith.andi %bitcast_convert_type3A_1511, %and3A_1522 : vector<16xi32>
      %or3A_1524 = arith.constant 1065353216 : i32
      %or3A_1525 = vector.broadcast %or3A_1524 : i32 to vector<16xi32>
      %or3A_1526 = arith.ori %and3A_1523, %or3A_1525 : vector<16xi32>
      %bitcast_convert_type3A_1527 = tpu.bitcast %or3A_1526 : vector<16xi32> -> vector<16xf32>
      %sub3A_1528 = arith.constant 1.000000e+00 : f32
      %sub3A_1529 = vector.broadcast %sub3A_1528 : f32 to vector<16xf32>
      %sub3A_1530 = arith.subf %bitcast_convert_type3A_1527, %sub3A_1529 : vector<16xf32>
      %convert_element_type3A_1531 = arith.sitofp %sub3A_1520 : vector<16xi32> to vector<16xf32>
      %mul3A_1532 = arith.constant 0.693147182 : f32
      %mul3A_1533 = vector.broadcast %mul3A_1532 : f32 to vector<16xf32>
      %mul3A_1534 = arith.mulf %convert_element_type3A_1531, %mul3A_1533 : vector<16xf32>
      %mul3A_1535 = arith.constant 0.333333343 : f32
      %mul3A_1536 = vector.broadcast %mul3A_1535 : f32 to vector<16xf32>
      %mul3A_1537 = arith.mulf %sub3A_1530, %mul3A_1536 : vector<16xf32>
      %add3A_1538 = arith.constant -5.000000e-01 : f32
      %add3A_1539 = vector.broadcast %add3A_1538 : f32 to vector<16xf32>
      %add3A_1540 = arith.addf %add3A_1539, %mul3A_1537 : vector<16xf32>
      %mul3A_1541 = arith.mulf %sub3A_1530, %add3A_1540 : vector<16xf32>
      %add3A_1542 = arith.constant 1.000000e+00 : f32
      %add3A_1543 = vector.broadcast %add3A_1542 : f32 to vector<16xf32>
      %add3A_1544 = arith.addf %add3A_1543, %mul3A_1541 : vector<16xf32>
      %mul3A_1545 = arith.mulf %sub3A_1530, %add3A_1544 : vector<16xf32>
      %add3A_1546 = arith.addf %mul3A_1534, %mul3A_1545 : vector<16xf32>
      %neg3A_1547 = arith.constant 0.000000e+00 : f32
      %neg3A_1548 = vector.broadcast %neg3A_1547 : f32 to vector<16xf32>
      %neg3A_1549 = arith.subf %neg3A_1548, %add3A_1546 : vector<16xf32>
      %exp3A_1550 = math.exp %neg3A_1549 : vector<16xf32>
      %mul3A_1551 = arith.mulf %add3A_1510, %exp3A_1550 : vector<16xf32>
      %add3A_1552 = arith.addf %add3A_1546, %mul3A_1551 : vector<16xf32>
      %sub3A_1553 = arith.constant 1.000000e+00 : f32
      %sub3A_1554 = vector.broadcast %sub3A_1553 : f32 to vector<16xf32>
      %sub3A_1555 = arith.subf %add3A_1552, %sub3A_1554 : vector<16xf32>
      %neg3A_1556 = arith.constant 0.000000e+00 : f32
      %neg3A_1557 = vector.broadcast %neg3A_1556 : f32 to vector<16xf32>
      %neg3A_1558 = arith.subf %neg3A_1557, %sub3A_1555 : vector<16xf32>
      %exp3A_1559 = math.exp %neg3A_1558 : vector<16xf32>
      %mul3A_1560 = arith.mulf %add3A_1510, %exp3A_1559 : vector<16xf32>
      %add3A_1561 = arith.addf %sub3A_1555, %mul3A_1560 : vector<16xf32>
      %sub3A_1562 = arith.constant 1.000000e+00 : f32
      %sub3A_1563 = vector.broadcast %sub3A_1562 : f32 to vector<16xf32>
      %sub3A_1564 = arith.subf %add3A_1561, %sub3A_1563 : vector<16xf32>
      %neg3A_1565 = arith.constant 0.000000e+00 : f32
      %neg3A_1566 = vector.broadcast %neg3A_1565 : f32 to vector<16xf32>
      %neg3A_1567 = arith.subf %neg3A_1566, %sub3A_1564 : vector<16xf32>
      %exp3A_1568 = math.exp %neg3A_1567 : vector<16xf32>
      %mul3A_1569 = arith.mulf %add3A_1510, %exp3A_1568 : vector<16xf32>
      %add3A_1570 = arith.addf %sub3A_1564, %mul3A_1569 : vector<16xf32>
      %sub3A_1571 = arith.constant 1.000000e+00 : f32
      %sub3A_1572 = vector.broadcast %sub3A_1571 : f32 to vector<16xf32>
      %sub3A_1573 = arith.subf %add3A_1570, %sub3A_1572 : vector<16xf32>
      %eq3A_1574 = vector.broadcast %add3A_1426 : i32 to vector<16xi32>
      %eq3A_1575 = arith.cmpi eq, %iota3A_1441, %eq3A_1574 : vector<16xi32>
      %select_n3A_1576 = arith.select %eq3A_1575, %sub3A_1573, %select_n3A_902 : vector<16xi1>, vector<16xf32>
      %iota3A_1577 = tpu.iota {dimensions = array<i32: 0>} : vector<16xi32>
      %xor3A_1578 = arith.constant 1 : i32
      %xor3A_1579 = vector.broadcast %xor3A_1578 : i32 to vector<16xi32>
      %xor3A_1580 = arith.xori %iota3A_1577, %xor3A_1579 : vector<16xi32>
      %lt3A_1581 = arith.constant 0 : i32
      %lt3A_1582 = vector.broadcast %lt3A_1581 : i32 to vector<16xi32>
      %lt3A_1583 = arith.cmpi slt, %xor3A_1580, %lt3A_1582 : vector<16xi32>
      %add3A_1584 = arith.constant 16 : i32
      %add3A_1585 = vector.broadcast %add3A_1584 : i32 to vector<16xi32>
      %add3A_1586 = arith.addi %xor3A_1580, %add3A_1585 : vector<16xi32>
      %select_n3A_1587 = arith.select %lt3A_1583, %add3A_1586, %xor3A_1580 : vector<16xi1>, vector<16xi32>
      %broadcast_in_dim3A_1588 = vector.shape_cast %select_n3A_1587 : vector<16xi32> to vector<16x1xi32>
      %gather3A_1589 = vector.shape_cast %broadcast_in_dim3A_1588 : vector<16x1xi32> to vector<16xi32>
      %gather3A_1590 = tpu.dynamic_gather %scan3A_1452#1[%gather3A_1589] in [0] : vector<16xf32>, vector<16xi32> -> vector<16xf32>
      %max3A_1591 = arith.maximumf %scan3A_1452#1, %gather3A_1590 : vector<16xf32>
      %xor3A_1592 = arith.constant 2 : i32
      %xor3A_1593 = vector.broadcast %xor3A_1592 : i32 to vector<16xi32>
      %xor3A_1594 = arith.xori %iota3A_1577, %xor3A_1593 : vector<16xi32>
      %lt3A_1595 = arith.constant 0 : i32
      %lt3A_1596 = vector.broadcast %lt3A_1595 : i32 to vector<16xi32>
      %lt3A_1597 = arith.cmpi slt, %xor3A_1594, %lt3A_1596 : vector<16xi32>
      %add3A_1598 = arith.constant 16 : i32
      %add3A_1599 = vector.broadcast %add3A_1598 : i32 to vector<16xi32>
      %add3A_1600 = arith.addi %xor3A_1594, %add3A_1599 : vector<16xi32>
      %select_n3A_1601 = arith.select %lt3A_1597, %add3A_1600, %xor3A_1594 : vector<16xi1>, vector<16xi32>
      %broadcast_in_dim3A_1602 = vector.shape_cast %select_n3A_1601 : vector<16xi32> to vector<16x1xi32>
      %gather3A_1603 = vector.shape_cast %broadcast_in_dim3A_1602 : vector<16x1xi32> to vector<16xi32>
      %gather3A_1604 = tpu.dynamic_gather %max3A_1591[%gather3A_1603] in [0] : vector<16xf32>, vector<16xi32> -> vector<16xf32>
      %max3A_1605 = arith.maximumf %max3A_1591, %gather3A_1604 : vector<16xf32>
      %xor3A_1606 = arith.constant 4 : i32
      %xor3A_1607 = vector.broadcast %xor3A_1606 : i32 to vector<16xi32>
      %xor3A_1608 = arith.xori %iota3A_1577, %xor3A_1607 : vector<16xi32>
      %lt3A_1609 = arith.constant 0 : i32
      %lt3A_1610 = vector.broadcast %lt3A_1609 : i32 to vector<16xi32>
      %lt3A_1611 = arith.cmpi slt, %xor3A_1608, %lt3A_1610 : vector<16xi32>
      %add3A_1612 = arith.constant 16 : i32
      %add3A_1613 = vector.broadcast %add3A_1612 : i32 to vector<16xi32>
      %add3A_1614 = arith.addi %xor3A_1608, %add3A_1613 : vector<16xi32>
      %select_n3A_1615 = arith.select %lt3A_1611, %add3A_1614, %xor3A_1608 : vector<16xi1>, vector<16xi32>
      %broadcast_in_dim3A_1616 = vector.shape_cast %select_n3A_1615 : vector<16xi32> to vector<16x1xi32>
      %gather3A_1617 = vector.shape_cast %broadcast_in_dim3A_1616 : vector<16x1xi32> to vector<16xi32>
      %gather3A_1618 = tpu.dynamic_gather %max3A_1605[%gather3A_1617] in [0] : vector<16xf32>, vector<16xi32> -> vector<16xf32>
      %max3A_1619 = arith.maximumf %max3A_1605, %gather3A_1618 : vector<16xf32>
      %xor3A_1620 = arith.constant 8 : i32
      %xor3A_1621 = vector.broadcast %xor3A_1620 : i32 to vector<16xi32>
      %xor3A_1622 = arith.xori %iota3A_1577, %xor3A_1621 : vector<16xi32>
      %lt3A_1623 = arith.constant 0 : i32
      %lt3A_1624 = vector.broadcast %lt3A_1623 : i32 to vector<16xi32>
      %lt3A_1625 = arith.cmpi slt, %xor3A_1622, %lt3A_1624 : vector<16xi32>
      %add3A_1626 = arith.constant 16 : i32
      %add3A_1627 = vector.broadcast %add3A_1626 : i32 to vector<16xi32>
      %add3A_1628 = arith.addi %xor3A_1622, %add3A_1627 : vector<16xi32>
      %select_n3A_1629 = arith.select %lt3A_1625, %add3A_1628, %xor3A_1622 : vector<16xi1>, vector<16xi32>
      %broadcast_in_dim3A_1630 = vector.shape_cast %select_n3A_1629 : vector<16xi32> to vector<16x1xi32>
      %gather3A_1631 = vector.shape_cast %broadcast_in_dim3A_1630 : vector<16x1xi32> to vector<16xi32>
      %gather3A_1632 = tpu.dynamic_gather %max3A_1619[%gather3A_1631] in [0] : vector<16xf32>, vector<16xi32> -> vector<16xf32>
      %max3A_1633 = arith.maximumf %max3A_1619, %gather3A_1632 : vector<16xf32>
      %eq3A_1634 = arith.cmpf oeq, %scan3A_1452#1, %max3A_1633 : vector<16xf32>
      %jit3A_1635 = arith.constant 32768 : i32
      %broadcast_in_dim3A_1636 = vector.broadcast %jit3A_1635 : i32 to vector<16xi32>
      %select_n3A_1637 = arith.select %eq3A_1634, %scan3A_1452#5, %broadcast_in_dim3A_1636 : vector<16xi1>, vector<16xi32>
      %iota3A_1638 = tpu.iota {dimensions = array<i32: 0>} : vector<16xi32>
      %xor3A_1639 = arith.constant 1 : i32
      %xor3A_1640 = vector.broadcast %xor3A_1639 : i32 to vector<16xi32>
      %xor3A_1641 = arith.xori %iota3A_1638, %xor3A_1640 : vector<16xi32>
      %lt3A_1642 = arith.constant 0 : i32
      %lt3A_1643 = vector.broadcast %lt3A_1642 : i32 to vector<16xi32>
      %lt3A_1644 = arith.cmpi slt, %xor3A_1641, %lt3A_1643 : vector<16xi32>
      %add3A_1645 = arith.constant 16 : i32
      %add3A_1646 = vector.broadcast %add3A_1645 : i32 to vector<16xi32>
      %add3A_1647 = arith.addi %xor3A_1641, %add3A_1646 : vector<16xi32>
      %select_n3A_1648 = arith.select %lt3A_1644, %add3A_1647, %xor3A_1641 : vector<16xi1>, vector<16xi32>
      %broadcast_in_dim3A_1649 = vector.shape_cast %select_n3A_1648 : vector<16xi32> to vector<16x1xi32>
      %gather3A_1650 = vector.shape_cast %broadcast_in_dim3A_1649 : vector<16x1xi32> to vector<16xi32>
      %gather3A_1651 = tpu.dynamic_gather %select_n3A_1637[%gather3A_1650] in [0] : vector<16xi32>, vector<16xi32> -> vector<16xi32>
      %min3A_1652 = arith.minsi %select_n3A_1637, %gather3A_1651 : vector<16xi32>
      %xor3A_1653 = arith.constant 2 : i32
      %xor3A_1654 = vector.broadcast %xor3A_1653 : i32 to vector<16xi32>
      %xor3A_1655 = arith.xori %iota3A_1638, %xor3A_1654 : vector<16xi32>
      %lt3A_1656 = arith.constant 0 : i32
      %lt3A_1657 = vector.broadcast %lt3A_1656 : i32 to vector<16xi32>
      %lt3A_1658 = arith.cmpi slt, %xor3A_1655, %lt3A_1657 : vector<16xi32>
      %add3A_1659 = arith.constant 16 : i32
      %add3A_1660 = vector.broadcast %add3A_1659 : i32 to vector<16xi32>
      %add3A_1661 = arith.addi %xor3A_1655, %add3A_1660 : vector<16xi32>
      %select_n3A_1662 = arith.select %lt3A_1658, %add3A_1661, %xor3A_1655 : vector<16xi1>, vector<16xi32>
      %broadcast_in_dim3A_1663 = vector.shape_cast %select_n3A_1662 : vector<16xi32> to vector<16x1xi32>
      %gather3A_1664 = vector.shape_cast %broadcast_in_dim3A_1663 : vector<16x1xi32> to vector<16xi32>
      %gather3A_1665 = tpu.dynamic_gather %min3A_1652[%gather3A_1664] in [0] : vector<16xi32>, vector<16xi32> -> vector<16xi32>
      %min3A_1666 = arith.minsi %min3A_1652, %gather3A_1665 : vector<16xi32>
      %xor3A_1667 = arith.constant 4 : i32
      %xor3A_1668 = vector.broadcast %xor3A_1667 : i32 to vector<16xi32>
      %xor3A_1669 = arith.xori %iota3A_1638, %xor3A_1668 : vector<16xi32>
      %lt3A_1670 = arith.constant 0 : i32
      %lt3A_1671 = vector.broadcast %lt3A_1670 : i32 to vector<16xi32>
      %lt3A_1672 = arith.cmpi slt, %xor3A_1669, %lt3A_1671 : vector<16xi32>
      %add3A_1673 = arith.constant 16 : i32
      %add3A_1674 = vector.broadcast %add3A_1673 : i32 to vector<16xi32>
      %add3A_1675 = arith.addi %xor3A_1669, %add3A_1674 : vector<16xi32>
      %select_n3A_1676 = arith.select %lt3A_1672, %add3A_1675, %xor3A_1669 : vector<16xi1>, vector<16xi32>
      %broadcast_in_dim3A_1677 = vector.shape_cast %select_n3A_1676 : vector<16xi32> to vector<16x1xi32>
      %gather3A_1678 = vector.shape_cast %broadcast_in_dim3A_1677 : vector<16x1xi32> to vector<16xi32>
      %gather3A_1679 = tpu.dynamic_gather %min3A_1666[%gather3A_1678] in [0] : vector<16xi32>, vector<16xi32> -> vector<16xi32>
      %min3A_1680 = arith.minsi %min3A_1666, %gather3A_1679 : vector<16xi32>
      %xor3A_1681 = arith.constant 8 : i32
      %xor3A_1682 = vector.broadcast %xor3A_1681 : i32 to vector<16xi32>
      %xor3A_1683 = arith.xori %iota3A_1638, %xor3A_1682 : vector<16xi32>
      %lt3A_1684 = arith.constant 0 : i32
      %lt3A_1685 = vector.broadcast %lt3A_1684 : i32 to vector<16xi32>
      %lt3A_1686 = arith.cmpi slt, %xor3A_1683, %lt3A_1685 : vector<16xi32>
      %add3A_1687 = arith.constant 16 : i32
      %add3A_1688 = vector.broadcast %add3A_1687 : i32 to vector<16xi32>
      %add3A_1689 = arith.addi %xor3A_1683, %add3A_1688 : vector<16xi32>
      %select_n3A_1690 = arith.select %lt3A_1686, %add3A_1689, %xor3A_1683 : vector<16xi1>, vector<16xi32>
      %broadcast_in_dim3A_1691 = vector.shape_cast %select_n3A_1690 : vector<16xi32> to vector<16x1xi32>
      %gather3A_1692 = vector.shape_cast %broadcast_in_dim3A_1691 : vector<16x1xi32> to vector<16xi32>
      %gather3A_1693 = tpu.dynamic_gather %min3A_1680[%gather3A_1692] in [0] : vector<16xi32>, vector<16xi32> -> vector<16xi32>
      %min3A_1694 = arith.minsi %min3A_1680, %gather3A_1693 : vector<16xi32>
      %select_n3A_1695 = arith.select %eq3A_1575, %max3A_1633, %select_n3A_1021 : vector<16xi1>, vector<16xf32>
      %select_n3A_1696 = arith.select %eq3A_1575, %min3A_1694, %select_n3A_1022 : vector<16xi1>, vector<16xi32>
      %eq3A_1697 = arith.cmpf oeq, %scan3A_1452#1, %max3A_1633 : vector<16xf32>
      %eq3A_1698 = arith.cmpi eq, %scan3A_1452#5, %min3A_1694 : vector<16xi32>
      %and3A_1699 = arith.andi %eq3A_1697, %eq3A_1698 : vector<16xi1>
      %select_n3A_1700 = arith.select %and3A_1699, %scan3A_1452#2, %scan3A_1452#1 : vector<16xi1>, vector<16xf32>
      %select_n3A_1701 = arith.select %and3A_1699, %scan3A_1452#6, %scan3A_1452#5 : vector<16xi1>, vector<16xi32>
      %select_n3A_1702 = arith.select %and3A_1699, %scan3A_1452#3, %scan3A_1452#2 : vector<16xi1>, vector<16xf32>
      %select_n3A_1703 = arith.select %and3A_1699, %scan3A_1452#7, %scan3A_1452#6 : vector<16xi1>, vector<16xi32>
      %select_n3A_1704 = arith.select %and3A_1699, %scan3A_1452#4, %scan3A_1452#3 : vector<16xi1>, vector<16xf32>
      %select_n3A_1705 = arith.select %and3A_1699, %scan3A_1452#8, %scan3A_1452#7 : vector<16xi1>, vector<16xi32>
      %select_n3A_1706 = arith.select %and3A_1699, %broadcast_in_dim3A_1445, %scan3A_1452#4 : vector<16xi1>, vector<16xf32>
      %iota3A_1707 = tpu.iota {dimensions = array<i32: 0>} : vector<16xi32>
      %xor3A_1708 = arith.constant 1 : i32
      %xor3A_1709 = vector.broadcast %xor3A_1708 : i32 to vector<16xi32>
      %xor3A_1710 = arith.xori %iota3A_1707, %xor3A_1709 : vector<16xi32>
      %lt3A_1711 = arith.constant 0 : i32
      %lt3A_1712 = vector.broadcast %lt3A_1711 : i32 to vector<16xi32>
      %lt3A_1713 = arith.cmpi slt, %xor3A_1710, %lt3A_1712 : vector<16xi32>
      %add3A_1714 = arith.constant 16 : i32
      %add3A_1715 = vector.broadcast %add3A_1714 : i32 to vector<16xi32>
      %add3A_1716 = arith.addi %xor3A_1710, %add3A_1715 : vector<16xi32>
      %select_n3A_1717 = arith.select %lt3A_1713, %add3A_1716, %xor3A_1710 : vector<16xi1>, vector<16xi32>
      %broadcast_in_dim3A_1718 = vector.shape_cast %select_n3A_1717 : vector<16xi32> to vector<16x1xi32>
      %gather3A_1719 = vector.shape_cast %broadcast_in_dim3A_1718 : vector<16x1xi32> to vector<16xi32>
      %gather3A_1720 = tpu.dynamic_gather %select_n3A_1700[%gather3A_1719] in [0] : vector<16xf32>, vector<16xi32> -> vector<16xf32>
      %max3A_1721 = arith.maximumf %select_n3A_1700, %gather3A_1720 : vector<16xf32>
      %xor3A_1722 = arith.constant 2 : i32
      %xor3A_1723 = vector.broadcast %xor3A_1722 : i32 to vector<16xi32>
      %xor3A_1724 = arith.xori %iota3A_1707, %xor3A_1723 : vector<16xi32>
      %lt3A_1725 = arith.constant 0 : i32
      %lt3A_1726 = vector.broadcast %lt3A_1725 : i32 to vector<16xi32>
      %lt3A_1727 = arith.cmpi slt, %xor3A_1724, %lt3A_1726 : vector<16xi32>
      %add3A_1728 = arith.constant 16 : i32
      %add3A_1729 = vector.broadcast %add3A_1728 : i32 to vector<16xi32>
      %add3A_1730 = arith.addi %xor3A_1724, %add3A_1729 : vector<16xi32>
      %select_n3A_1731 = arith.select %lt3A_1727, %add3A_1730, %xor3A_1724 : vector<16xi1>, vector<16xi32>
      %broadcast_in_dim3A_1732 = vector.shape_cast %select_n3A_1731 : vector<16xi32> to vector<16x1xi32>
      %gather3A_1733 = vector.shape_cast %broadcast_in_dim3A_1732 : vector<16x1xi32> to vector<16xi32>
      %gather3A_1734 = tpu.dynamic_gather %max3A_1721[%gather3A_1733] in [0] : vector<16xf32>, vector<16xi32> -> vector<16xf32>
      %max3A_1735 = arith.maximumf %max3A_1721, %gather3A_1734 : vector<16xf32>
      %xor3A_1736 = arith.constant 4 : i32
      %xor3A_1737 = vector.broadcast %xor3A_1736 : i32 to vector<16xi32>
      %xor3A_1738 = arith.xori %iota3A_1707, %xor3A_1737 : vector<16xi32>
      %lt3A_1739 = arith.constant 0 : i32
      %lt3A_1740 = vector.broadcast %lt3A_1739 : i32 to vector<16xi32>
      %lt3A_1741 = arith.cmpi slt, %xor3A_1738, %lt3A_1740 : vector<16xi32>
      %add3A_1742 = arith.constant 16 : i32
      %add3A_1743 = vector.broadcast %add3A_1742 : i32 to vector<16xi32>
      %add3A_1744 = arith.addi %xor3A_1738, %add3A_1743 : vector<16xi32>
      %select_n3A_1745 = arith.select %lt3A_1741, %add3A_1744, %xor3A_1738 : vector<16xi1>, vector<16xi32>
      %broadcast_in_dim3A_1746 = vector.shape_cast %select_n3A_1745 : vector<16xi32> to vector<16x1xi32>
      %gather3A_1747 = vector.shape_cast %broadcast_in_dim3A_1746 : vector<16x1xi32> to vector<16xi32>
      %gather3A_1748 = tpu.dynamic_gather %max3A_1735[%gather3A_1747] in [0] : vector<16xf32>, vector<16xi32> -> vector<16xf32>
      %max3A_1749 = arith.maximumf %max3A_1735, %gather3A_1748 : vector<16xf32>
      %xor3A_1750 = arith.constant 8 : i32
      %xor3A_1751 = vector.broadcast %xor3A_1750 : i32 to vector<16xi32>
      %xor3A_1752 = arith.xori %iota3A_1707, %xor3A_1751 : vector<16xi32>
      %lt3A_1753 = arith.constant 0 : i32
      %lt3A_1754 = vector.broadcast %lt3A_1753 : i32 to vector<16xi32>
      %lt3A_1755 = arith.cmpi slt, %xor3A_1752, %lt3A_1754 : vector<16xi32>
      %add3A_1756 = arith.constant 16 : i32
      %add3A_1757 = vector.broadcast %add3A_1756 : i32 to vector<16xi32>
      %add3A_1758 = arith.addi %xor3A_1752, %add3A_1757 : vector<16xi32>
      %select_n3A_1759 = arith.select %lt3A_1755, %add3A_1758, %xor3A_1752 : vector<16xi1>, vector<16xi32>
      %broadcast_in_dim3A_1760 = vector.shape_cast %select_n3A_1759 : vector<16xi32> to vector<16x1xi32>
      %gather3A_1761 = vector.shape_cast %broadcast_in_dim3A_1760 : vector<16x1xi32> to vector<16xi32>
      %gather3A_1762 = tpu.dynamic_gather %max3A_1749[%gather3A_1761] in [0] : vector<16xf32>, vector<16xi32> -> vector<16xf32>
      %max3A_1763 = arith.maximumf %max3A_1749, %gather3A_1762 : vector<16xf32>
      %eq3A_1764 = arith.cmpf oeq, %select_n3A_1700, %max3A_1763 : vector<16xf32>
      %jit3A_1765 = arith.constant 32768 : i32
      %broadcast_in_dim3A_1766 = vector.broadcast %jit3A_1765 : i32 to vector<16xi32>
      %select_n3A_1767 = arith.select %eq3A_1764, %select_n3A_1701, %broadcast_in_dim3A_1766 : vector<16xi1>, vector<16xi32>
      %iota3A_1768 = tpu.iota {dimensions = array<i32: 0>} : vector<16xi32>
      %xor3A_1769 = arith.constant 1 : i32
      %xor3A_1770 = vector.broadcast %xor3A_1769 : i32 to vector<16xi32>
      %xor3A_1771 = arith.xori %iota3A_1768, %xor3A_1770 : vector<16xi32>
      %lt3A_1772 = arith.constant 0 : i32
      %lt3A_1773 = vector.broadcast %lt3A_1772 : i32 to vector<16xi32>
      %lt3A_1774 = arith.cmpi slt, %xor3A_1771, %lt3A_1773 : vector<16xi32>
      %add3A_1775 = arith.constant 16 : i32
      %add3A_1776 = vector.broadcast %add3A_1775 : i32 to vector<16xi32>
      %add3A_1777 = arith.addi %xor3A_1771, %add3A_1776 : vector<16xi32>
      %select_n3A_1778 = arith.select %lt3A_1774, %add3A_1777, %xor3A_1771 : vector<16xi1>, vector<16xi32>
      %broadcast_in_dim3A_1779 = vector.shape_cast %select_n3A_1778 : vector<16xi32> to vector<16x1xi32>
      %gather3A_1780 = vector.shape_cast %broadcast_in_dim3A_1779 : vector<16x1xi32> to vector<16xi32>
      %gather3A_1781 = tpu.dynamic_gather %select_n3A_1767[%gather3A_1780] in [0] : vector<16xi32>, vector<16xi32> -> vector<16xi32>
      %min3A_1782 = arith.minsi %select_n3A_1767, %gather3A_1781 : vector<16xi32>
      %xor3A_1783 = arith.constant 2 : i32
      %xor3A_1784 = vector.broadcast %xor3A_1783 : i32 to vector<16xi32>
      %xor3A_1785 = arith.xori %iota3A_1768, %xor3A_1784 : vector<16xi32>
      %lt3A_1786 = arith.constant 0 : i32
      %lt3A_1787 = vector.broadcast %lt3A_1786 : i32 to vector<16xi32>
      %lt3A_1788 = arith.cmpi slt, %xor3A_1785, %lt3A_1787 : vector<16xi32>
      %add3A_1789 = arith.constant 16 : i32
      %add3A_1790 = vector.broadcast %add3A_1789 : i32 to vector<16xi32>
      %add3A_1791 = arith.addi %xor3A_1785, %add3A_1790 : vector<16xi32>
      %select_n3A_1792 = arith.select %lt3A_1788, %add3A_1791, %xor3A_1785 : vector<16xi1>, vector<16xi32>
      %broadcast_in_dim3A_1793 = vector.shape_cast %select_n3A_1792 : vector<16xi32> to vector<16x1xi32>
      %gather3A_1794 = vector.shape_cast %broadcast_in_dim3A_1793 : vector<16x1xi32> to vector<16xi32>
      %gather3A_1795 = tpu.dynamic_gather %min3A_1782[%gather3A_1794] in [0] : vector<16xi32>, vector<16xi32> -> vector<16xi32>
      %min3A_1796 = arith.minsi %min3A_1782, %gather3A_1795 : vector<16xi32>
      %xor3A_1797 = arith.constant 4 : i32
      %xor3A_1798 = vector.broadcast %xor3A_1797 : i32 to vector<16xi32>
      %xor3A_1799 = arith.xori %iota3A_1768, %xor3A_1798 : vector<16xi32>
      %lt3A_1800 = arith.constant 0 : i32
      %lt3A_1801 = vector.broadcast %lt3A_1800 : i32 to vector<16xi32>
      %lt3A_1802 = arith.cmpi slt, %xor3A_1799, %lt3A_1801 : vector<16xi32>
      %add3A_1803 = arith.constant 16 : i32
      %add3A_1804 = vector.broadcast %add3A_1803 : i32 to vector<16xi32>
      %add3A_1805 = arith.addi %xor3A_1799, %add3A_1804 : vector<16xi32>
      %select_n3A_1806 = arith.select %lt3A_1802, %add3A_1805, %xor3A_1799 : vector<16xi1>, vector<16xi32>
      %broadcast_in_dim3A_1807 = vector.shape_cast %select_n3A_1806 : vector<16xi32> to vector<16x1xi32>
      %gather3A_1808 = vector.shape_cast %broadcast_in_dim3A_1807 : vector<16x1xi32> to vector<16xi32>
      %gather3A_1809 = tpu.dynamic_gather %min3A_1796[%gather3A_1808] in [0] : vector<16xi32>, vector<16xi32> -> vector<16xi32>
      %min3A_1810 = arith.minsi %min3A_1796, %gather3A_1809 : vector<16xi32>
      %xor3A_1811 = arith.constant 8 : i32
      %xor3A_1812 = vector.broadcast %xor3A_1811 : i32 to vector<16xi32>
      %xor3A_1813 = arith.xori %iota3A_1768, %xor3A_1812 : vector<16xi32>
      %lt3A_1814 = arith.constant 0 : i32
      %lt3A_1815 = vector.broadcast %lt3A_1814 : i32 to vector<16xi32>
      %lt3A_1816 = arith.cmpi slt, %xor3A_1813, %lt3A_1815 : vector<16xi32>
      %add3A_1817 = arith.constant 16 : i32
      %add3A_1818 = vector.broadcast %add3A_1817 : i32 to vector<16xi32>
      %add3A_1819 = arith.addi %xor3A_1813, %add3A_1818 : vector<16xi32>
      %select_n3A_1820 = arith.select %lt3A_1816, %add3A_1819, %xor3A_1813 : vector<16xi1>, vector<16xi32>
      %broadcast_in_dim3A_1821 = vector.shape_cast %select_n3A_1820 : vector<16xi32> to vector<16x1xi32>
      %gather3A_1822 = vector.shape_cast %broadcast_in_dim3A_1821 : vector<16x1xi32> to vector<16xi32>
      %gather3A_1823 = tpu.dynamic_gather %min3A_1810[%gather3A_1822] in [0] : vector<16xi32>, vector<16xi32> -> vector<16xi32>
      %min3A_1824 = arith.minsi %min3A_1810, %gather3A_1823 : vector<16xi32>
      %select_n3A_1825 = arith.select %eq3A_1575, %max3A_1763, %select_n3A_1151 : vector<16xi1>, vector<16xf32>
      %select_n3A_1826 = arith.select %eq3A_1575, %min3A_1824, %select_n3A_1152 : vector<16xi1>, vector<16xi32>
      %eq3A_1827 = arith.cmpf oeq, %select_n3A_1700, %max3A_1763 : vector<16xf32>
      %eq3A_1828 = arith.cmpi eq, %select_n3A_1701, %min3A_1824 : vector<16xi32>
      %and3A_1829 = arith.andi %eq3A_1827, %eq3A_1828 : vector<16xi1>
      %select_n3A_1830 = arith.select %and3A_1829, %select_n3A_1702, %select_n3A_1700 : vector<16xi1>, vector<16xf32>
      %select_n3A_1831 = arith.select %and3A_1829, %select_n3A_1703, %select_n3A_1701 : vector<16xi1>, vector<16xi32>
      %select_n3A_1832 = arith.select %and3A_1829, %select_n3A_1704, %select_n3A_1702 : vector<16xi1>, vector<16xf32>
      %select_n3A_1833 = arith.select %and3A_1829, %select_n3A_1705, %select_n3A_1703 : vector<16xi1>, vector<16xi32>
      %select_n3A_1834 = arith.select %and3A_1829, %select_n3A_1706, %select_n3A_1704 : vector<16xi1>, vector<16xf32>
      %select_n3A_1835 = arith.select %and3A_1829, %scan3A_1452#8, %select_n3A_1705 : vector<16xi1>, vector<16xi32>
      %select_n3A_1836 = arith.select %and3A_1829, %broadcast_in_dim3A_1445, %select_n3A_1706 : vector<16xi1>, vector<16xf32>
      %iota3A_1837 = tpu.iota {dimensions = array<i32: 0>} : vector<16xi32>
      %xor3A_1838 = arith.constant 1 : i32
      %xor3A_1839 = vector.broadcast %xor3A_1838 : i32 to vector<16xi32>
      %xor3A_1840 = arith.xori %iota3A_1837, %xor3A_1839 : vector<16xi32>
      %lt3A_1841 = arith.constant 0 : i32
      %lt3A_1842 = vector.broadcast %lt3A_1841 : i32 to vector<16xi32>
      %lt3A_1843 = arith.cmpi slt, %xor3A_1840, %lt3A_1842 : vector<16xi32>
      %add3A_1844 = arith.constant 16 : i32
      %add3A_1845 = vector.broadcast %add3A_1844 : i32 to vector<16xi32>
      %add3A_1846 = arith.addi %xor3A_1840, %add3A_1845 : vector<16xi32>
      %select_n3A_1847 = arith.select %lt3A_1843, %add3A_1846, %xor3A_1840 : vector<16xi1>, vector<16xi32>
      %broadcast_in_dim3A_1848 = vector.shape_cast %select_n3A_1847 : vector<16xi32> to vector<16x1xi32>
      %gather3A_1849 = vector.shape_cast %broadcast_in_dim3A_1848 : vector<16x1xi32> to vector<16xi32>
      %gather3A_1850 = tpu.dynamic_gather %select_n3A_1830[%gather3A_1849] in [0] : vector<16xf32>, vector<16xi32> -> vector<16xf32>
      %max3A_1851 = arith.maximumf %select_n3A_1830, %gather3A_1850 : vector<16xf32>
      %xor3A_1852 = arith.constant 2 : i32
      %xor3A_1853 = vector.broadcast %xor3A_1852 : i32 to vector<16xi32>
      %xor3A_1854 = arith.xori %iota3A_1837, %xor3A_1853 : vector<16xi32>
      %lt3A_1855 = arith.constant 0 : i32
      %lt3A_1856 = vector.broadcast %lt3A_1855 : i32 to vector<16xi32>
      %lt3A_1857 = arith.cmpi slt, %xor3A_1854, %lt3A_1856 : vector<16xi32>
      %add3A_1858 = arith.constant 16 : i32
      %add3A_1859 = vector.broadcast %add3A_1858 : i32 to vector<16xi32>
      %add3A_1860 = arith.addi %xor3A_1854, %add3A_1859 : vector<16xi32>
      %select_n3A_1861 = arith.select %lt3A_1857, %add3A_1860, %xor3A_1854 : vector<16xi1>, vector<16xi32>
      %broadcast_in_dim3A_1862 = vector.shape_cast %select_n3A_1861 : vector<16xi32> to vector<16x1xi32>
      %gather3A_1863 = vector.shape_cast %broadcast_in_dim3A_1862 : vector<16x1xi32> to vector<16xi32>
      %gather3A_1864 = tpu.dynamic_gather %max3A_1851[%gather3A_1863] in [0] : vector<16xf32>, vector<16xi32> -> vector<16xf32>
      %max3A_1865 = arith.maximumf %max3A_1851, %gather3A_1864 : vector<16xf32>
      %xor3A_1866 = arith.constant 4 : i32
      %xor3A_1867 = vector.broadcast %xor3A_1866 : i32 to vector<16xi32>
      %xor3A_1868 = arith.xori %iota3A_1837, %xor3A_1867 : vector<16xi32>
      %lt3A_1869 = arith.constant 0 : i32
      %lt3A_1870 = vector.broadcast %lt3A_1869 : i32 to vector<16xi32>
      %lt3A_1871 = arith.cmpi slt, %xor3A_1868, %lt3A_1870 : vector<16xi32>
      %add3A_1872 = arith.constant 16 : i32
      %add3A_1873 = vector.broadcast %add3A_1872 : i32 to vector<16xi32>
      %add3A_1874 = arith.addi %xor3A_1868, %add3A_1873 : vector<16xi32>
      %select_n3A_1875 = arith.select %lt3A_1871, %add3A_1874, %xor3A_1868 : vector<16xi1>, vector<16xi32>
      %broadcast_in_dim3A_1876 = vector.shape_cast %select_n3A_1875 : vector<16xi32> to vector<16x1xi32>
      %gather3A_1877 = vector.shape_cast %broadcast_in_dim3A_1876 : vector<16x1xi32> to vector<16xi32>
      %gather3A_1878 = tpu.dynamic_gather %max3A_1865[%gather3A_1877] in [0] : vector<16xf32>, vector<16xi32> -> vector<16xf32>
      %max3A_1879 = arith.maximumf %max3A_1865, %gather3A_1878 : vector<16xf32>
      %xor3A_1880 = arith.constant 8 : i32
      %xor3A_1881 = vector.broadcast %xor3A_1880 : i32 to vector<16xi32>
      %xor3A_1882 = arith.xori %iota3A_1837, %xor3A_1881 : vector<16xi32>
      %lt3A_1883 = arith.constant 0 : i32
      %lt3A_1884 = vector.broadcast %lt3A_1883 : i32 to vector<16xi32>
      %lt3A_1885 = arith.cmpi slt, %xor3A_1882, %lt3A_1884 : vector<16xi32>
      %add3A_1886 = arith.constant 16 : i32
      %add3A_1887 = vector.broadcast %add3A_1886 : i32 to vector<16xi32>
      %add3A_1888 = arith.addi %xor3A_1882, %add3A_1887 : vector<16xi32>
      %select_n3A_1889 = arith.select %lt3A_1885, %add3A_1888, %xor3A_1882 : vector<16xi1>, vector<16xi32>
      %broadcast_in_dim3A_1890 = vector.shape_cast %select_n3A_1889 : vector<16xi32> to vector<16x1xi32>
      %gather3A_1891 = vector.shape_cast %broadcast_in_dim3A_1890 : vector<16x1xi32> to vector<16xi32>
      %gather3A_1892 = tpu.dynamic_gather %max3A_1879[%gather3A_1891] in [0] : vector<16xf32>, vector<16xi32> -> vector<16xf32>
      %max3A_1893 = arith.maximumf %max3A_1879, %gather3A_1892 : vector<16xf32>
      %eq3A_1894 = arith.cmpf oeq, %select_n3A_1830, %max3A_1893 : vector<16xf32>
      %jit3A_1895 = arith.constant 32768 : i32
      %broadcast_in_dim3A_1896 = vector.broadcast %jit3A_1895 : i32 to vector<16xi32>
      %select_n3A_1897 = arith.select %eq3A_1894, %select_n3A_1831, %broadcast_in_dim3A_1896 : vector<16xi1>, vector<16xi32>
      %iota3A_1898 = tpu.iota {dimensions = array<i32: 0>} : vector<16xi32>
      %xor3A_1899 = arith.constant 1 : i32
      %xor3A_1900 = vector.broadcast %xor3A_1899 : i32 to vector<16xi32>
      %xor3A_1901 = arith.xori %iota3A_1898, %xor3A_1900 : vector<16xi32>
      %lt3A_1902 = arith.constant 0 : i32
      %lt3A_1903 = vector.broadcast %lt3A_1902 : i32 to vector<16xi32>
      %lt3A_1904 = arith.cmpi slt, %xor3A_1901, %lt3A_1903 : vector<16xi32>
      %add3A_1905 = arith.constant 16 : i32
      %add3A_1906 = vector.broadcast %add3A_1905 : i32 to vector<16xi32>
      %add3A_1907 = arith.addi %xor3A_1901, %add3A_1906 : vector<16xi32>
      %select_n3A_1908 = arith.select %lt3A_1904, %add3A_1907, %xor3A_1901 : vector<16xi1>, vector<16xi32>
      %broadcast_in_dim3A_1909 = vector.shape_cast %select_n3A_1908 : vector<16xi32> to vector<16x1xi32>
      %gather3A_1910 = vector.shape_cast %broadcast_in_dim3A_1909 : vector<16x1xi32> to vector<16xi32>
      %gather3A_1911 = tpu.dynamic_gather %select_n3A_1897[%gather3A_1910] in [0] : vector<16xi32>, vector<16xi32> -> vector<16xi32>
      %min3A_1912 = arith.minsi %select_n3A_1897, %gather3A_1911 : vector<16xi32>
      %xor3A_1913 = arith.constant 2 : i32
      %xor3A_1914 = vector.broadcast %xor3A_1913 : i32 to vector<16xi32>
      %xor3A_1915 = arith.xori %iota3A_1898, %xor3A_1914 : vector<16xi32>
      %lt3A_1916 = arith.constant 0 : i32
      %lt3A_1917 = vector.broadcast %lt3A_1916 : i32 to vector<16xi32>
      %lt3A_1918 = arith.cmpi slt, %xor3A_1915, %lt3A_1917 : vector<16xi32>
      %add3A_1919 = arith.constant 16 : i32
      %add3A_1920 = vector.broadcast %add3A_1919 : i32 to vector<16xi32>
      %add3A_1921 = arith.addi %xor3A_1915, %add3A_1920 : vector<16xi32>
      %select_n3A_1922 = arith.select %lt3A_1918, %add3A_1921, %xor3A_1915 : vector<16xi1>, vector<16xi32>
      %broadcast_in_dim3A_1923 = vector.shape_cast %select_n3A_1922 : vector<16xi32> to vector<16x1xi32>
      %gather3A_1924 = vector.shape_cast %broadcast_in_dim3A_1923 : vector<16x1xi32> to vector<16xi32>
      %gather3A_1925 = tpu.dynamic_gather %min3A_1912[%gather3A_1924] in [0] : vector<16xi32>, vector<16xi32> -> vector<16xi32>
      %min3A_1926 = arith.minsi %min3A_1912, %gather3A_1925 : vector<16xi32>
      %xor3A_1927 = arith.constant 4 : i32
      %xor3A_1928 = vector.broadcast %xor3A_1927 : i32 to vector<16xi32>
      %xor3A_1929 = arith.xori %iota3A_1898, %xor3A_1928 : vector<16xi32>
      %lt3A_1930 = arith.constant 0 : i32
      %lt3A_1931 = vector.broadcast %lt3A_1930 : i32 to vector<16xi32>
      %lt3A_1932 = arith.cmpi slt, %xor3A_1929, %lt3A_1931 : vector<16xi32>
      %add3A_1933 = arith.constant 16 : i32
      %add3A_1934 = vector.broadcast %add3A_1933 : i32 to vector<16xi32>
      %add3A_1935 = arith.addi %xor3A_1929, %add3A_1934 : vector<16xi32>
      %select_n3A_1936 = arith.select %lt3A_1932, %add3A_1935, %xor3A_1929 : vector<16xi1>, vector<16xi32>
      %broadcast_in_dim3A_1937 = vector.shape_cast %select_n3A_1936 : vector<16xi32> to vector<16x1xi32>
      %gather3A_1938 = vector.shape_cast %broadcast_in_dim3A_1937 : vector<16x1xi32> to vector<16xi32>
      %gather3A_1939 = tpu.dynamic_gather %min3A_1926[%gather3A_1938] in [0] : vector<16xi32>, vector<16xi32> -> vector<16xi32>
      %min3A_1940 = arith.minsi %min3A_1926, %gather3A_1939 : vector<16xi32>
      %xor3A_1941 = arith.constant 8 : i32
      %xor3A_1942 = vector.broadcast %xor3A_1941 : i32 to vector<16xi32>
      %xor3A_1943 = arith.xori %iota3A_1898, %xor3A_1942 : vector<16xi32>
      %lt3A_1944 = arith.constant 0 : i32
      %lt3A_1945 = vector.broadcast %lt3A_1944 : i32 to vector<16xi32>
      %lt3A_1946 = arith.cmpi slt, %xor3A_1943, %lt3A_1945 : vector<16xi32>
      %add3A_1947 = arith.constant 16 : i32
      %add3A_1948 = vector.broadcast %add3A_1947 : i32 to vector<16xi32>
      %add3A_1949 = arith.addi %xor3A_1943, %add3A_1948 : vector<16xi32>
      %select_n3A_1950 = arith.select %lt3A_1946, %add3A_1949, %xor3A_1943 : vector<16xi1>, vector<16xi32>
      %broadcast_in_dim3A_1951 = vector.shape_cast %select_n3A_1950 : vector<16xi32> to vector<16x1xi32>
      %gather3A_1952 = vector.shape_cast %broadcast_in_dim3A_1951 : vector<16x1xi32> to vector<16xi32>
      %gather3A_1953 = tpu.dynamic_gather %min3A_1940[%gather3A_1952] in [0] : vector<16xi32>, vector<16xi32> -> vector<16xi32>
      %min3A_1954 = arith.minsi %min3A_1940, %gather3A_1953 : vector<16xi32>
      %select_n3A_1955 = arith.select %eq3A_1575, %max3A_1893, %select_n3A_1281 : vector<16xi1>, vector<16xf32>
      %select_n3A_1956 = arith.select %eq3A_1575, %min3A_1954, %select_n3A_1282 : vector<16xi1>, vector<16xi32>
      %eq3A_1957 = arith.cmpf oeq, %select_n3A_1830, %max3A_1893 : vector<16xf32>
      %eq3A_1958 = arith.cmpi eq, %select_n3A_1831, %min3A_1954 : vector<16xi32>
      %and3A_1959 = arith.andi %eq3A_1957, %eq3A_1958 : vector<16xi1>
      %select_n3A_1960 = arith.select %and3A_1959, %select_n3A_1832, %select_n3A_1830 : vector<16xi1>, vector<16xf32>
      %select_n3A_1961 = arith.select %and3A_1959, %select_n3A_1833, %select_n3A_1831 : vector<16xi1>, vector<16xi32>
      %select_n3A_1962 = arith.select %and3A_1959, %select_n3A_1834, %select_n3A_1832 : vector<16xi1>, vector<16xf32>
      %select_n3A_1963 = arith.select %and3A_1959, %select_n3A_1835, %select_n3A_1833 : vector<16xi1>, vector<16xi32>
      %select_n3A_1964 = arith.select %and3A_1959, %select_n3A_1836, %select_n3A_1834 : vector<16xi1>, vector<16xf32>
      %select_n3A_1965 = arith.select %and3A_1959, %scan3A_1452#8, %select_n3A_1835 : vector<16xi1>, vector<16xi32>
      %select_n3A_1966 = arith.select %and3A_1959, %broadcast_in_dim3A_1445, %select_n3A_1836 : vector<16xi1>, vector<16xf32>
      %iota3A_1967 = tpu.iota {dimensions = array<i32: 0>} : vector<16xi32>
      %xor3A_1968 = arith.constant 1 : i32
      %xor3A_1969 = vector.broadcast %xor3A_1968 : i32 to vector<16xi32>
      %xor3A_1970 = arith.xori %iota3A_1967, %xor3A_1969 : vector<16xi32>
      %lt3A_1971 = arith.constant 0 : i32
      %lt3A_1972 = vector.broadcast %lt3A_1971 : i32 to vector<16xi32>
      %lt3A_1973 = arith.cmpi slt, %xor3A_1970, %lt3A_1972 : vector<16xi32>
      %add3A_1974 = arith.constant 16 : i32
      %add3A_1975 = vector.broadcast %add3A_1974 : i32 to vector<16xi32>
      %add3A_1976 = arith.addi %xor3A_1970, %add3A_1975 : vector<16xi32>
      %select_n3A_1977 = arith.select %lt3A_1973, %add3A_1976, %xor3A_1970 : vector<16xi1>, vector<16xi32>
      %broadcast_in_dim3A_1978 = vector.shape_cast %select_n3A_1977 : vector<16xi32> to vector<16x1xi32>
      %gather3A_1979 = vector.shape_cast %broadcast_in_dim3A_1978 : vector<16x1xi32> to vector<16xi32>
      %gather3A_1980 = tpu.dynamic_gather %select_n3A_1960[%gather3A_1979] in [0] : vector<16xf32>, vector<16xi32> -> vector<16xf32>
      %max3A_1981 = arith.maximumf %select_n3A_1960, %gather3A_1980 : vector<16xf32>
      %xor3A_1982 = arith.constant 2 : i32
      %xor3A_1983 = vector.broadcast %xor3A_1982 : i32 to vector<16xi32>
      %xor3A_1984 = arith.xori %iota3A_1967, %xor3A_1983 : vector<16xi32>
      %lt3A_1985 = arith.constant 0 : i32
      %lt3A_1986 = vector.broadcast %lt3A_1985 : i32 to vector<16xi32>
      %lt3A_1987 = arith.cmpi slt, %xor3A_1984, %lt3A_1986 : vector<16xi32>
      %add3A_1988 = arith.constant 16 : i32
      %add3A_1989 = vector.broadcast %add3A_1988 : i32 to vector<16xi32>
      %add3A_1990 = arith.addi %xor3A_1984, %add3A_1989 : vector<16xi32>
      %select_n3A_1991 = arith.select %lt3A_1987, %add3A_1990, %xor3A_1984 : vector<16xi1>, vector<16xi32>
      %broadcast_in_dim3A_1992 = vector.shape_cast %select_n3A_1991 : vector<16xi32> to vector<16x1xi32>
      %gather3A_1993 = vector.shape_cast %broadcast_in_dim3A_1992 : vector<16x1xi32> to vector<16xi32>
      %gather3A_1994 = tpu.dynamic_gather %max3A_1981[%gather3A_1993] in [0] : vector<16xf32>, vector<16xi32> -> vector<16xf32>
      %max3A_1995 = arith.maximumf %max3A_1981, %gather3A_1994 : vector<16xf32>
      %xor3A_1996 = arith.constant 4 : i32
      %xor3A_1997 = vector.broadcast %xor3A_1996 : i32 to vector<16xi32>
      %xor3A_1998 = arith.xori %iota3A_1967, %xor3A_1997 : vector<16xi32>
      %lt3A_1999 = arith.constant 0 : i32
      %lt3A_2000 = vector.broadcast %lt3A_1999 : i32 to vector<16xi32>
      %lt3A_2001 = arith.cmpi slt, %xor3A_1998, %lt3A_2000 : vector<16xi32>
      %add3A_2002 = arith.constant 16 : i32
      %add3A_2003 = vector.broadcast %add3A_2002 : i32 to vector<16xi32>
      %add3A_2004 = arith.addi %xor3A_1998, %add3A_2003 : vector<16xi32>
      %select_n3A_2005 = arith.select %lt3A_2001, %add3A_2004, %xor3A_1998 : vector<16xi1>, vector<16xi32>
      %broadcast_in_dim3A_2006 = vector.shape_cast %select_n3A_2005 : vector<16xi32> to vector<16x1xi32>
      %gather3A_2007 = vector.shape_cast %broadcast_in_dim3A_2006 : vector<16x1xi32> to vector<16xi32>
      %gather3A_2008 = tpu.dynamic_gather %max3A_1995[%gather3A_2007] in [0] : vector<16xf32>, vector<16xi32> -> vector<16xf32>
      %max3A_2009 = arith.maximumf %max3A_1995, %gather3A_2008 : vector<16xf32>
      %xor3A_2010 = arith.constant 8 : i32
      %xor3A_2011 = vector.broadcast %xor3A_2010 : i32 to vector<16xi32>
      %xor3A_2012 = arith.xori %iota3A_1967, %xor3A_2011 : vector<16xi32>
      %lt3A_2013 = arith.constant 0 : i32
      %lt3A_2014 = vector.broadcast %lt3A_2013 : i32 to vector<16xi32>
      %lt3A_2015 = arith.cmpi slt, %xor3A_2012, %lt3A_2014 : vector<16xi32>
      %add3A_2016 = arith.constant 16 : i32
      %add3A_2017 = vector.broadcast %add3A_2016 : i32 to vector<16xi32>
      %add3A_2018 = arith.addi %xor3A_2012, %add3A_2017 : vector<16xi32>
      %select_n3A_2019 = arith.select %lt3A_2015, %add3A_2018, %xor3A_2012 : vector<16xi1>, vector<16xi32>
      %broadcast_in_dim3A_2020 = vector.shape_cast %select_n3A_2019 : vector<16xi32> to vector<16x1xi32>
      %gather3A_2021 = vector.shape_cast %broadcast_in_dim3A_2020 : vector<16x1xi32> to vector<16xi32>
      %gather3A_2022 = tpu.dynamic_gather %max3A_2009[%gather3A_2021] in [0] : vector<16xf32>, vector<16xi32> -> vector<16xf32>
      %max3A_2023 = arith.maximumf %max3A_2009, %gather3A_2022 : vector<16xf32>
      %eq3A_2024 = arith.cmpf oeq, %select_n3A_1960, %max3A_2023 : vector<16xf32>
      %jit3A_2025 = arith.constant 32768 : i32
      %broadcast_in_dim3A_2026 = vector.broadcast %jit3A_2025 : i32 to vector<16xi32>
      %select_n3A_2027 = arith.select %eq3A_2024, %select_n3A_1961, %broadcast_in_dim3A_2026 : vector<16xi1>, vector<16xi32>
      %iota3A_2028 = tpu.iota {dimensions = array<i32: 0>} : vector<16xi32>
      %xor3A_2029 = arith.constant 1 : i32
      %xor3A_2030 = vector.broadcast %xor3A_2029 : i32 to vector<16xi32>
      %xor3A_2031 = arith.xori %iota3A_2028, %xor3A_2030 : vector<16xi32>
      %lt3A_2032 = arith.constant 0 : i32
      %lt3A_2033 = vector.broadcast %lt3A_2032 : i32 to vector<16xi32>
      %lt3A_2034 = arith.cmpi slt, %xor3A_2031, %lt3A_2033 : vector<16xi32>
      %add3A_2035 = arith.constant 16 : i32
      %add3A_2036 = vector.broadcast %add3A_2035 : i32 to vector<16xi32>
      %add3A_2037 = arith.addi %xor3A_2031, %add3A_2036 : vector<16xi32>
      %select_n3A_2038 = arith.select %lt3A_2034, %add3A_2037, %xor3A_2031 : vector<16xi1>, vector<16xi32>
      %broadcast_in_dim3A_2039 = vector.shape_cast %select_n3A_2038 : vector<16xi32> to vector<16x1xi32>
      %gather3A_2040 = vector.shape_cast %broadcast_in_dim3A_2039 : vector<16x1xi32> to vector<16xi32>
      %gather3A_2041 = tpu.dynamic_gather %select_n3A_2027[%gather3A_2040] in [0] : vector<16xi32>, vector<16xi32> -> vector<16xi32>
      %min3A_2042 = arith.minsi %select_n3A_2027, %gather3A_2041 : vector<16xi32>
      %xor3A_2043 = arith.constant 2 : i32
      %xor3A_2044 = vector.broadcast %xor3A_2043 : i32 to vector<16xi32>
      %xor3A_2045 = arith.xori %iota3A_2028, %xor3A_2044 : vector<16xi32>
      %lt3A_2046 = arith.constant 0 : i32
      %lt3A_2047 = vector.broadcast %lt3A_2046 : i32 to vector<16xi32>
      %lt3A_2048 = arith.cmpi slt, %xor3A_2045, %lt3A_2047 : vector<16xi32>
      %add3A_2049 = arith.constant 16 : i32
      %add3A_2050 = vector.broadcast %add3A_2049 : i32 to vector<16xi32>
      %add3A_2051 = arith.addi %xor3A_2045, %add3A_2050 : vector<16xi32>
      %select_n3A_2052 = arith.select %lt3A_2048, %add3A_2051, %xor3A_2045 : vector<16xi1>, vector<16xi32>
      %broadcast_in_dim3A_2053 = vector.shape_cast %select_n3A_2052 : vector<16xi32> to vector<16x1xi32>
      %gather3A_2054 = vector.shape_cast %broadcast_in_dim3A_2053 : vector<16x1xi32> to vector<16xi32>
      %gather3A_2055 = tpu.dynamic_gather %min3A_2042[%gather3A_2054] in [0] : vector<16xi32>, vector<16xi32> -> vector<16xi32>
      %min3A_2056 = arith.minsi %min3A_2042, %gather3A_2055 : vector<16xi32>
      %xor3A_2057 = arith.constant 4 : i32
      %xor3A_2058 = vector.broadcast %xor3A_2057 : i32 to vector<16xi32>
      %xor3A_2059 = arith.xori %iota3A_2028, %xor3A_2058 : vector<16xi32>
      %lt3A_2060 = arith.constant 0 : i32
      %lt3A_2061 = vector.broadcast %lt3A_2060 : i32 to vector<16xi32>
      %lt3A_2062 = arith.cmpi slt, %xor3A_2059, %lt3A_2061 : vector<16xi32>
      %add3A_2063 = arith.constant 16 : i32
      %add3A_2064 = vector.broadcast %add3A_2063 : i32 to vector<16xi32>
      %add3A_2065 = arith.addi %xor3A_2059, %add3A_2064 : vector<16xi32>
      %select_n3A_2066 = arith.select %lt3A_2062, %add3A_2065, %xor3A_2059 : vector<16xi1>, vector<16xi32>
      %broadcast_in_dim3A_2067 = vector.shape_cast %select_n3A_2066 : vector<16xi32> to vector<16x1xi32>
      %gather3A_2068 = vector.shape_cast %broadcast_in_dim3A_2067 : vector<16x1xi32> to vector<16xi32>
      %gather3A_2069 = tpu.dynamic_gather %min3A_2056[%gather3A_2068] in [0] : vector<16xi32>, vector<16xi32> -> vector<16xi32>
      %min3A_2070 = arith.minsi %min3A_2056, %gather3A_2069 : vector<16xi32>
      %xor3A_2071 = arith.constant 8 : i32
      %xor3A_2072 = vector.broadcast %xor3A_2071 : i32 to vector<16xi32>
      %xor3A_2073 = arith.xori %iota3A_2028, %xor3A_2072 : vector<16xi32>
      %lt3A_2074 = arith.constant 0 : i32
      %lt3A_2075 = vector.broadcast %lt3A_2074 : i32 to vector<16xi32>
      %lt3A_2076 = arith.cmpi slt, %xor3A_2073, %lt3A_2075 : vector<16xi32>
      %add3A_2077 = arith.constant 16 : i32
      %add3A_2078 = vector.broadcast %add3A_2077 : i32 to vector<16xi32>
      %add3A_2079 = arith.addi %xor3A_2073, %add3A_2078 : vector<16xi32>
      %select_n3A_2080 = arith.select %lt3A_2076, %add3A_2079, %xor3A_2073 : vector<16xi1>, vector<16xi32>
      %broadcast_in_dim3A_2081 = vector.shape_cast %select_n3A_2080 : vector<16xi32> to vector<16x1xi32>
      %gather3A_2082 = vector.shape_cast %broadcast_in_dim3A_2081 : vector<16x1xi32> to vector<16xi32>
      %gather3A_2083 = tpu.dynamic_gather %min3A_2070[%gather3A_2082] in [0] : vector<16xi32>, vector<16xi32> -> vector<16xi32>
      %min3A_2084 = arith.minsi %min3A_2070, %gather3A_2083 : vector<16xi32>
      %select_n3A_2085 = arith.select %eq3A_1575, %max3A_2023, %select_n3A_1411 : vector<16xi1>, vector<16xf32>
      %select_n3A_2086 = arith.select %eq3A_1575, %min3A_2084, %select_n3A_1412 : vector<16xi1>, vector<16xi32>
      %eq3A_2087 = arith.cmpf oeq, %select_n3A_1960, %max3A_2023 : vector<16xf32>
      %eq3A_2088 = arith.cmpi eq, %select_n3A_1961, %min3A_2084 : vector<16xi32>
      %and3A_2089 = arith.andi %eq3A_2087, %eq3A_2088 : vector<16xi1>
      %select_n3A_2090 = arith.select %and3A_2089, %select_n3A_1962, %select_n3A_1960 : vector<16xi1>, vector<16xf32>
      %select_n3A_2091 = arith.select %and3A_2089, %select_n3A_1963, %select_n3A_1961 : vector<16xi1>, vector<16xi32>
      %select_n3A_2092 = arith.select %and3A_2089, %select_n3A_1964, %select_n3A_1962 : vector<16xi1>, vector<16xf32>
      %select_n3A_2093 = arith.select %and3A_2089, %select_n3A_1965, %select_n3A_1963 : vector<16xi1>, vector<16xi32>
      %select_n3A_2094 = arith.select %and3A_2089, %select_n3A_1966, %select_n3A_1964 : vector<16xi1>, vector<16xf32>
      %select_n3A_2095 = arith.select %and3A_2089, %scan3A_1452#8, %select_n3A_1965 : vector<16xi1>, vector<16xi32>
      %select_n3A_2096 = arith.select %and3A_2089, %broadcast_in_dim3A_1445, %select_n3A_1966 : vector<16xi1>, vector<16xf32>
      scf.yield %select_n3A_1576, %select_n3A_1695, %select_n3A_1825, %select_n3A_1955, %select_n3A_2085, %select_n3A_1696, %select_n3A_1826, %select_n3A_1956, %select_n3A_2086 : vector<16xf32>, vector<16xf32>, vector<16xf32>, vector<16xf32>, vector<16xf32>, vector<16xi32>, vector<16xi32>, vector<16xi32>, vector<16xi32>
    }
    %scan3A_17 = arith.constant 2 : i32
    %get3A = arith.constant 0 : index
    %get3A_18 = tpu.vector_load %arg7[%get3A] {strides = array<i32>} : memref<16xf32, #tpu.memory_space<vmem>>, vector<16xf32>,
    %get3A_19 = vector.shape_cast %get3A_18 : vector<16xf32> to vector<16xf32>
    %and3A = arith.constant 3 : i32
    %and3A_20 = vector.broadcast %and3A : i32 to vector<16xi32>
    %and3A_21 = arith.andi %iota3A, %and3A_20 : vector<16xi32>
    %shift_right_arithmetic3A = arith.constant 2 : i32
    %shift_right_arithmetic3A_22 = vector.broadcast %shift_right_arithmetic3A : i32 to vector<16xi32>
    %shift_right_arithmetic3A_23 = arith.shrsi %iota3A, %shift_right_arithmetic3A_22 : vector<16xi32>
    %lt3A = arith.constant 0 : i32
    %lt3A_24 = vector.broadcast %lt3A : i32 to vector<16xi32>
    %lt3A_25 = arith.cmpi slt, %shift_right_arithmetic3A_23, %lt3A_24 : vector<16xi32>
    %add3A_26 = arith.constant 16 : i32
    %add3A_27 = vector.broadcast %add3A_26 : i32 to vector<16xi32>
    %add3A_28 = arith.addi %shift_right_arithmetic3A_23, %add3A_27 : vector<16xi32>
    %select_n3A = arith.select %lt3A_25, %add3A_28, %shift_right_arithmetic3A_23 : vector<16xi1>, vector<16xi32>
    %broadcast_in_dim3A_29 = vector.shape_cast %select_n3A : vector<16xi32> to vector<16x1xi32>
    %gather3A = vector.shape_cast %broadcast_in_dim3A_29 : vector<16x1xi32> to vector<16xi32>
    %gather3A_30 = tpu.dynamic_gather %scan3A_16#1[%gather3A] in [0] : vector<16xf32>, vector<16xi32> -> vector<16xf32>
    %lt3A_31 = arith.constant 0 : i32
    %lt3A_32 = vector.broadcast %lt3A_31 : i32 to vector<16xi32>
    %lt3A_33 = arith.cmpi slt, %shift_right_arithmetic3A_23, %lt3A_32 : vector<16xi32>
    %add3A_34 = arith.constant 16 : i32
    %add3A_35 = vector.broadcast %add3A_34 : i32 to vector<16xi32>
    %add3A_36 = arith.addi %shift_right_arithmetic3A_23, %add3A_35 : vector<16xi32>
    %select_n3A_37 = arith.select %lt3A_33, %add3A_36, %shift_right_arithmetic3A_23 : vector<16xi1>, vector<16xi32>
    %broadcast_in_dim3A_38 = vector.shape_cast %select_n3A_37 : vector<16xi32> to vector<16x1xi32>
    %gather3A_39 = vector.shape_cast %broadcast_in_dim3A_38 : vector<16x1xi32> to vector<16xi32>
    %gather3A_40 = tpu.dynamic_gather %scan3A_16#2[%gather3A_39] in [0] : vector<16xf32>, vector<16xi32> -> vector<16xf32>
    %lt3A_41 = arith.constant 0 : i32
    %lt3A_42 = vector.broadcast %lt3A_41 : i32 to vector<16xi32>
    %lt3A_43 = arith.cmpi slt, %shift_right_arithmetic3A_23, %lt3A_42 : vector<16xi32>
    %add3A_44 = arith.constant 16 : i32
    %add3A_45 = vector.broadcast %add3A_44 : i32 to vector<16xi32>
    %add3A_46 = arith.addi %shift_right_arithmetic3A_23, %add3A_45 : vector<16xi32>
    %select_n3A_47 = arith.select %lt3A_43, %add3A_46, %shift_right_arithmetic3A_23 : vector<16xi1>, vector<16xi32>
    %broadcast_in_dim3A_48 = vector.shape_cast %select_n3A_47 : vector<16xi32> to vector<16x1xi32>
    %gather3A_49 = vector.shape_cast %broadcast_in_dim3A_48 : vector<16x1xi32> to vector<16xi32>
    %gather3A_50 = tpu.dynamic_gather %scan3A_16#3[%gather3A_49] in [0] : vector<16xf32>, vector<16xi32> -> vector<16xf32>
    %lt3A_51 = arith.constant 0 : i32
    %lt3A_52 = vector.broadcast %lt3A_51 : i32 to vector<16xi32>
    %lt3A_53 = arith.cmpi slt, %shift_right_arithmetic3A_23, %lt3A_52 : vector<16xi32>
    %add3A_54 = arith.constant 16 : i32
    %add3A_55 = vector.broadcast %add3A_54 : i32 to vector<16xi32>
    %add3A_56 = arith.addi %shift_right_arithmetic3A_23, %add3A_55 : vector<16xi32>
    %select_n3A_57 = arith.select %lt3A_53, %add3A_56, %shift_right_arithmetic3A_23 : vector<16xi1>, vector<16xi32>
    %broadcast_in_dim3A_58 = vector.shape_cast %select_n3A_57 : vector<16xi32> to vector<16x1xi32>
    %gather3A_59 = vector.shape_cast %broadcast_in_dim3A_58 : vector<16x1xi32> to vector<16xi32>
    %gather3A_60 = tpu.dynamic_gather %scan3A_16#4[%gather3A_59] in [0] : vector<16xf32>, vector<16xi32> -> vector<16xf32>
    %lt3A_61 = arith.constant 0 : i32
    %lt3A_62 = vector.broadcast %lt3A_61 : i32 to vector<16xi32>
    %lt3A_63 = arith.cmpi slt, %shift_right_arithmetic3A_23, %lt3A_62 : vector<16xi32>
    %add3A_64 = arith.constant 16 : i32
    %add3A_65 = vector.broadcast %add3A_64 : i32 to vector<16xi32>
    %add3A_66 = arith.addi %shift_right_arithmetic3A_23, %add3A_65 : vector<16xi32>
    %select_n3A_67 = arith.select %lt3A_63, %add3A_66, %shift_right_arithmetic3A_23 : vector<16xi1>, vector<16xi32>
    %broadcast_in_dim3A_68 = vector.shape_cast %select_n3A_67 : vector<16xi32> to vector<16x1xi32>
    %gather3A_69 = vector.shape_cast %broadcast_in_dim3A_68 : vector<16x1xi32> to vector<16xi32>
    %gather3A_70 = tpu.dynamic_gather %scan3A_16#5[%gather3A_69] in [0] : vector<16xi32>, vector<16xi32> -> vector<16xi32>
    %lt3A_71 = arith.constant 0 : i32
    %lt3A_72 = vector.broadcast %lt3A_71 : i32 to vector<16xi32>
    %lt3A_73 = arith.cmpi slt, %shift_right_arithmetic3A_23, %lt3A_72 : vector<16xi32>
    %add3A_74 = arith.constant 16 : i32
    %add3A_75 = vector.broadcast %add3A_74 : i32 to vector<16xi32>
    %add3A_76 = arith.addi %shift_right_arithmetic3A_23, %add3A_75 : vector<16xi32>
    %select_n3A_77 = arith.select %lt3A_73, %add3A_76, %shift_right_arithmetic3A_23 : vector<16xi1>, vector<16xi32>
    %broadcast_in_dim3A_78 = vector.shape_cast %select_n3A_77 : vector<16xi32> to vector<16x1xi32>
    %gather3A_79 = vector.shape_cast %broadcast_in_dim3A_78 : vector<16x1xi32> to vector<16xi32>
    %gather3A_80 = tpu.dynamic_gather %scan3A_16#6[%gather3A_79] in [0] : vector<16xi32>, vector<16xi32> -> vector<16xi32>
    %lt3A_81 = arith.constant 0 : i32
    %lt3A_82 = vector.broadcast %lt3A_81 : i32 to vector<16xi32>
    %lt3A_83 = arith.cmpi slt, %shift_right_arithmetic3A_23, %lt3A_82 : vector<16xi32>
    %add3A_84 = arith.constant 16 : i32
    %add3A_85 = vector.broadcast %add3A_84 : i32 to vector<16xi32>
    %add3A_86 = arith.addi %shift_right_arithmetic3A_23, %add3A_85 : vector<16xi32>
    %select_n3A_87 = arith.select %lt3A_83, %add3A_86, %shift_right_arithmetic3A_23 : vector<16xi1>, vector<16xi32>
    %broadcast_in_dim3A_88 = vector.shape_cast %select_n3A_87 : vector<16xi32> to vector<16x1xi32>
    %gather3A_89 = vector.shape_cast %broadcast_in_dim3A_88 : vector<16x1xi32> to vector<16xi32>
    %gather3A_90 = tpu.dynamic_gather %scan3A_16#7[%gather3A_89] in [0] : vector<16xi32>, vector<16xi32> -> vector<16xi32>
    %lt3A_91 = arith.constant 0 : i32
    %lt3A_92 = vector.broadcast %lt3A_91 : i32 to vector<16xi32>
    %lt3A_93 = arith.cmpi slt, %shift_right_arithmetic3A_23, %lt3A_92 : vector<16xi32>
    %add3A_94 = arith.constant 16 : i32
    %add3A_95 = vector.broadcast %add3A_94 : i32 to vector<16xi32>
    %add3A_96 = arith.addi %shift_right_arithmetic3A_23, %add3A_95 : vector<16xi32>
    %select_n3A_97 = arith.select %lt3A_93, %add3A_96, %shift_right_arithmetic3A_23 : vector<16xi1>, vector<16xi32>
    %broadcast_in_dim3A_98 = vector.shape_cast %select_n3A_97 : vector<16xi32> to vector<16x1xi32>
    %gather3A_99 = vector.shape_cast %broadcast_in_dim3A_98 : vector<16x1xi32> to vector<16xi32>
    %gather3A_100 = tpu.dynamic_gather %scan3A_16#8[%gather3A_99] in [0] : vector<16xi32>, vector<16xi32> -> vector<16xi32>
    %eq3A = arith.constant 0 : i32
    %eq3A_101 = vector.broadcast %eq3A : i32 to vector<16xi32>
    %eq3A_102 = arith.cmpi eq, %and3A_21, %eq3A_101 : vector<16xi32>
    %eq3A_103 = arith.constant 1 : i32
    %eq3A_104 = vector.broadcast %eq3A_103 : i32 to vector<16xi32>
    %eq3A_105 = arith.cmpi eq, %and3A_21, %eq3A_104 : vector<16xi32>
    %eq3A_106 = arith.constant 2 : i32
    %eq3A_107 = vector.broadcast %eq3A_106 : i32 to vector<16xi32>
    %eq3A_108 = arith.cmpi eq, %and3A_21, %eq3A_107 : vector<16xi32>
    %select_n3A_109 = arith.select %eq3A_108, %gather3A_50, %gather3A_60 : vector<16xi1>, vector<16xf32>
    %select_n3A_110 = arith.select %eq3A_105, %gather3A_40, %select_n3A_109 : vector<16xi1>, vector<16xf32>
    %select_n3A_111 = arith.select %eq3A_102, %gather3A_30, %select_n3A_110 : vector<16xi1>, vector<16xf32>
    %eq3A_112 = arith.constant 0 : i32
    %eq3A_113 = vector.broadcast %eq3A_112 : i32 to vector<16xi32>
    %eq3A_114 = arith.cmpi eq, %and3A_21, %eq3A_113 : vector<16xi32>
    %eq3A_115 = arith.constant 1 : i32
    %eq3A_116 = vector.broadcast %eq3A_115 : i32 to vector<16xi32>
    %eq3A_117 = arith.cmpi eq, %and3A_21, %eq3A_116 : vector<16xi32>
    %eq3A_118 = arith.constant 2 : i32
    %eq3A_119 = vector.broadcast %eq3A_118 : i32 to vector<16xi32>
    %eq3A_120 = arith.cmpi eq, %and3A_21, %eq3A_119 : vector<16xi32>
    %select_n3A_121 = arith.select %eq3A_120, %gather3A_90, %gather3A_100 : vector<16xi1>, vector<16xi32>
    %select_n3A_122 = arith.select %eq3A_117, %gather3A_80, %select_n3A_121 : vector<16xi1>, vector<16xi32>
    %select_n3A_123 = arith.select %eq3A_114, %gather3A_70, %select_n3A_122 : vector<16xi1>, vector<16xi32>
    %lt3A_124 = arith.constant 0 : i32
    %lt3A_125 = vector.broadcast %lt3A_124 : i32 to vector<16xi32>
    %lt3A_126 = arith.cmpi slt, %shift_right_arithmetic3A_23, %lt3A_125 : vector<16xi32>
    %add3A_127 = arith.constant 16 : i32
    %add3A_128 = vector.broadcast %add3A_127 : i32 to vector<16xi32>
    %add3A_129 = arith.addi %shift_right_arithmetic3A_23, %add3A_128 : vector<16xi32>
    %select_n3A_130 = arith.select %lt3A_126, %add3A_129, %shift_right_arithmetic3A_23 : vector<16xi1>, vector<16xi32>
    %broadcast_in_dim3A_131 = vector.shape_cast %select_n3A_130 : vector<16xi32> to vector<16x1xi32>
    %gather3A_132 = vector.shape_cast %broadcast_in_dim3A_131 : vector<16x1xi32> to vector<16xi32>
    %gather3A_133 = tpu.dynamic_gather %get3A_19[%gather3A_132] in [0] : vector<16xf32>, vector<16xi32> -> vector<16xf32>
    %lt3A_134 = arith.constant 0 : i32
    %lt3A_135 = vector.broadcast %lt3A_134 : i32 to vector<16xi32>
    %lt3A_136 = arith.cmpi slt, %shift_right_arithmetic3A_23, %lt3A_135 : vector<16xi32>
    %add3A_137 = arith.constant 16 : i32
    %add3A_138 = vector.broadcast %add3A_137 : i32 to vector<16xi32>
    %add3A_139 = arith.addi %shift_right_arithmetic3A_23, %add3A_138 : vector<16xi32>
    %select_n3A_140 = arith.select %lt3A_136, %add3A_139, %shift_right_arithmetic3A_23 : vector<16xi1>, vector<16xi32>
    %broadcast_in_dim3A_141 = vector.shape_cast %select_n3A_140 : vector<16xi32> to vector<16x1xi32>
    %gather3A_142 = vector.shape_cast %broadcast_in_dim3A_141 : vector<16x1xi32> to vector<16xi32>
    %gather3A_143 = tpu.dynamic_gather %scan3A_16#0[%gather3A_142] in [0] : vector<16xf32>, vector<16xi32> -> vector<16xf32>
    %add3A_144 = arith.constant 4 : i32
    %add3A_145 = vector.broadcast %add3A_144 : i32 to vector<16xi32>
    %add3A_146 = arith.addi %add3A_145, %shift_right_arithmetic3A_23 : vector<16xi32>
    %lt3A_147 = arith.constant 0 : i32
    %lt3A_148 = vector.broadcast %lt3A_147 : i32 to vector<16xi32>
    %lt3A_149 = arith.cmpi slt, %add3A_146, %lt3A_148 : vector<16xi32>
    %add3A_150 = arith.constant 16 : i32
    %add3A_151 = vector.broadcast %add3A_150 : i32 to vector<16xi32>
    %add3A_152 = arith.addi %add3A_146, %add3A_151 : vector<16xi32>
    %select_n3A_153 = arith.select %lt3A_149, %add3A_152, %add3A_146 : vector<16xi1>, vector<16xi32>
    %broadcast_in_dim3A_154 = vector.shape_cast %select_n3A_153 : vector<16xi32> to vector<16x1xi32>
    %gather3A_155 = vector.shape_cast %broadcast_in_dim3A_154 : vector<16x1xi32> to vector<16xi32>
    %gather3A_156 = tpu.dynamic_gather %get3A_19[%gather3A_155] in [0] : vector<16xf32>, vector<16xi32> -> vector<16xf32>
    %eq3A_157 = arith.constant 0.000000e+00 : f32
    %eq3A_158 = vector.broadcast %eq3A_157 : f32 to vector<16xf32>
    %eq3A_159 = arith.cmpf oeq, %gather3A_156, %eq3A_158 : vector<16xf32>
    %eq3A_160 = arith.constant 0 : i32
    %eq3A_161 = vector.broadcast %eq3A_160 : i32 to vector<16xi32>
    %eq3A_162 = arith.cmpi eq, %and3A_21, %eq3A_161 : vector<16xi32>
    %broadcast_in_dim3A_163 = arith.constant 0xFF800000 : f32
    %broadcast_in_dim3A_164 = vector.broadcast %broadcast_in_dim3A_163 : f32 to vector<16xf32>
    %select_n3A_165 = arith.select %eq3A_162, %gather3A_133, %broadcast_in_dim3A_164 : vector<16xi1>, vector<16xf32>
    %sub3A = arith.subf %select_n3A_111, %gather3A_143 : vector<16xf32>
    %add3A_166 = arith.addf %gather3A_133, %sub3A : vector<16xf32>
    %select_n3A_167 = arith.select %eq3A_159, %select_n3A_165, %add3A_166 : vector<16xi1>, vector<16xf32>
    %jit3A = arith.constant 0 : i32
    %broadcast_in_dim3A_168 = vector.broadcast %jit3A : i32 to vector<16xi32>
    %select_n3A_169 = arith.select %eq3A_159, %broadcast_in_dim3A_168, %select_n3A_123 : vector<16xi1>, vector<16xi32>
    %shift_right_arithmetic3A_170 = arith.constant 2 : i32
    %shift_right_arithmetic3A_171 = vector.broadcast %shift_right_arithmetic3A_170 : i32 to vector<16xi32>
    %shift_right_arithmetic3A_172 = arith.shrsi %iota3A, %shift_right_arithmetic3A_171 : vector<16xi32>
    %shift_left3A = arith.constant 15 : i32
    %shift_left3A_173 = vector.broadcast %shift_left3A : i32 to vector<16xi32>
    %shift_left3A_174 = arith.shli %shift_right_arithmetic3A_172, %shift_left3A_173 : vector<16xi32>
    %or3A = arith.ori %shift_left3A_174, %select_n3A_169 : vector<16xi32>
    %broadcast_in_dim3A_175 = arith.constant 0.000000e+00 : f32
    %broadcast_in_dim3A_176 = vector.broadcast %broadcast_in_dim3A_175 : f32 to vector<16xf32>
    %iota3A_177 = tpu.iota {dimensions = array<i32: 0>} : vector<16xi32>
    %xor3A = arith.constant 1 : i32
    %xor3A_178 = vector.broadcast %xor3A : i32 to vector<16xi32>
    %xor3A_179 = arith.xori %iota3A_177, %xor3A_178 : vector<16xi32>
    %lt3A_180 = arith.constant 0 : i32
    %lt3A_181 = vector.broadcast %lt3A_180 : i32 to vector<16xi32>
    %lt3A_182 = arith.cmpi slt, %xor3A_179, %lt3A_181 : vector<16xi32>
    %add3A_183 = arith.constant 16 : i32
    %add3A_184 = vector.broadcast %add3A_183 : i32 to vector<16xi32>
    %add3A_185 = arith.addi %xor3A_179, %add3A_184 : vector<16xi32>
    %select_n3A_186 = arith.select %lt3A_182, %add3A_185, %xor3A_179 : vector<16xi1>, vector<16xi32>
    %broadcast_in_dim3A_187 = vector.shape_cast %select_n3A_186 : vector<16xi32> to vector<16x1xi32>
    %gather3A_188 = vector.shape_cast %broadcast_in_dim3A_187 : vector<16x1xi32> to vector<16xi32>
    %gather3A_189 = tpu.dynamic_gather %select_n3A_167[%gather3A_188] in [0] : vector<16xf32>, vector<16xi32> -> vector<16xf32>
    %max3A = arith.maximumf %select_n3A_167, %gather3A_189 : vector<16xf32>
    %xor3A_190 = arith.constant 2 : i32
    %xor3A_191 = vector.broadcast %xor3A_190 : i32 to vector<16xi32>
    %xor3A_192 = arith.xori %iota3A_177, %xor3A_191 : vector<16xi32>
    %lt3A_193 = arith.constant 0 : i32
    %lt3A_194 = vector.broadcast %lt3A_193 : i32 to vector<16xi32>
    %lt3A_195 = arith.cmpi slt, %xor3A_192, %lt3A_194 : vector<16xi32>
    %add3A_196 = arith.constant 16 : i32
    %add3A_197 = vector.broadcast %add3A_196 : i32 to vector<16xi32>
    %add3A_198 = arith.addi %xor3A_192, %add3A_197 : vector<16xi32>
    %select_n3A_199 = arith.select %lt3A_195, %add3A_198, %xor3A_192 : vector<16xi1>, vector<16xi32>
    %broadcast_in_dim3A_200 = vector.shape_cast %select_n3A_199 : vector<16xi32> to vector<16x1xi32>
    %gather3A_201 = vector.shape_cast %broadcast_in_dim3A_200 : vector<16x1xi32> to vector<16xi32>
    %gather3A_202 = tpu.dynamic_gather %max3A[%gather3A_201] in [0] : vector<16xf32>, vector<16xi32> -> vector<16xf32>
    %max3A_203 = arith.maximumf %max3A, %gather3A_202 : vector<16xf32>
    %xor3A_204 = arith.constant 4 : i32
    %xor3A_205 = vector.broadcast %xor3A_204 : i32 to vector<16xi32>
    %xor3A_206 = arith.xori %iota3A_177, %xor3A_205 : vector<16xi32>
    %lt3A_207 = arith.constant 0 : i32
    %lt3A_208 = vector.broadcast %lt3A_207 : i32 to vector<16xi32>
    %lt3A_209 = arith.cmpi slt, %xor3A_206, %lt3A_208 : vector<16xi32>
    %add3A_210 = arith.constant 16 : i32
    %add3A_211 = vector.broadcast %add3A_210 : i32 to vector<16xi32>
    %add3A_212 = arith.addi %xor3A_206, %add3A_211 : vector<16xi32>
    %select_n3A_213 = arith.select %lt3A_209, %add3A_212, %xor3A_206 : vector<16xi1>, vector<16xi32>
    %broadcast_in_dim3A_214 = vector.shape_cast %select_n3A_213 : vector<16xi32> to vector<16x1xi32>
    %gather3A_215 = vector.shape_cast %broadcast_in_dim3A_214 : vector<16x1xi32> to vector<16xi32>
    %gather3A_216 = tpu.dynamic_gather %max3A_203[%gather3A_215] in [0] : vector<16xf32>, vector<16xi32> -> vector<16xf32>
    %max3A_217 = arith.maximumf %max3A_203, %gather3A_216 : vector<16xf32>
    %xor3A_218 = arith.constant 8 : i32
    %xor3A_219 = vector.broadcast %xor3A_218 : i32 to vector<16xi32>
    %xor3A_220 = arith.xori %iota3A_177, %xor3A_219 : vector<16xi32>
    %lt3A_221 = arith.constant 0 : i32
    %lt3A_222 = vector.broadcast %lt3A_221 : i32 to vector<16xi32>
    %lt3A_223 = arith.cmpi slt, %xor3A_220, %lt3A_222 : vector<16xi32>
    %add3A_224 = arith.constant 16 : i32
    %add3A_225 = vector.broadcast %add3A_224 : i32 to vector<16xi32>
    %add3A_226 = arith.addi %xor3A_220, %add3A_225 : vector<16xi32>
    %select_n3A_227 = arith.select %lt3A_223, %add3A_226, %xor3A_220 : vector<16xi1>, vector<16xi32>
    %broadcast_in_dim3A_228 = vector.shape_cast %select_n3A_227 : vector<16xi32> to vector<16x1xi32>
    %gather3A_229 = vector.shape_cast %broadcast_in_dim3A_228 : vector<16x1xi32> to vector<16xi32>
    %gather3A_230 = tpu.dynamic_gather %max3A_217[%gather3A_229] in [0] : vector<16xf32>, vector<16xi32> -> vector<16xf32>
    %max3A_231 = arith.maximumf %max3A_217, %gather3A_230 : vector<16xf32>
    %eq3A_232 = arith.cmpf oeq, %select_n3A_167, %max3A_231 : vector<16xf32>
    %jit3A_233 = arith.constant 131072 : i32
    %broadcast_in_dim3A_234 = vector.broadcast %jit3A_233 : i32 to vector<16xi32>
    %select_n3A_235 = arith.select %eq3A_232, %or3A, %broadcast_in_dim3A_234 : vector<16xi1>, vector<16xi32>
    %iota3A_236 = tpu.iota {dimensions = array<i32: 0>} : vector<16xi32>
    %xor3A_237 = arith.constant 1 : i32
    %xor3A_238 = vector.broadcast %xor3A_237 : i32 to vector<16xi32>
    %xor3A_239 = arith.xori %iota3A_236, %xor3A_238 : vector<16xi32>
    %lt3A_240 = arith.constant 0 : i32
    %lt3A_241 = vector.broadcast %lt3A_240 : i32 to vector<16xi32>
    %lt3A_242 = arith.cmpi slt, %xor3A_239, %lt3A_241 : vector<16xi32>
    %add3A_243 = arith.constant 16 : i32
    %add3A_244 = vector.broadcast %add3A_243 : i32 to vector<16xi32>
    %add3A_245 = arith.addi %xor3A_239, %add3A_244 : vector<16xi32>
    %select_n3A_246 = arith.select %lt3A_242, %add3A_245, %xor3A_239 : vector<16xi1>, vector<16xi32>
    %broadcast_in_dim3A_247 = vector.shape_cast %select_n3A_246 : vector<16xi32> to vector<16x1xi32>
    %gather3A_248 = vector.shape_cast %broadcast_in_dim3A_247 : vector<16x1xi32> to vector<16xi32>
    %gather3A_249 = tpu.dynamic_gather %select_n3A_235[%gather3A_248] in [0] : vector<16xi32>, vector<16xi32> -> vector<16xi32>
    %min3A = arith.minsi %select_n3A_235, %gather3A_249 : vector<16xi32>
    %xor3A_250 = arith.constant 2 : i32
    %xor3A_251 = vector.broadcast %xor3A_250 : i32 to vector<16xi32>
    %xor3A_252 = arith.xori %iota3A_236, %xor3A_251 : vector<16xi32>
    %lt3A_253 = arith.constant 0 : i32
    %lt3A_254 = vector.broadcast %lt3A_253 : i32 to vector<16xi32>
    %lt3A_255 = arith.cmpi slt, %xor3A_252, %lt3A_254 : vector<16xi32>
    %add3A_256 = arith.constant 16 : i32
    %add3A_257 = vector.broadcast %add3A_256 : i32 to vector<16xi32>
    %add3A_258 = arith.addi %xor3A_252, %add3A_257 : vector<16xi32>
    %select_n3A_259 = arith.select %lt3A_255, %add3A_258, %xor3A_252 : vector<16xi1>, vector<16xi32>
    %broadcast_in_dim3A_260 = vector.shape_cast %select_n3A_259 : vector<16xi32> to vector<16x1xi32>
    %gather3A_261 = vector.shape_cast %broadcast_in_dim3A_260 : vector<16x1xi32> to vector<16xi32>
    %gather3A_262 = tpu.dynamic_gather %min3A[%gather3A_261] in [0] : vector<16xi32>, vector<16xi32> -> vector<16xi32>
    %min3A_263 = arith.minsi %min3A, %gather3A_262 : vector<16xi32>
    %xor3A_264 = arith.constant 4 : i32
    %xor3A_265 = vector.broadcast %xor3A_264 : i32 to vector<16xi32>
    %xor3A_266 = arith.xori %iota3A_236, %xor3A_265 : vector<16xi32>
    %lt3A_267 = arith.constant 0 : i32
    %lt3A_268 = vector.broadcast %lt3A_267 : i32 to vector<16xi32>
    %lt3A_269 = arith.cmpi slt, %xor3A_266, %lt3A_268 : vector<16xi32>
    %add3A_270 = arith.constant 16 : i32
    %add3A_271 = vector.broadcast %add3A_270 : i32 to vector<16xi32>
    %add3A_272 = arith.addi %xor3A_266, %add3A_271 : vector<16xi32>
    %select_n3A_273 = arith.select %lt3A_269, %add3A_272, %xor3A_266 : vector<16xi1>, vector<16xi32>
    %broadcast_in_dim3A_274 = vector.shape_cast %select_n3A_273 : vector<16xi32> to vector<16x1xi32>
    %gather3A_275 = vector.shape_cast %broadcast_in_dim3A_274 : vector<16x1xi32> to vector<16xi32>
    %gather3A_276 = tpu.dynamic_gather %min3A_263[%gather3A_275] in [0] : vector<16xi32>, vector<16xi32> -> vector<16xi32>
    %min3A_277 = arith.minsi %min3A_263, %gather3A_276 : vector<16xi32>
    %xor3A_278 = arith.constant 8 : i32
    %xor3A_279 = vector.broadcast %xor3A_278 : i32 to vector<16xi32>
    %xor3A_280 = arith.xori %iota3A_236, %xor3A_279 : vector<16xi32>
    %lt3A_281 = arith.constant 0 : i32
    %lt3A_282 = vector.broadcast %lt3A_281 : i32 to vector<16xi32>
    %lt3A_283 = arith.cmpi slt, %xor3A_280, %lt3A_282 : vector<16xi32>
    %add3A_284 = arith.constant 16 : i32
    %add3A_285 = vector.broadcast %add3A_284 : i32 to vector<16xi32>
    %add3A_286 = arith.addi %xor3A_280, %add3A_285 : vector<16xi32>
    %select_n3A_287 = arith.select %lt3A_283, %add3A_286, %xor3A_280 : vector<16xi1>, vector<16xi32>
    %broadcast_in_dim3A_288 = vector.shape_cast %select_n3A_287 : vector<16xi32> to vector<16x1xi32>
    %gather3A_289 = vector.shape_cast %broadcast_in_dim3A_288 : vector<16x1xi32> to vector<16xi32>
    %gather3A_290 = tpu.dynamic_gather %min3A_277[%gather3A_289] in [0] : vector<16xi32>, vector<16xi32> -> vector<16xi32>
    %min3A_291 = arith.minsi %min3A_277, %gather3A_290 : vector<16xi32>
    %eq3A_292 = arith.cmpi eq, %or3A, %min3A_291 : vector<16xi32>
    %jit3A_293 = arith.constant 0xFF800000 : f32
    %broadcast_in_dim3A_294 = vector.broadcast %jit3A_293 : f32 to vector<16xf32>
    %select_n3A_295 = arith.select %eq3A_292, %broadcast_in_dim3A_294, %select_n3A_167 : vector<16xi1>, vector<16xf32>
    %and3A_296 = arith.constant 32767 : i32
    %and3A_297 = vector.broadcast %and3A_296 : i32 to vector<16xi32>
    %and3A_298 = arith.andi %min3A_291, %and3A_297 : vector<16xi32>
    %convert_element_type3A = arith.sitofp %and3A_298 : vector<16xi32> to vector<16xf32>
    %shift_right_arithmetic3A_299 = arith.constant 15 : i32
    %shift_right_arithmetic3A_300 = vector.broadcast %shift_right_arithmetic3A_299 : i32 to vector<16xi32>
    %shift_right_arithmetic3A_301 = arith.shrsi %min3A_291, %shift_right_arithmetic3A_300 : vector<16xi32>
    %convert_element_type3A_302 = arith.sitofp %shift_right_arithmetic3A_301 : vector<16xi32> to vector<16xf32>
    %eq3A_303 = arith.constant 0 : i32
    %eq3A_304 = vector.broadcast %eq3A_303 : i32 to vector<16xi32>
    %eq3A_305 = arith.cmpi eq, %iota3A, %eq3A_304 : vector<16xi32>
    %select_n3A_306 = arith.select %eq3A_305, %max3A_231, %broadcast_in_dim3A_176 : vector<16xi1>, vector<16xf32>
    %eq3A_307 = arith.constant 4 : i32
    %eq3A_308 = vector.broadcast %eq3A_307 : i32 to vector<16xi32>
    %eq3A_309 = arith.cmpi eq, %iota3A, %eq3A_308 : vector<16xi32>
    %select_n3A_310 = arith.select %eq3A_309, %convert_element_type3A, %select_n3A_306 : vector<16xi1>, vector<16xf32>
    %eq3A_311 = arith.constant 8 : i32
    %eq3A_312 = vector.broadcast %eq3A_311 : i32 to vector<16xi32>
    %eq3A_313 = arith.cmpi eq, %iota3A, %eq3A_312 : vector<16xi32>
    %select_n3A_314 = arith.select %eq3A_313, %convert_element_type3A_302, %select_n3A_310 : vector<16xi1>, vector<16xf32>
    %iota3A_315 = tpu.iota {dimensions = array<i32: 0>} : vector<16xi32>
    %xor3A_316 = arith.constant 1 : i32
    %xor3A_317 = vector.broadcast %xor3A_316 : i32 to vector<16xi32>
    %xor3A_318 = arith.xori %iota3A_315, %xor3A_317 : vector<16xi32>
    %lt3A_319 = arith.constant 0 : i32
    %lt3A_320 = vector.broadcast %lt3A_319 : i32 to vector<16xi32>
    %lt3A_321 = arith.cmpi slt, %xor3A_318, %lt3A_320 : vector<16xi32>
    %add3A_322 = arith.constant 16 : i32
    %add3A_323 = vector.broadcast %add3A_322 : i32 to vector<16xi32>
    %add3A_324 = arith.addi %xor3A_318, %add3A_323 : vector<16xi32>
    %select_n3A_325 = arith.select %lt3A_321, %add3A_324, %xor3A_318 : vector<16xi1>, vector<16xi32>
    %broadcast_in_dim3A_326 = vector.shape_cast %select_n3A_325 : vector<16xi32> to vector<16x1xi32>
    %gather3A_327 = vector.shape_cast %broadcast_in_dim3A_326 : vector<16x1xi32> to vector<16xi32>
    %gather3A_328 = tpu.dynamic_gather %select_n3A_295[%gather3A_327] in [0] : vector<16xf32>, vector<16xi32> -> vector<16xf32>
    %max3A_329 = arith.maximumf %select_n3A_295, %gather3A_328 : vector<16xf32>
    %xor3A_330 = arith.constant 2 : i32
    %xor3A_331 = vector.broadcast %xor3A_330 : i32 to vector<16xi32>
    %xor3A_332 = arith.xori %iota3A_315, %xor3A_331 : vector<16xi32>
    %lt3A_333 = arith.constant 0 : i32
    %lt3A_334 = vector.broadcast %lt3A_333 : i32 to vector<16xi32>
    %lt3A_335 = arith.cmpi slt, %xor3A_332, %lt3A_334 : vector<16xi32>
    %add3A_336 = arith.constant 16 : i32
    %add3A_337 = vector.broadcast %add3A_336 : i32 to vector<16xi32>
    %add3A_338 = arith.addi %xor3A_332, %add3A_337 : vector<16xi32>
    %select_n3A_339 = arith.select %lt3A_335, %add3A_338, %xor3A_332 : vector<16xi1>, vector<16xi32>
    %broadcast_in_dim3A_340 = vector.shape_cast %select_n3A_339 : vector<16xi32> to vector<16x1xi32>
    %gather3A_341 = vector.shape_cast %broadcast_in_dim3A_340 : vector<16x1xi32> to vector<16xi32>
    %gather3A_342 = tpu.dynamic_gather %max3A_329[%gather3A_341] in [0] : vector<16xf32>, vector<16xi32> -> vector<16xf32>
    %max3A_343 = arith.maximumf %max3A_329, %gather3A_342 : vector<16xf32>
    %xor3A_344 = arith.constant 4 : i32
    %xor3A_345 = vector.broadcast %xor3A_344 : i32 to vector<16xi32>
    %xor3A_346 = arith.xori %iota3A_315, %xor3A_345 : vector<16xi32>
    %lt3A_347 = arith.constant 0 : i32
    %lt3A_348 = vector.broadcast %lt3A_347 : i32 to vector<16xi32>
    %lt3A_349 = arith.cmpi slt, %xor3A_346, %lt3A_348 : vector<16xi32>
    %add3A_350 = arith.constant 16 : i32
    %add3A_351 = vector.broadcast %add3A_350 : i32 to vector<16xi32>
    %add3A_352 = arith.addi %xor3A_346, %add3A_351 : vector<16xi32>
    %select_n3A_353 = arith.select %lt3A_349, %add3A_352, %xor3A_346 : vector<16xi1>, vector<16xi32>
    %broadcast_in_dim3A_354 = vector.shape_cast %select_n3A_353 : vector<16xi32> to vector<16x1xi32>
    %gather3A_355 = vector.shape_cast %broadcast_in_dim3A_354 : vector<16x1xi32> to vector<16xi32>
    %gather3A_356 = tpu.dynamic_gather %max3A_343[%gather3A_355] in [0] : vector<16xf32>, vector<16xi32> -> vector<16xf32>
    %max3A_357 = arith.maximumf %max3A_343, %gather3A_356 : vector<16xf32>
    %xor3A_358 = arith.constant 8 : i32
    %xor3A_359 = vector.broadcast %xor3A_358 : i32 to vector<16xi32>
    %xor3A_360 = arith.xori %iota3A_315, %xor3A_359 : vector<16xi32>
    %lt3A_361 = arith.constant 0 : i32
    %lt3A_362 = vector.broadcast %lt3A_361 : i32 to vector<16xi32>
    %lt3A_363 = arith.cmpi slt, %xor3A_360, %lt3A_362 : vector<16xi32>
    %add3A_364 = arith.constant 16 : i32
    %add3A_365 = vector.broadcast %add3A_364 : i32 to vector<16xi32>
    %add3A_366 = arith.addi %xor3A_360, %add3A_365 : vector<16xi32>
    %select_n3A_367 = arith.select %lt3A_363, %add3A_366, %xor3A_360 : vector<16xi1>, vector<16xi32>
    %broadcast_in_dim3A_368 = vector.shape_cast %select_n3A_367 : vector<16xi32> to vector<16x1xi32>
    %gather3A_369 = vector.shape_cast %broadcast_in_dim3A_368 : vector<16x1xi32> to vector<16xi32>
    %gather3A_370 = tpu.dynamic_gather %max3A_357[%gather3A_369] in [0] : vector<16xf32>, vector<16xi32> -> vector<16xf32>
    %max3A_371 = arith.maximumf %max3A_357, %gather3A_370 : vector<16xf32>
    %eq3A_372 = arith.cmpf oeq, %select_n3A_295, %max3A_371 : vector<16xf32>
    %jit3A_373 = arith.constant 131072 : i32
    %broadcast_in_dim3A_374 = vector.broadcast %jit3A_373 : i32 to vector<16xi32>
    %select_n3A_375 = arith.select %eq3A_372, %or3A, %broadcast_in_dim3A_374 : vector<16xi1>, vector<16xi32>
    %iota3A_376 = tpu.iota {dimensions = array<i32: 0>} : vector<16xi32>
    %xor3A_377 = arith.constant 1 : i32
    %xor3A_378 = vector.broadcast %xor3A_377 : i32 to vector<16xi32>
    %xor3A_379 = arith.xori %iota3A_376, %xor3A_378 : vector<16xi32>
    %lt3A_380 = arith.constant 0 : i32
    %lt3A_381 = vector.broadcast %lt3A_380 : i32 to vector<16xi32>
    %lt3A_382 = arith.cmpi slt, %xor3A_379, %lt3A_381 : vector<16xi32>
    %add3A_383 = arith.constant 16 : i32
    %add3A_384 = vector.broadcast %add3A_383 : i32 to vector<16xi32>
    %add3A_385 = arith.addi %xor3A_379, %add3A_384 : vector<16xi32>
    %select_n3A_386 = arith.select %lt3A_382, %add3A_385, %xor3A_379 : vector<16xi1>, vector<16xi32>
    %broadcast_in_dim3A_387 = vector.shape_cast %select_n3A_386 : vector<16xi32> to vector<16x1xi32>
    %gather3A_388 = vector.shape_cast %broadcast_in_dim3A_387 : vector<16x1xi32> to vector<16xi32>
    %gather3A_389 = tpu.dynamic_gather %select_n3A_375[%gather3A_388] in [0] : vector<16xi32>, vector<16xi32> -> vector<16xi32>
    %min3A_390 = arith.minsi %select_n3A_375, %gather3A_389 : vector<16xi32>
    %xor3A_391 = arith.constant 2 : i32
    %xor3A_392 = vector.broadcast %xor3A_391 : i32 to vector<16xi32>
    %xor3A_393 = arith.xori %iota3A_376, %xor3A_392 : vector<16xi32>
    %lt3A_394 = arith.constant 0 : i32
    %lt3A_395 = vector.broadcast %lt3A_394 : i32 to vector<16xi32>
    %lt3A_396 = arith.cmpi slt, %xor3A_393, %lt3A_395 : vector<16xi32>
    %add3A_397 = arith.constant 16 : i32
    %add3A_398 = vector.broadcast %add3A_397 : i32 to vector<16xi32>
    %add3A_399 = arith.addi %xor3A_393, %add3A_398 : vector<16xi32>
    %select_n3A_400 = arith.select %lt3A_396, %add3A_399, %xor3A_393 : vector<16xi1>, vector<16xi32>
    %broadcast_in_dim3A_401 = vector.shape_cast %select_n3A_400 : vector<16xi32> to vector<16x1xi32>
    %gather3A_402 = vector.shape_cast %broadcast_in_dim3A_401 : vector<16x1xi32> to vector<16xi32>
    %gather3A_403 = tpu.dynamic_gather %min3A_390[%gather3A_402] in [0] : vector<16xi32>, vector<16xi32> -> vector<16xi32>
    %min3A_404 = arith.minsi %min3A_390, %gather3A_403 : vector<16xi32>
    %xor3A_405 = arith.constant 4 : i32
    %xor3A_406 = vector.broadcast %xor3A_405 : i32 to vector<16xi32>
    %xor3A_407 = arith.xori %iota3A_376, %xor3A_406 : vector<16xi32>
    %lt3A_408 = arith.constant 0 : i32
    %lt3A_409 = vector.broadcast %lt3A_408 : i32 to vector<16xi32>
    %lt3A_410 = arith.cmpi slt, %xor3A_407, %lt3A_409 : vector<16xi32>
    %add3A_411 = arith.constant 16 : i32
    %add3A_412 = vector.broadcast %add3A_411 : i32 to vector<16xi32>
    %add3A_413 = arith.addi %xor3A_407, %add3A_412 : vector<16xi32>
    %select_n3A_414 = arith.select %lt3A_410, %add3A_413, %xor3A_407 : vector<16xi1>, vector<16xi32>
    %broadcast_in_dim3A_415 = vector.shape_cast %select_n3A_414 : vector<16xi32> to vector<16x1xi32>
    %gather3A_416 = vector.shape_cast %broadcast_in_dim3A_415 : vector<16x1xi32> to vector<16xi32>
    %gather3A_417 = tpu.dynamic_gather %min3A_404[%gather3A_416] in [0] : vector<16xi32>, vector<16xi32> -> vector<16xi32>
    %min3A_418 = arith.minsi %min3A_404, %gather3A_417 : vector<16xi32>
    %xor3A_419 = arith.constant 8 : i32
    %xor3A_420 = vector.broadcast %xor3A_419 : i32 to vector<16xi32>
    %xor3A_421 = arith.xori %iota3A_376, %xor3A_420 : vector<16xi32>
    %lt3A_422 = arith.constant 0 : i32
    %lt3A_423 = vector.broadcast %lt3A_422 : i32 to vector<16xi32>
    %lt3A_424 = arith.cmpi slt, %xor3A_421, %lt3A_423 : vector<16xi32>
    %add3A_425 = arith.constant 16 : i32
    %add3A_426 = vector.broadcast %add3A_425 : i32 to vector<16xi32>
    %add3A_427 = arith.addi %xor3A_421, %add3A_426 : vector<16xi32>
    %select_n3A_428 = arith.select %lt3A_424, %add3A_427, %xor3A_421 : vector<16xi1>, vector<16xi32>
    %broadcast_in_dim3A_429 = vector.shape_cast %select_n3A_428 : vector<16xi32> to vector<16x1xi32>
    %gather3A_430 = vector.shape_cast %broadcast_in_dim3A_429 : vector<16x1xi32> to vector<16xi32>
    %gather3A_431 = tpu.dynamic_gather %min3A_418[%gather3A_430] in [0] : vector<16xi32>, vector<16xi32> -> vector<16xi32>
    %min3A_432 = arith.minsi %min3A_418, %gather3A_431 : vector<16xi32>
    %eq3A_433 = arith.cmpi eq, %or3A, %min3A_432 : vector<16xi32>
    %jit3A_434 = arith.constant 0xFF800000 : f32
    %broadcast_in_dim3A_435 = vector.broadcast %jit3A_434 : f32 to vector<16xf32>
    %select_n3A_436 = arith.select %eq3A_433, %broadcast_in_dim3A_435, %select_n3A_295 : vector<16xi1>, vector<16xf32>
    %and3A_437 = arith.constant 32767 : i32
    %and3A_438 = vector.broadcast %and3A_437 : i32 to vector<16xi32>
    %and3A_439 = arith.andi %min3A_432, %and3A_438 : vector<16xi32>
    %convert_element_type3A_440 = arith.sitofp %and3A_439 : vector<16xi32> to vector<16xf32>
    %shift_right_arithmetic3A_441 = arith.constant 15 : i32
    %shift_right_arithmetic3A_442 = vector.broadcast %shift_right_arithmetic3A_441 : i32 to vector<16xi32>
    %shift_right_arithmetic3A_443 = arith.shrsi %min3A_432, %shift_right_arithmetic3A_442 : vector<16xi32>
    %convert_element_type3A_444 = arith.sitofp %shift_right_arithmetic3A_443 : vector<16xi32> to vector<16xf32>
    %eq3A_445 = arith.constant 1 : i32
    %eq3A_446 = vector.broadcast %eq3A_445 : i32 to vector<16xi32>
    %eq3A_447 = arith.cmpi eq, %iota3A, %eq3A_446 : vector<16xi32>
    %select_n3A_448 = arith.select %eq3A_447, %max3A_371, %select_n3A_314 : vector<16xi1>, vector<16xf32>
    %eq3A_449 = arith.constant 5 : i32
    %eq3A_450 = vector.broadcast %eq3A_449 : i32 to vector<16xi32>
    %eq3A_451 = arith.cmpi eq, %iota3A, %eq3A_450 : vector<16xi32>
    %select_n3A_452 = arith.select %eq3A_451, %convert_element_type3A_440, %select_n3A_448 : vector<16xi1>, vector<16xf32>
    %eq3A_453 = arith.constant 9 : i32
    %eq3A_454 = vector.broadcast %eq3A_453 : i32 to vector<16xi32>
    %eq3A_455 = arith.cmpi eq, %iota3A, %eq3A_454 : vector<16xi32>
    %select_n3A_456 = arith.select %eq3A_455, %convert_element_type3A_444, %select_n3A_452 : vector<16xi1>, vector<16xf32>
    %iota3A_457 = tpu.iota {dimensions = array<i32: 0>} : vector<16xi32>
    %xor3A_458 = arith.constant 1 : i32
    %xor3A_459 = vector.broadcast %xor3A_458 : i32 to vector<16xi32>
    %xor3A_460 = arith.xori %iota3A_457, %xor3A_459 : vector<16xi32>
    %lt3A_461 = arith.constant 0 : i32
    %lt3A_462 = vector.broadcast %lt3A_461 : i32 to vector<16xi32>
    %lt3A_463 = arith.cmpi slt, %xor3A_460, %lt3A_462 : vector<16xi32>
    %add3A_464 = arith.constant 16 : i32
    %add3A_465 = vector.broadcast %add3A_464 : i32 to vector<16xi32>
    %add3A_466 = arith.addi %xor3A_460, %add3A_465 : vector<16xi32>
    %select_n3A_467 = arith.select %lt3A_463, %add3A_466, %xor3A_460 : vector<16xi1>, vector<16xi32>
    %broadcast_in_dim3A_468 = vector.shape_cast %select_n3A_467 : vector<16xi32> to vector<16x1xi32>
    %gather3A_469 = vector.shape_cast %broadcast_in_dim3A_468 : vector<16x1xi32> to vector<16xi32>
    %gather3A_470 = tpu.dynamic_gather %select_n3A_436[%gather3A_469] in [0] : vector<16xf32>, vector<16xi32> -> vector<16xf32>
    %max3A_471 = arith.maximumf %select_n3A_436, %gather3A_470 : vector<16xf32>
    %xor3A_472 = arith.constant 2 : i32
    %xor3A_473 = vector.broadcast %xor3A_472 : i32 to vector<16xi32>
    %xor3A_474 = arith.xori %iota3A_457, %xor3A_473 : vector<16xi32>
    %lt3A_475 = arith.constant 0 : i32
    %lt3A_476 = vector.broadcast %lt3A_475 : i32 to vector<16xi32>
    %lt3A_477 = arith.cmpi slt, %xor3A_474, %lt3A_476 : vector<16xi32>
    %add3A_478 = arith.constant 16 : i32
    %add3A_479 = vector.broadcast %add3A_478 : i32 to vector<16xi32>
    %add3A_480 = arith.addi %xor3A_474, %add3A_479 : vector<16xi32>
    %select_n3A_481 = arith.select %lt3A_477, %add3A_480, %xor3A_474 : vector<16xi1>, vector<16xi32>
    %broadcast_in_dim3A_482 = vector.shape_cast %select_n3A_481 : vector<16xi32> to vector<16x1xi32>
    %gather3A_483 = vector.shape_cast %broadcast_in_dim3A_482 : vector<16x1xi32> to vector<16xi32>
    %gather3A_484 = tpu.dynamic_gather %max3A_471[%gather3A_483] in [0] : vector<16xf32>, vector<16xi32> -> vector<16xf32>
    %max3A_485 = arith.maximumf %max3A_471, %gather3A_484 : vector<16xf32>
    %xor3A_486 = arith.constant 4 : i32
    %xor3A_487 = vector.broadcast %xor3A_486 : i32 to vector<16xi32>
    %xor3A_488 = arith.xori %iota3A_457, %xor3A_487 : vector<16xi32>
    %lt3A_489 = arith.constant 0 : i32
    %lt3A_490 = vector.broadcast %lt3A_489 : i32 to vector<16xi32>
    %lt3A_491 = arith.cmpi slt, %xor3A_488, %lt3A_490 : vector<16xi32>
    %add3A_492 = arith.constant 16 : i32
    %add3A_493 = vector.broadcast %add3A_492 : i32 to vector<16xi32>
    %add3A_494 = arith.addi %xor3A_488, %add3A_493 : vector<16xi32>
    %select_n3A_495 = arith.select %lt3A_491, %add3A_494, %xor3A_488 : vector<16xi1>, vector<16xi32>
    %broadcast_in_dim3A_496 = vector.shape_cast %select_n3A_495 : vector<16xi32> to vector<16x1xi32>
    %gather3A_497 = vector.shape_cast %broadcast_in_dim3A_496 : vector<16x1xi32> to vector<16xi32>
    %gather3A_498 = tpu.dynamic_gather %max3A_485[%gather3A_497] in [0] : vector<16xf32>, vector<16xi32> -> vector<16xf32>
    %max3A_499 = arith.maximumf %max3A_485, %gather3A_498 : vector<16xf32>
    %xor3A_500 = arith.constant 8 : i32
    %xor3A_501 = vector.broadcast %xor3A_500 : i32 to vector<16xi32>
    %xor3A_502 = arith.xori %iota3A_457, %xor3A_501 : vector<16xi32>
    %lt3A_503 = arith.constant 0 : i32
    %lt3A_504 = vector.broadcast %lt3A_503 : i32 to vector<16xi32>
    %lt3A_505 = arith.cmpi slt, %xor3A_502, %lt3A_504 : vector<16xi32>
    %add3A_506 = arith.constant 16 : i32
    %add3A_507 = vector.broadcast %add3A_506 : i32 to vector<16xi32>
    %add3A_508 = arith.addi %xor3A_502, %add3A_507 : vector<16xi32>
    %select_n3A_509 = arith.select %lt3A_505, %add3A_508, %xor3A_502 : vector<16xi1>, vector<16xi32>
    %broadcast_in_dim3A_510 = vector.shape_cast %select_n3A_509 : vector<16xi32> to vector<16x1xi32>
    %gather3A_511 = vector.shape_cast %broadcast_in_dim3A_510 : vector<16x1xi32> to vector<16xi32>
    %gather3A_512 = tpu.dynamic_gather %max3A_499[%gather3A_511] in [0] : vector<16xf32>, vector<16xi32> -> vector<16xf32>
    %max3A_513 = arith.maximumf %max3A_499, %gather3A_512 : vector<16xf32>
    %eq3A_514 = arith.cmpf oeq, %select_n3A_436, %max3A_513 : vector<16xf32>
    %jit3A_515 = arith.constant 131072 : i32
    %broadcast_in_dim3A_516 = vector.broadcast %jit3A_515 : i32 to vector<16xi32>
    %select_n3A_517 = arith.select %eq3A_514, %or3A, %broadcast_in_dim3A_516 : vector<16xi1>, vector<16xi32>
    %iota3A_518 = tpu.iota {dimensions = array<i32: 0>} : vector<16xi32>
    %xor3A_519 = arith.constant 1 : i32
    %xor3A_520 = vector.broadcast %xor3A_519 : i32 to vector<16xi32>
    %xor3A_521 = arith.xori %iota3A_518, %xor3A_520 : vector<16xi32>
    %lt3A_522 = arith.constant 0 : i32
    %lt3A_523 = vector.broadcast %lt3A_522 : i32 to vector<16xi32>
    %lt3A_524 = arith.cmpi slt, %xor3A_521, %lt3A_523 : vector<16xi32>
    %add3A_525 = arith.constant 16 : i32
    %add3A_526 = vector.broadcast %add3A_525 : i32 to vector<16xi32>
    %add3A_527 = arith.addi %xor3A_521, %add3A_526 : vector<16xi32>
    %select_n3A_528 = arith.select %lt3A_524, %add3A_527, %xor3A_521 : vector<16xi1>, vector<16xi32>
    %broadcast_in_dim3A_529 = vector.shape_cast %select_n3A_528 : vector<16xi32> to vector<16x1xi32>
    %gather3A_530 = vector.shape_cast %broadcast_in_dim3A_529 : vector<16x1xi32> to vector<16xi32>
    %gather3A_531 = tpu.dynamic_gather %select_n3A_517[%gather3A_530] in [0] : vector<16xi32>, vector<16xi32> -> vector<16xi32>
    %min3A_532 = arith.minsi %select_n3A_517, %gather3A_531 : vector<16xi32>
    %xor3A_533 = arith.constant 2 : i32
    %xor3A_534 = vector.broadcast %xor3A_533 : i32 to vector<16xi32>
    %xor3A_535 = arith.xori %iota3A_518, %xor3A_534 : vector<16xi32>
    %lt3A_536 = arith.constant 0 : i32
    %lt3A_537 = vector.broadcast %lt3A_536 : i32 to vector<16xi32>
    %lt3A_538 = arith.cmpi slt, %xor3A_535, %lt3A_537 : vector<16xi32>
    %add3A_539 = arith.constant 16 : i32
    %add3A_540 = vector.broadcast %add3A_539 : i32 to vector<16xi32>
    %add3A_541 = arith.addi %xor3A_535, %add3A_540 : vector<16xi32>
    %select_n3A_542 = arith.select %lt3A_538, %add3A_541, %xor3A_535 : vector<16xi1>, vector<16xi32>
    %broadcast_in_dim3A_543 = vector.shape_cast %select_n3A_542 : vector<16xi32> to vector<16x1xi32>
    %gather3A_544 = vector.shape_cast %broadcast_in_dim3A_543 : vector<16x1xi32> to vector<16xi32>
    %gather3A_545 = tpu.dynamic_gather %min3A_532[%gather3A_544] in [0] : vector<16xi32>, vector<16xi32> -> vector<16xi32>
    %min3A_546 = arith.minsi %min3A_532, %gather3A_545 : vector<16xi32>
    %xor3A_547 = arith.constant 4 : i32
    %xor3A_548 = vector.broadcast %xor3A_547 : i32 to vector<16xi32>
    %xor3A_549 = arith.xori %iota3A_518, %xor3A_548 : vector<16xi32>
    %lt3A_550 = arith.constant 0 : i32
    %lt3A_551 = vector.broadcast %lt3A_550 : i32 to vector<16xi32>
    %lt3A_552 = arith.cmpi slt, %xor3A_549, %lt3A_551 : vector<16xi32>
    %add3A_553 = arith.constant 16 : i32
    %add3A_554 = vector.broadcast %add3A_553 : i32 to vector<16xi32>
    %add3A_555 = arith.addi %xor3A_549, %add3A_554 : vector<16xi32>
    %select_n3A_556 = arith.select %lt3A_552, %add3A_555, %xor3A_549 : vector<16xi1>, vector<16xi32>
    %broadcast_in_dim3A_557 = vector.shape_cast %select_n3A_556 : vector<16xi32> to vector<16x1xi32>
    %gather3A_558 = vector.shape_cast %broadcast_in_dim3A_557 : vector<16x1xi32> to vector<16xi32>
    %gather3A_559 = tpu.dynamic_gather %min3A_546[%gather3A_558] in [0] : vector<16xi32>, vector<16xi32> -> vector<16xi32>
    %min3A_560 = arith.minsi %min3A_546, %gather3A_559 : vector<16xi32>
    %xor3A_561 = arith.constant 8 : i32
    %xor3A_562 = vector.broadcast %xor3A_561 : i32 to vector<16xi32>
    %xor3A_563 = arith.xori %iota3A_518, %xor3A_562 : vector<16xi32>
    %lt3A_564 = arith.constant 0 : i32
    %lt3A_565 = vector.broadcast %lt3A_564 : i32 to vector<16xi32>
    %lt3A_566 = arith.cmpi slt, %xor3A_563, %lt3A_565 : vector<16xi32>
    %add3A_567 = arith.constant 16 : i32
    %add3A_568 = vector.broadcast %add3A_567 : i32 to vector<16xi32>
    %add3A_569 = arith.addi %xor3A_563, %add3A_568 : vector<16xi32>
    %select_n3A_570 = arith.select %lt3A_566, %add3A_569, %xor3A_563 : vector<16xi1>, vector<16xi32>
    %broadcast_in_dim3A_571 = vector.shape_cast %select_n3A_570 : vector<16xi32> to vector<16x1xi32>
    %gather3A_572 = vector.shape_cast %broadcast_in_dim3A_571 : vector<16x1xi32> to vector<16xi32>
    %gather3A_573 = tpu.dynamic_gather %min3A_560[%gather3A_572] in [0] : vector<16xi32>, vector<16xi32> -> vector<16xi32>
    %min3A_574 = arith.minsi %min3A_560, %gather3A_573 : vector<16xi32>
    %eq3A_575 = arith.cmpi eq, %or3A, %min3A_574 : vector<16xi32>
    %jit3A_576 = arith.constant 0xFF800000 : f32
    %broadcast_in_dim3A_577 = vector.broadcast %jit3A_576 : f32 to vector<16xf32>
    %select_n3A_578 = arith.select %eq3A_575, %broadcast_in_dim3A_577, %select_n3A_436 : vector<16xi1>, vector<16xf32>
    %and3A_579 = arith.constant 32767 : i32
    %and3A_580 = vector.broadcast %and3A_579 : i32 to vector<16xi32>
    %and3A_581 = arith.andi %min3A_574, %and3A_580 : vector<16xi32>
    %convert_element_type3A_582 = arith.sitofp %and3A_581 : vector<16xi32> to vector<16xf32>
    %shift_right_arithmetic3A_583 = arith.constant 15 : i32
    %shift_right_arithmetic3A_584 = vector.broadcast %shift_right_arithmetic3A_583 : i32 to vector<16xi32>
    %shift_right_arithmetic3A_585 = arith.shrsi %min3A_574, %shift_right_arithmetic3A_584 : vector<16xi32>
    %convert_element_type3A_586 = arith.sitofp %shift_right_arithmetic3A_585 : vector<16xi32> to vector<16xf32>
    %eq3A_587 = arith.constant 2 : i32
    %eq3A_588 = vector.broadcast %eq3A_587 : i32 to vector<16xi32>
    %eq3A_589 = arith.cmpi eq, %iota3A, %eq3A_588 : vector<16xi32>
    %select_n3A_590 = arith.select %eq3A_589, %max3A_513, %select_n3A_456 : vector<16xi1>, vector<16xf32>
    %eq3A_591 = arith.constant 6 : i32
    %eq3A_592 = vector.broadcast %eq3A_591 : i32 to vector<16xi32>
    %eq3A_593 = arith.cmpi eq, %iota3A, %eq3A_592 : vector<16xi32>
    %select_n3A_594 = arith.select %eq3A_593, %convert_element_type3A_582, %select_n3A_590 : vector<16xi1>, vector<16xf32>
    %eq3A_595 = arith.constant 10 : i32
    %eq3A_596 = vector.broadcast %eq3A_595 : i32 to vector<16xi32>
    %eq3A_597 = arith.cmpi eq, %iota3A, %eq3A_596 : vector<16xi32>
    %select_n3A_598 = arith.select %eq3A_597, %convert_element_type3A_586, %select_n3A_594 : vector<16xi1>, vector<16xf32>
    %iota3A_599 = tpu.iota {dimensions = array<i32: 0>} : vector<16xi32>
    %xor3A_600 = arith.constant 1 : i32
    %xor3A_601 = vector.broadcast %xor3A_600 : i32 to vector<16xi32>
    %xor3A_602 = arith.xori %iota3A_599, %xor3A_601 : vector<16xi32>
    %lt3A_603 = arith.constant 0 : i32
    %lt3A_604 = vector.broadcast %lt3A_603 : i32 to vector<16xi32>
    %lt3A_605 = arith.cmpi slt, %xor3A_602, %lt3A_604 : vector<16xi32>
    %add3A_606 = arith.constant 16 : i32
    %add3A_607 = vector.broadcast %add3A_606 : i32 to vector<16xi32>
    %add3A_608 = arith.addi %xor3A_602, %add3A_607 : vector<16xi32>
    %select_n3A_609 = arith.select %lt3A_605, %add3A_608, %xor3A_602 : vector<16xi1>, vector<16xi32>
    %broadcast_in_dim3A_610 = vector.shape_cast %select_n3A_609 : vector<16xi32> to vector<16x1xi32>
    %gather3A_611 = vector.shape_cast %broadcast_in_dim3A_610 : vector<16x1xi32> to vector<16xi32>
    %gather3A_612 = tpu.dynamic_gather %select_n3A_578[%gather3A_611] in [0] : vector<16xf32>, vector<16xi32> -> vector<16xf32>
    %max3A_613 = arith.maximumf %select_n3A_578, %gather3A_612 : vector<16xf32>
    %xor3A_614 = arith.constant 2 : i32
    %xor3A_615 = vector.broadcast %xor3A_614 : i32 to vector<16xi32>
    %xor3A_616 = arith.xori %iota3A_599, %xor3A_615 : vector<16xi32>
    %lt3A_617 = arith.constant 0 : i32
    %lt3A_618 = vector.broadcast %lt3A_617 : i32 to vector<16xi32>
    %lt3A_619 = arith.cmpi slt, %xor3A_616, %lt3A_618 : vector<16xi32>
    %add3A_620 = arith.constant 16 : i32
    %add3A_621 = vector.broadcast %add3A_620 : i32 to vector<16xi32>
    %add3A_622 = arith.addi %xor3A_616, %add3A_621 : vector<16xi32>
    %select_n3A_623 = arith.select %lt3A_619, %add3A_622, %xor3A_616 : vector<16xi1>, vector<16xi32>
    %broadcast_in_dim3A_624 = vector.shape_cast %select_n3A_623 : vector<16xi32> to vector<16x1xi32>
    %gather3A_625 = vector.shape_cast %broadcast_in_dim3A_624 : vector<16x1xi32> to vector<16xi32>
    %gather3A_626 = tpu.dynamic_gather %max3A_613[%gather3A_625] in [0] : vector<16xf32>, vector<16xi32> -> vector<16xf32>
    %max3A_627 = arith.maximumf %max3A_613, %gather3A_626 : vector<16xf32>
    %xor3A_628 = arith.constant 4 : i32
    %xor3A_629 = vector.broadcast %xor3A_628 : i32 to vector<16xi32>
    %xor3A_630 = arith.xori %iota3A_599, %xor3A_629 : vector<16xi32>
    %lt3A_631 = arith.constant 0 : i32
    %lt3A_632 = vector.broadcast %lt3A_631 : i32 to vector<16xi32>
    %lt3A_633 = arith.cmpi slt, %xor3A_630, %lt3A_632 : vector<16xi32>
    %add3A_634 = arith.constant 16 : i32
    %add3A_635 = vector.broadcast %add3A_634 : i32 to vector<16xi32>
    %add3A_636 = arith.addi %xor3A_630, %add3A_635 : vector<16xi32>
    %select_n3A_637 = arith.select %lt3A_633, %add3A_636, %xor3A_630 : vector<16xi1>, vector<16xi32>
    %broadcast_in_dim3A_638 = vector.shape_cast %select_n3A_637 : vector<16xi32> to vector<16x1xi32>
    %gather3A_639 = vector.shape_cast %broadcast_in_dim3A_638 : vector<16x1xi32> to vector<16xi32>
    %gather3A_640 = tpu.dynamic_gather %max3A_627[%gather3A_639] in [0] : vector<16xf32>, vector<16xi32> -> vector<16xf32>
    %max3A_641 = arith.maximumf %max3A_627, %gather3A_640 : vector<16xf32>
    %xor3A_642 = arith.constant 8 : i32
    %xor3A_643 = vector.broadcast %xor3A_642 : i32 to vector<16xi32>
    %xor3A_644 = arith.xori %iota3A_599, %xor3A_643 : vector<16xi32>
    %lt3A_645 = arith.constant 0 : i32
    %lt3A_646 = vector.broadcast %lt3A_645 : i32 to vector<16xi32>
    %lt3A_647 = arith.cmpi slt, %xor3A_644, %lt3A_646 : vector<16xi32>
    %add3A_648 = arith.constant 16 : i32
    %add3A_649 = vector.broadcast %add3A_648 : i32 to vector<16xi32>
    %add3A_650 = arith.addi %xor3A_644, %add3A_649 : vector<16xi32>
    %select_n3A_651 = arith.select %lt3A_647, %add3A_650, %xor3A_644 : vector<16xi1>, vector<16xi32>
    %broadcast_in_dim3A_652 = vector.shape_cast %select_n3A_651 : vector<16xi32> to vector<16x1xi32>
    %gather3A_653 = vector.shape_cast %broadcast_in_dim3A_652 : vector<16x1xi32> to vector<16xi32>
    %gather3A_654 = tpu.dynamic_gather %max3A_641[%gather3A_653] in [0] : vector<16xf32>, vector<16xi32> -> vector<16xf32>
    %max3A_655 = arith.maximumf %max3A_641, %gather3A_654 : vector<16xf32>
    %eq3A_656 = arith.cmpf oeq, %select_n3A_578, %max3A_655 : vector<16xf32>
    %jit3A_657 = arith.constant 131072 : i32
    %broadcast_in_dim3A_658 = vector.broadcast %jit3A_657 : i32 to vector<16xi32>
    %select_n3A_659 = arith.select %eq3A_656, %or3A, %broadcast_in_dim3A_658 : vector<16xi1>, vector<16xi32>
    %iota3A_660 = tpu.iota {dimensions = array<i32: 0>} : vector<16xi32>
    %xor3A_661 = arith.constant 1 : i32
    %xor3A_662 = vector.broadcast %xor3A_661 : i32 to vector<16xi32>
    %xor3A_663 = arith.xori %iota3A_660, %xor3A_662 : vector<16xi32>
    %lt3A_664 = arith.constant 0 : i32
    %lt3A_665 = vector.broadcast %lt3A_664 : i32 to vector<16xi32>
    %lt3A_666 = arith.cmpi slt, %xor3A_663, %lt3A_665 : vector<16xi32>
    %add3A_667 = arith.constant 16 : i32
    %add3A_668 = vector.broadcast %add3A_667 : i32 to vector<16xi32>
    %add3A_669 = arith.addi %xor3A_663, %add3A_668 : vector<16xi32>
    %select_n3A_670 = arith.select %lt3A_666, %add3A_669, %xor3A_663 : vector<16xi1>, vector<16xi32>
    %broadcast_in_dim3A_671 = vector.shape_cast %select_n3A_670 : vector<16xi32> to vector<16x1xi32>
    %gather3A_672 = vector.shape_cast %broadcast_in_dim3A_671 : vector<16x1xi32> to vector<16xi32>
    %gather3A_673 = tpu.dynamic_gather %select_n3A_659[%gather3A_672] in [0] : vector<16xi32>, vector<16xi32> -> vector<16xi32>
    %min3A_674 = arith.minsi %select_n3A_659, %gather3A_673 : vector<16xi32>
    %xor3A_675 = arith.constant 2 : i32
    %xor3A_676 = vector.broadcast %xor3A_675 : i32 to vector<16xi32>
    %xor3A_677 = arith.xori %iota3A_660, %xor3A_676 : vector<16xi32>
    %lt3A_678 = arith.constant 0 : i32
    %lt3A_679 = vector.broadcast %lt3A_678 : i32 to vector<16xi32>
    %lt3A_680 = arith.cmpi slt, %xor3A_677, %lt3A_679 : vector<16xi32>
    %add3A_681 = arith.constant 16 : i32
    %add3A_682 = vector.broadcast %add3A_681 : i32 to vector<16xi32>
    %add3A_683 = arith.addi %xor3A_677, %add3A_682 : vector<16xi32>
    %select_n3A_684 = arith.select %lt3A_680, %add3A_683, %xor3A_677 : vector<16xi1>, vector<16xi32>
    %broadcast_in_dim3A_685 = vector.shape_cast %select_n3A_684 : vector<16xi32> to vector<16x1xi32>
    %gather3A_686 = vector.shape_cast %broadcast_in_dim3A_685 : vector<16x1xi32> to vector<16xi32>
    %gather3A_687 = tpu.dynamic_gather %min3A_674[%gather3A_686] in [0] : vector<16xi32>, vector<16xi32> -> vector<16xi32>
    %min3A_688 = arith.minsi %min3A_674, %gather3A_687 : vector<16xi32>
    %xor3A_689 = arith.constant 4 : i32
    %xor3A_690 = vector.broadcast %xor3A_689 : i32 to vector<16xi32>
    %xor3A_691 = arith.xori %iota3A_660, %xor3A_690 : vector<16xi32>
    %lt3A_692 = arith.constant 0 : i32
    %lt3A_693 = vector.broadcast %lt3A_692 : i32 to vector<16xi32>
    %lt3A_694 = arith.cmpi slt, %xor3A_691, %lt3A_693 : vector<16xi32>
    %add3A_695 = arith.constant 16 : i32
    %add3A_696 = vector.broadcast %add3A_695 : i32 to vector<16xi32>
    %add3A_697 = arith.addi %xor3A_691, %add3A_696 : vector<16xi32>
    %select_n3A_698 = arith.select %lt3A_694, %add3A_697, %xor3A_691 : vector<16xi1>, vector<16xi32>
    %broadcast_in_dim3A_699 = vector.shape_cast %select_n3A_698 : vector<16xi32> to vector<16x1xi32>
    %gather3A_700 = vector.shape_cast %broadcast_in_dim3A_699 : vector<16x1xi32> to vector<16xi32>
    %gather3A_701 = tpu.dynamic_gather %min3A_688[%gather3A_700] in [0] : vector<16xi32>, vector<16xi32> -> vector<16xi32>
    %min3A_702 = arith.minsi %min3A_688, %gather3A_701 : vector<16xi32>
    %xor3A_703 = arith.constant 8 : i32
    %xor3A_704 = vector.broadcast %xor3A_703 : i32 to vector<16xi32>
    %xor3A_705 = arith.xori %iota3A_660, %xor3A_704 : vector<16xi32>
    %lt3A_706 = arith.constant 0 : i32
    %lt3A_707 = vector.broadcast %lt3A_706 : i32 to vector<16xi32>
    %lt3A_708 = arith.cmpi slt, %xor3A_705, %lt3A_707 : vector<16xi32>
    %add3A_709 = arith.constant 16 : i32
    %add3A_710 = vector.broadcast %add3A_709 : i32 to vector<16xi32>
    %add3A_711 = arith.addi %xor3A_705, %add3A_710 : vector<16xi32>
    %select_n3A_712 = arith.select %lt3A_708, %add3A_711, %xor3A_705 : vector<16xi1>, vector<16xi32>
    %broadcast_in_dim3A_713 = vector.shape_cast %select_n3A_712 : vector<16xi32> to vector<16x1xi32>
    %gather3A_714 = vector.shape_cast %broadcast_in_dim3A_713 : vector<16x1xi32> to vector<16xi32>
    %gather3A_715 = tpu.dynamic_gather %min3A_702[%gather3A_714] in [0] : vector<16xi32>, vector<16xi32> -> vector<16xi32>
    %min3A_716 = arith.minsi %min3A_702, %gather3A_715 : vector<16xi32>
    %eq3A_717 = arith.cmpi eq, %or3A, %min3A_716 : vector<16xi32>
    %jit3A_718 = arith.constant 0xFF800000 : f32
    %broadcast_in_dim3A_719 = vector.broadcast %jit3A_718 : f32 to vector<16xf32>
    %select_n3A_720 = arith.select %eq3A_717, %broadcast_in_dim3A_719, %select_n3A_578 : vector<16xi1>, vector<16xf32>
    %and3A_721 = arith.constant 32767 : i32
    %and3A_722 = vector.broadcast %and3A_721 : i32 to vector<16xi32>
    %and3A_723 = arith.andi %min3A_716, %and3A_722 : vector<16xi32>
    %convert_element_type3A_724 = arith.sitofp %and3A_723 : vector<16xi32> to vector<16xf32>
    %shift_right_arithmetic3A_725 = arith.constant 15 : i32
    %shift_right_arithmetic3A_726 = vector.broadcast %shift_right_arithmetic3A_725 : i32 to vector<16xi32>
    %shift_right_arithmetic3A_727 = arith.shrsi %min3A_716, %shift_right_arithmetic3A_726 : vector<16xi32>
    %convert_element_type3A_728 = arith.sitofp %shift_right_arithmetic3A_727 : vector<16xi32> to vector<16xf32>
    %eq3A_729 = arith.constant 3 : i32
    %eq3A_730 = vector.broadcast %eq3A_729 : i32 to vector<16xi32>
    %eq3A_731 = arith.cmpi eq, %iota3A, %eq3A_730 : vector<16xi32>
    %select_n3A_732 = arith.select %eq3A_731, %max3A_655, %select_n3A_598 : vector<16xi1>, vector<16xf32>
    %eq3A_733 = arith.constant 7 : i32
    %eq3A_734 = vector.broadcast %eq3A_733 : i32 to vector<16xi32>
    %eq3A_735 = arith.cmpi eq, %iota3A, %eq3A_734 : vector<16xi32>
    %select_n3A_736 = arith.select %eq3A_735, %convert_element_type3A_724, %select_n3A_732 : vector<16xi1>, vector<16xf32>
    %eq3A_737 = arith.constant 11 : i32
    %eq3A_738 = vector.broadcast %eq3A_737 : i32 to vector<16xi32>
    %eq3A_739 = arith.cmpi eq, %iota3A, %eq3A_738 : vector<16xi32>
    %select_n3A_740 = arith.select %eq3A_739, %convert_element_type3A_728, %select_n3A_736 : vector<16xi1>, vector<16xf32>
    %swap3A = arith.constant 0 : index
    %swap3A_741 = tpu.vector_load %arg8[%swap3A] {strides = array<i32>} : memref<16xf32, #tpu.memory_space<vmem>>, vector<16xf32>,
    %swap3A_742 = vector.shape_cast %swap3A_741 : vector<16xf32> to vector<16xf32>
    %swap3A_743 = vector.shape_cast %select_n3A_740 : vector<16xf32> to vector<16xf32>
    tpu.vector_store %arg8[%swap3A], %swap3A_743 {strides = array<i32>} : memref<16xf32, #tpu.memory_space<vmem>>, vector<16xf32>,
    "tpu.region"() ({
      %run_scoped3A = tpu.sem_alloc : memref<!tpu.dma_semaphore, #tpu.memory_space<semaphore_mem>>
      %dma_start3A_744 = arith.constant 0 : i32
      %dma_start3A_745 = tpu.memref_slice %arg4[%add3A, %dma_start3A_744] : memref<32x16xf32, #tpu.memory_space<hbm>> -> memref<1x16xf32, #tpu.memory_space<hbm>>
      %dma_start3A_746 = tpu.memref_squeeze %dma_start3A_745 : memref<1x16xf32, #tpu.memory_space<hbm>> -> memref<16xf32, #tpu.memory_space<hbm>>
      %dma_start3A_747 = arith.constant 0 : i32
      %dma_start3A_748 = tpu.memref_slice %arg4[%add3A, %dma_start3A_747] : memref<32x16xf32, #tpu.memory_space<hbm>> -> memref<1x16xf32, #tpu.memory_space<hbm>>
      %dma_start3A_749 = tpu.memref_squeeze %dma_start3A_748 : memref<1x16xf32, #tpu.memory_space<hbm>> -> memref<16xf32, #tpu.memory_space<hbm>>
      tpu.enqueue_dma source(%arg8 : memref<16xf32, #tpu.memory_space<vmem>>) target(%dma_start3A_749 : memref<16xf32, #tpu.memory_space<hbm>>) target_semaphore(%run_scoped3A : memref<!tpu.dma_semaphore, #tpu.memory_space<semaphore_mem>>)
      %dma_wait3A = arith.constant 0 : i32
      %dma_wait3A_750 = tpu.memref_slice %arg4[%add3A, %dma_wait3A] : memref<32x16xf32, #tpu.memory_space<hbm>> -> memref<1x16xf32, #tpu.memory_space<hbm>>
      %dma_wait3A_751 = tpu.memref_squeeze %dma_wait3A_750 : memref<1x16xf32, #tpu.memory_space<hbm>> -> memref<16xf32, #tpu.memory_space<hbm>>
      %dma_wait3A_752 = arith.constant 0 : i32
      %dma_wait3A_753 = tpu.memref_slice %arg4[%add3A, %dma_wait3A_752] : memref<32x16xf32, #tpu.memory_space<hbm>> -> memref<1x16xf32, #tpu.memory_space<hbm>>
      %dma_wait3A_754 = tpu.memref_squeeze %dma_wait3A_753 : memref<1x16xf32, #tpu.memory_space<hbm>> -> memref<16xf32, #tpu.memory_space<hbm>>
      tpu.wait_dma2 semaphore(%run_scoped3A : memref<!tpu.dma_semaphore, #tpu.memory_space<semaphore_mem>>) src(%arg8 : memref<16xf32, #tpu.memory_space<vmem>>) dst(%dma_wait3A_754 : memref<16xf32, #tpu.memory_space<hbm>>)
      tpu.yield
    }) : () -> ()
    return
  }
}

module attributes {stable_mosaic.version = 14 : i64} {
  func.func @_scan_body(%arg0: i32, %arg1: memref<64x32768xf32, #tpu.memory_space<vmem>>, %arg2: memref<64x4xf32, #tpu.memory_space<vmem>>, %arg3: memref<64x4xi32, #tpu.memory_space<vmem>>, %arg4: memref<64x1xf32, #tpu.memory_space<vmem>>) attributes {dimension_semantics = [#tpu.dimension_semantics<arbitrary>], iteration_bounds = array<i64: 6>, scalar_prefetch = 0 : i64, scratch_operands = 0 : i64, tpu.core_type = #tpu.core_type<tc>, window_params = [{transform_indices = @transform_0, window_bounds = array<i64: 64, 32768>}, {transform_indices = @transform_1, window_bounds = array<i64: 64, 4>}, {transform_indices = @transform_2, window_bounds = array<i64: 64, 4>}, {transform_indices = @transform_3, window_bounds = array<i64: 64, 1>}]} {
    %get3A = arith.constant 0 : index
    %get3A_0 = arith.constant 0 : index
    %get3A_1 = vector.load %arg1[%get3A, %get3A_0] : memref<64x32768xf32, #tpu.memory_space<vmem>>, vector<64x32768xf32>
    %reduce_max3A = arith.constant dense<0xFF800000> : vector<64xf32>
    %reduce_max3A_2 = vector.multi_reduction <maximumf>, %get3A_1, %reduce_max3A [1] : vector<64x32768xf32> to vector<64xf32>
    %broadcast_in_dim3A = vector.shape_cast %reduce_max3A_2 : vector<64xf32> to vector<64x1xf32>
    %sub3A = vector.broadcast %broadcast_in_dim3A : vector<64x1xf32> to vector<64x32768xf32>
    %sub3A_3 = arith.subf %get3A_1, %sub3A : vector<64x32768xf32>
    %exp3A = math.exp %sub3A_3 : vector<64x32768xf32>
    %reduce_sum3A = arith.constant dense<0.000000e+00> : vector<64xf32>
    %reduce_sum3A_4 = vector.multi_reduction <add>, %exp3A, %reduce_sum3A [1] : vector<64x32768xf32> to vector<64xf32>
    %broadcast_in_dim3A_5 = vector.shape_cast %reduce_sum3A_4 : vector<64xf32> to vector<64x1xf32>
    %log3A = math.log %broadcast_in_dim3A_5 : vector<64x1xf32>
    %add3A = arith.addf %broadcast_in_dim3A, %log3A : vector<64x1xf32>
    %swap3A = arith.constant 0 : index
    %swap3A_6 = arith.constant 0 : index
    %swap3A_7 = vector.load %arg4[%swap3A, %swap3A_6] : memref<64x1xf32, #tpu.memory_space<vmem>>, vector<64x1xf32>
    tpu.vector_store %arg4[%swap3A, %swap3A_6], %add3A {strides = array<i32>} : memref<64x1xf32, #tpu.memory_space<vmem>>, vector<64x1xf32>,
    %iota3A = tpu.iota {dimensions = array<i32: 1>} : vector<64x32768xi32>
    %eq3A = vector.broadcast %broadcast_in_dim3A : vector<64x1xf32> to vector<64x32768xf32>
    %eq3A_8 = arith.cmpf oeq, %get3A_1, %eq3A : vector<64x32768xf32>
    %jit3A = arith.constant 32768 : i32
    %broadcast_in_dim3A_9 = vector.broadcast %jit3A : i32 to vector<64x32768xi32>
    %select_n3A = arith.select %eq3A_8, %iota3A, %broadcast_in_dim3A_9 : vector<64x32768xi1>, vector<64x32768xi32>
    %reduce_min3A = arith.constant dense<2147483647> : vector<64xi32>
    %reduce_min3A_10 = vector.multi_reduction <minsi>, %select_n3A, %reduce_min3A [1] : vector<64x32768xi32> to vector<64xi32>
    %broadcast_in_dim3A_11 = vector.shape_cast %reduce_min3A_10 : vector<64xi32> to vector<64x1xi32>
    %eq3A_12 = vector.broadcast %broadcast_in_dim3A_11 : vector<64x1xi32> to vector<64x32768xi32>
    %eq3A_13 = arith.cmpi eq, %iota3A, %eq3A_12 : vector<64x32768xi32>
    %jit3A_14 = arith.constant 0xFF800000 : f32
    %broadcast_in_dim3A_15 = vector.broadcast %jit3A_14 : f32 to vector<64x32768xf32>
    %select_n3A_16 = arith.select %eq3A_13, %broadcast_in_dim3A_15, %get3A_1 : vector<64x32768xi1>, vector<64x32768xf32>
    %reduce_max3A_17 = arith.constant dense<0xFF800000> : vector<64xf32>
    %reduce_max3A_18 = vector.multi_reduction <maximumf>, %select_n3A_16, %reduce_max3A_17 [1] : vector<64x32768xf32> to vector<64xf32>
    %broadcast_in_dim3A_19 = vector.shape_cast %reduce_max3A_18 : vector<64xf32> to vector<64x1xf32>
    %eq3A_20 = vector.broadcast %broadcast_in_dim3A_19 : vector<64x1xf32> to vector<64x32768xf32>
    %eq3A_21 = arith.cmpf oeq, %select_n3A_16, %eq3A_20 : vector<64x32768xf32>
    %jit3A_22 = arith.constant 32768 : i32
    %broadcast_in_dim3A_23 = vector.broadcast %jit3A_22 : i32 to vector<64x32768xi32>
    %select_n3A_24 = arith.select %eq3A_21, %iota3A, %broadcast_in_dim3A_23 : vector<64x32768xi1>, vector<64x32768xi32>
    %reduce_min3A_25 = arith.constant dense<2147483647> : vector<64xi32>
    %reduce_min3A_26 = vector.multi_reduction <minsi>, %select_n3A_24, %reduce_min3A_25 [1] : vector<64x32768xi32> to vector<64xi32>
    %broadcast_in_dim3A_27 = vector.shape_cast %reduce_min3A_26 : vector<64xi32> to vector<64x1xi32>
    %eq3A_28 = vector.broadcast %broadcast_in_dim3A_27 : vector<64x1xi32> to vector<64x32768xi32>
    %eq3A_29 = arith.cmpi eq, %iota3A, %eq3A_28 : vector<64x32768xi32>
    %jit3A_30 = arith.constant 0xFF800000 : f32
    %broadcast_in_dim3A_31 = vector.broadcast %jit3A_30 : f32 to vector<64x32768xf32>
    %select_n3A_32 = arith.select %eq3A_29, %broadcast_in_dim3A_31, %select_n3A_16 : vector<64x32768xi1>, vector<64x32768xf32>
    %reduce_max3A_33 = arith.constant dense<0xFF800000> : vector<64xf32>
    %reduce_max3A_34 = vector.multi_reduction <maximumf>, %select_n3A_32, %reduce_max3A_33 [1] : vector<64x32768xf32> to vector<64xf32>
    %broadcast_in_dim3A_35 = vector.shape_cast %reduce_max3A_34 : vector<64xf32> to vector<64x1xf32>
    %eq3A_36 = vector.broadcast %broadcast_in_dim3A_35 : vector<64x1xf32> to vector<64x32768xf32>
    %eq3A_37 = arith.cmpf oeq, %select_n3A_32, %eq3A_36 : vector<64x32768xf32>
    %jit3A_38 = arith.constant 32768 : i32
    %broadcast_in_dim3A_39 = vector.broadcast %jit3A_38 : i32 to vector<64x32768xi32>
    %select_n3A_40 = arith.select %eq3A_37, %iota3A, %broadcast_in_dim3A_39 : vector<64x32768xi1>, vector<64x32768xi32>
    %reduce_min3A_41 = arith.constant dense<2147483647> : vector<64xi32>
    %reduce_min3A_42 = vector.multi_reduction <minsi>, %select_n3A_40, %reduce_min3A_41 [1] : vector<64x32768xi32> to vector<64xi32>
    %broadcast_in_dim3A_43 = vector.shape_cast %reduce_min3A_42 : vector<64xi32> to vector<64x1xi32>
    %eq3A_44 = vector.broadcast %broadcast_in_dim3A_43 : vector<64x1xi32> to vector<64x32768xi32>
    %eq3A_45 = arith.cmpi eq, %iota3A, %eq3A_44 : vector<64x32768xi32>
    %jit3A_46 = arith.constant 0xFF800000 : f32
    %broadcast_in_dim3A_47 = vector.broadcast %jit3A_46 : f32 to vector<64x32768xf32>
    %select_n3A_48 = arith.select %eq3A_45, %broadcast_in_dim3A_47, %select_n3A_32 : vector<64x32768xi1>, vector<64x32768xf32>
    %reduce_max3A_49 = arith.constant dense<0xFF800000> : vector<64xf32>
    %reduce_max3A_50 = vector.multi_reduction <maximumf>, %select_n3A_48, %reduce_max3A_49 [1] : vector<64x32768xf32> to vector<64xf32>
    %broadcast_in_dim3A_51 = vector.shape_cast %reduce_max3A_50 : vector<64xf32> to vector<64x1xf32>
    %eq3A_52 = vector.broadcast %broadcast_in_dim3A_51 : vector<64x1xf32> to vector<64x32768xf32>
    %eq3A_53 = arith.cmpf oeq, %select_n3A_48, %eq3A_52 : vector<64x32768xf32>
    %jit3A_54 = arith.constant 32768 : i32
    %broadcast_in_dim3A_55 = vector.broadcast %jit3A_54 : i32 to vector<64x32768xi32>
    %select_n3A_56 = arith.select %eq3A_53, %iota3A, %broadcast_in_dim3A_55 : vector<64x32768xi1>, vector<64x32768xi32>
    %reduce_min3A_57 = arith.constant dense<2147483647> : vector<64xi32>
    %reduce_min3A_58 = vector.multi_reduction <minsi>, %select_n3A_56, %reduce_min3A_57 [1] : vector<64x32768xi32> to vector<64xi32>
    %broadcast_in_dim3A_59 = vector.shape_cast %reduce_min3A_58 : vector<64xi32> to vector<64x1xi32>
    %concatenate3A = tpu.concatenate %broadcast_in_dim3A, %broadcast_in_dim3A_19, %broadcast_in_dim3A_35, %broadcast_in_dim3A_51 in 1 : vector<64x1xf32>, vector<64x1xf32>, vector<64x1xf32>, vector<64x1xf32> -> vector<64x4xf32>
    %swap3A_60 = arith.constant 0 : index
    %swap3A_61 = arith.constant 0 : index
    %swap3A_62 = vector.load %arg2[%swap3A_60, %swap3A_61] : memref<64x4xf32, #tpu.memory_space<vmem>>, vector<64x4xf32>
    tpu.vector_store %arg2[%swap3A_60, %swap3A_61], %concatenate3A {strides = array<i32>} : memref<64x4xf32, #tpu.memory_space<vmem>>, vector<64x4xf32>,
    %concatenate3A_63 = tpu.concatenate %broadcast_in_dim3A_11, %broadcast_in_dim3A_27, %broadcast_in_dim3A_43, %broadcast_in_dim3A_59 in 1 : vector<64x1xi32>, vector<64x1xi32>, vector<64x1xi32>, vector<64x1xi32> -> vector<64x4xi32>
    %swap3A_64 = arith.constant 0 : index
    %swap3A_65 = arith.constant 0 : index
    %swap3A_66 = vector.load %arg3[%swap3A_64, %swap3A_65] : memref<64x4xi32, #tpu.memory_space<vmem>>, vector<64x4xi32>
    tpu.vector_store %arg3[%swap3A_64, %swap3A_65], %concatenate3A_63 {strides = array<i32>} : memref<64x4xi32, #tpu.memory_space<vmem>>, vector<64x4xi32>,
    return
  }
  func.func @transform_0(%arg0: i32) -> (i32, i32) {
    %c0_i32 = arith.constant 0 : i32
    %c0_i32_0 = arith.constant 0 : i32
    return %arg0, %c0_i32 : i32, i32
  }
  func.func @transform_1(%arg0: i32) -> (i32, i32) {
    %c0_i32 = arith.constant 0 : i32
    %c0_i32_0 = arith.constant 0 : i32
    return %arg0, %c0_i32 : i32, i32
  }
  func.func @transform_2(%arg0: i32) -> (i32, i32) {
    %c0_i32 = arith.constant 0 : i32
    %c0_i32_0 = arith.constant 0 : i32
    return %arg0, %c0_i32 : i32, i32
  }
  func.func @transform_3(%arg0: i32) -> (i32, i32) {
    %c0_i32 = arith.constant 0 : i32
    %c0_i32_0 = arith.constant 0 : i32
    return %arg0, %c0_i32 : i32, i32
  }
}

module attributes {stable_mosaic.version = 14 : i64} {
  func.func @_merge_body(%arg0: memref<96x16xf32, #tpu.memory_space<vmem>>, %arg1: memref<96x16xi32, #tpu.memory_space<vmem>>, %arg2: memref<96x4xf32, #tpu.memory_space<vmem>>, %arg3: memref<96x4xf32, #tpu.memory_space<vmem>>, %arg4: memref<96x4xi32, #tpu.memory_space<vmem>>, %arg5: memref<96x4xf32, #tpu.memory_space<vmem>>, %arg6: memref<96x4xi32, #tpu.memory_space<vmem>>, %arg7: memref<96x4xi32, #tpu.memory_space<vmem>>) attributes {dimension_semantics = [], scalar_prefetch = 0 : i64, scratch_operands = 0 : i64, tpu.core_type = #tpu.core_type<tc>} {
    %get3A = arith.constant 0 : index
    %get3A_0 = arith.constant 0 : index
    %get3A_1 = vector.load %arg0[%get3A, %get3A_0] : memref<96x16xf32, #tpu.memory_space<vmem>>, vector<96x16xf32>
    %get3A_2 = arith.constant 0 : index
    %get3A_3 = arith.constant 0 : index
    %get3A_4 = vector.load %arg1[%get3A_2, %get3A_3] : memref<96x16xi32, #tpu.memory_space<vmem>>, vector<96x16xi32>
    %get3A_5 = arith.constant 0 : index
    %get3A_6 = arith.constant 0 : index
    %get3A_7 = vector.load %arg2[%get3A_5, %get3A_6] : memref<96x4xf32, #tpu.memory_space<vmem>>, vector<96x4xf32>
    %slice3A = vector.extract_strided_slice %get3A_7 {offsets = [0, 0], sizes = [96, 1], strides = [1, 1]} : vector<96x4xf32> to vector<96x1xf32>
    %slice3A_8 = vector.extract_strided_slice %get3A_7 {offsets = [0, 0], sizes = [96, 1], strides = [1, 1]} : vector<96x4xf32> to vector<96x1xf32>
    %slice3A_9 = vector.extract_strided_slice %get3A_7 {offsets = [0, 0], sizes = [96, 1], strides = [1, 1]} : vector<96x4xf32> to vector<96x1xf32>
    %slice3A_10 = vector.extract_strided_slice %get3A_7 {offsets = [0, 0], sizes = [96, 1], strides = [1, 1]} : vector<96x4xf32> to vector<96x1xf32>
    %slice3A_11 = vector.extract_strided_slice %get3A_7 {offsets = [0, 1], sizes = [96, 1], strides = [1, 1]} : vector<96x4xf32> to vector<96x1xf32>
    %slice3A_12 = vector.extract_strided_slice %get3A_7 {offsets = [0, 1], sizes = [96, 1], strides = [1, 1]} : vector<96x4xf32> to vector<96x1xf32>
    %slice3A_13 = vector.extract_strided_slice %get3A_7 {offsets = [0, 1], sizes = [96, 1], strides = [1, 1]} : vector<96x4xf32> to vector<96x1xf32>
    %slice3A_14 = vector.extract_strided_slice %get3A_7 {offsets = [0, 1], sizes = [96, 1], strides = [1, 1]} : vector<96x4xf32> to vector<96x1xf32>
    %slice3A_15 = vector.extract_strided_slice %get3A_7 {offsets = [0, 2], sizes = [96, 1], strides = [1, 1]} : vector<96x4xf32> to vector<96x1xf32>
    %slice3A_16 = vector.extract_strided_slice %get3A_7 {offsets = [0, 2], sizes = [96, 1], strides = [1, 1]} : vector<96x4xf32> to vector<96x1xf32>
    %slice3A_17 = vector.extract_strided_slice %get3A_7 {offsets = [0, 2], sizes = [96, 1], strides = [1, 1]} : vector<96x4xf32> to vector<96x1xf32>
    %slice3A_18 = vector.extract_strided_slice %get3A_7 {offsets = [0, 2], sizes = [96, 1], strides = [1, 1]} : vector<96x4xf32> to vector<96x1xf32>
    %slice3A_19 = vector.extract_strided_slice %get3A_7 {offsets = [0, 3], sizes = [96, 1], strides = [1, 1]} : vector<96x4xf32> to vector<96x1xf32>
    %slice3A_20 = vector.extract_strided_slice %get3A_7 {offsets = [0, 3], sizes = [96, 1], strides = [1, 1]} : vector<96x4xf32> to vector<96x1xf32>
    %slice3A_21 = vector.extract_strided_slice %get3A_7 {offsets = [0, 3], sizes = [96, 1], strides = [1, 1]} : vector<96x4xf32> to vector<96x1xf32>
    %slice3A_22 = vector.extract_strided_slice %get3A_7 {offsets = [0, 3], sizes = [96, 1], strides = [1, 1]} : vector<96x4xf32> to vector<96x1xf32>
    %concatenate3A = tpu.concatenate %slice3A, %slice3A_8, %slice3A_9, %slice3A_10, %slice3A_11, %slice3A_12, %slice3A_13, %slice3A_14, %slice3A_15, %slice3A_16, %slice3A_17, %slice3A_18, %slice3A_19, %slice3A_20, %slice3A_21, %slice3A_22 in 1 : vector<96x1xf32>, vector<96x1xf32>, vector<96x1xf32>, vector<96x1xf32>, vector<96x1xf32>, vector<96x1xf32>, vector<96x1xf32>, vector<96x1xf32>, vector<96x1xf32>, vector<96x1xf32>, vector<96x1xf32>, vector<96x1xf32>, vector<96x1xf32>, vector<96x1xf32>, vector<96x1xf32>, vector<96x1xf32> -> vector<96x16xf32>
    %get3A_23 = arith.constant 0 : index
    %get3A_24 = arith.constant 0 : index
    %get3A_25 = vector.load %arg3[%get3A_23, %get3A_24] : memref<96x4xf32, #tpu.memory_space<vmem>>, vector<96x4xf32>
    %slice3A_26 = vector.extract_strided_slice %get3A_25 {offsets = [0, 0], sizes = [96, 1], strides = [1, 1]} : vector<96x4xf32> to vector<96x1xf32>
    %slice3A_27 = vector.extract_strided_slice %get3A_25 {offsets = [0, 0], sizes = [96, 1], strides = [1, 1]} : vector<96x4xf32> to vector<96x1xf32>
    %slice3A_28 = vector.extract_strided_slice %get3A_25 {offsets = [0, 0], sizes = [96, 1], strides = [1, 1]} : vector<96x4xf32> to vector<96x1xf32>
    %slice3A_29 = vector.extract_strided_slice %get3A_25 {offsets = [0, 0], sizes = [96, 1], strides = [1, 1]} : vector<96x4xf32> to vector<96x1xf32>
    %slice3A_30 = vector.extract_strided_slice %get3A_25 {offsets = [0, 1], sizes = [96, 1], strides = [1, 1]} : vector<96x4xf32> to vector<96x1xf32>
    %slice3A_31 = vector.extract_strided_slice %get3A_25 {offsets = [0, 1], sizes = [96, 1], strides = [1, 1]} : vector<96x4xf32> to vector<96x1xf32>
    %slice3A_32 = vector.extract_strided_slice %get3A_25 {offsets = [0, 1], sizes = [96, 1], strides = [1, 1]} : vector<96x4xf32> to vector<96x1xf32>
    %slice3A_33 = vector.extract_strided_slice %get3A_25 {offsets = [0, 1], sizes = [96, 1], strides = [1, 1]} : vector<96x4xf32> to vector<96x1xf32>
    %slice3A_34 = vector.extract_strided_slice %get3A_25 {offsets = [0, 2], sizes = [96, 1], strides = [1, 1]} : vector<96x4xf32> to vector<96x1xf32>
    %slice3A_35 = vector.extract_strided_slice %get3A_25 {offsets = [0, 2], sizes = [96, 1], strides = [1, 1]} : vector<96x4xf32> to vector<96x1xf32>
    %slice3A_36 = vector.extract_strided_slice %get3A_25 {offsets = [0, 2], sizes = [96, 1], strides = [1, 1]} : vector<96x4xf32> to vector<96x1xf32>
    %slice3A_37 = vector.extract_strided_slice %get3A_25 {offsets = [0, 2], sizes = [96, 1], strides = [1, 1]} : vector<96x4xf32> to vector<96x1xf32>
    %slice3A_38 = vector.extract_strided_slice %get3A_25 {offsets = [0, 3], sizes = [96, 1], strides = [1, 1]} : vector<96x4xf32> to vector<96x1xf32>
    %slice3A_39 = vector.extract_strided_slice %get3A_25 {offsets = [0, 3], sizes = [96, 1], strides = [1, 1]} : vector<96x4xf32> to vector<96x1xf32>
    %slice3A_40 = vector.extract_strided_slice %get3A_25 {offsets = [0, 3], sizes = [96, 1], strides = [1, 1]} : vector<96x4xf32> to vector<96x1xf32>
    %slice3A_41 = vector.extract_strided_slice %get3A_25 {offsets = [0, 3], sizes = [96, 1], strides = [1, 1]} : vector<96x4xf32> to vector<96x1xf32>
    %concatenate3A_42 = tpu.concatenate %slice3A_26, %slice3A_27, %slice3A_28, %slice3A_29, %slice3A_30, %slice3A_31, %slice3A_32, %slice3A_33, %slice3A_34, %slice3A_35, %slice3A_36, %slice3A_37, %slice3A_38, %slice3A_39, %slice3A_40, %slice3A_41 in 1 : vector<96x1xf32>, vector<96x1xf32>, vector<96x1xf32>, vector<96x1xf32>, vector<96x1xf32>, vector<96x1xf32>, vector<96x1xf32>, vector<96x1xf32>, vector<96x1xf32>, vector<96x1xf32>, vector<96x1xf32>, vector<96x1xf32>, vector<96x1xf32>, vector<96x1xf32>, vector<96x1xf32>, vector<96x1xf32> -> vector<96x16xf32>
    %get3A_43 = arith.constant 0 : index
    %get3A_44 = arith.constant 0 : index
    %get3A_45 = vector.load %arg4[%get3A_43, %get3A_44] : memref<96x4xi32, #tpu.memory_space<vmem>>, vector<96x4xi32>
    %slice3A_46 = vector.extract_strided_slice %get3A_45 {offsets = [0, 0], sizes = [96, 1], strides = [1, 1]} : vector<96x4xi32> to vector<96x1xi32>
    %slice3A_47 = vector.extract_strided_slice %get3A_45 {offsets = [0, 0], sizes = [96, 1], strides = [1, 1]} : vector<96x4xi32> to vector<96x1xi32>
    %slice3A_48 = vector.extract_strided_slice %get3A_45 {offsets = [0, 0], sizes = [96, 1], strides = [1, 1]} : vector<96x4xi32> to vector<96x1xi32>
    %slice3A_49 = vector.extract_strided_slice %get3A_45 {offsets = [0, 0], sizes = [96, 1], strides = [1, 1]} : vector<96x4xi32> to vector<96x1xi32>
    %slice3A_50 = vector.extract_strided_slice %get3A_45 {offsets = [0, 1], sizes = [96, 1], strides = [1, 1]} : vector<96x4xi32> to vector<96x1xi32>
    %slice3A_51 = vector.extract_strided_slice %get3A_45 {offsets = [0, 1], sizes = [96, 1], strides = [1, 1]} : vector<96x4xi32> to vector<96x1xi32>
    %slice3A_52 = vector.extract_strided_slice %get3A_45 {offsets = [0, 1], sizes = [96, 1], strides = [1, 1]} : vector<96x4xi32> to vector<96x1xi32>
    %slice3A_53 = vector.extract_strided_slice %get3A_45 {offsets = [0, 1], sizes = [96, 1], strides = [1, 1]} : vector<96x4xi32> to vector<96x1xi32>
    %slice3A_54 = vector.extract_strided_slice %get3A_45 {offsets = [0, 2], sizes = [96, 1], strides = [1, 1]} : vector<96x4xi32> to vector<96x1xi32>
    %slice3A_55 = vector.extract_strided_slice %get3A_45 {offsets = [0, 2], sizes = [96, 1], strides = [1, 1]} : vector<96x4xi32> to vector<96x1xi32>
    %slice3A_56 = vector.extract_strided_slice %get3A_45 {offsets = [0, 2], sizes = [96, 1], strides = [1, 1]} : vector<96x4xi32> to vector<96x1xi32>
    %slice3A_57 = vector.extract_strided_slice %get3A_45 {offsets = [0, 2], sizes = [96, 1], strides = [1, 1]} : vector<96x4xi32> to vector<96x1xi32>
    %slice3A_58 = vector.extract_strided_slice %get3A_45 {offsets = [0, 3], sizes = [96, 1], strides = [1, 1]} : vector<96x4xi32> to vector<96x1xi32>
    %slice3A_59 = vector.extract_strided_slice %get3A_45 {offsets = [0, 3], sizes = [96, 1], strides = [1, 1]} : vector<96x4xi32> to vector<96x1xi32>
    %slice3A_60 = vector.extract_strided_slice %get3A_45 {offsets = [0, 3], sizes = [96, 1], strides = [1, 1]} : vector<96x4xi32> to vector<96x1xi32>
    %slice3A_61 = vector.extract_strided_slice %get3A_45 {offsets = [0, 3], sizes = [96, 1], strides = [1, 1]} : vector<96x4xi32> to vector<96x1xi32>
    %concatenate3A_62 = tpu.concatenate %slice3A_46, %slice3A_47, %slice3A_48, %slice3A_49, %slice3A_50, %slice3A_51, %slice3A_52, %slice3A_53, %slice3A_54, %slice3A_55, %slice3A_56, %slice3A_57, %slice3A_58, %slice3A_59, %slice3A_60, %slice3A_61 in 1 : vector<96x1xi32>, vector<96x1xi32>, vector<96x1xi32>, vector<96x1xi32>, vector<96x1xi32>, vector<96x1xi32>, vector<96x1xi32>, vector<96x1xi32>, vector<96x1xi32>, vector<96x1xi32>, vector<96x1xi32>, vector<96x1xi32>, vector<96x1xi32>, vector<96x1xi32>, vector<96x1xi32>, vector<96x1xi32> -> vector<96x16xi32>
    %iota3A = tpu.iota {dimensions = array<i32: 1>} : vector<96x16xi32>
    %jit3A = arith.constant 4 : i32
    %div3A = vector.broadcast %jit3A : i32 to vector<96x16xi32>
    %div3A_63 = arith.divsi %iota3A, %div3A : vector<96x16xi32>
    %sign3A = arith.constant 0 : i32
    %sign3A_64 = vector.broadcast %sign3A : i32 to vector<96x16xi32>
    %sign3A_65 = arith.cmpi sgt, %iota3A, %sign3A_64 : vector<96x16xi32>
    %sign3A_66 = arith.extui %sign3A_65 : vector<96x16xi1> to vector<96x16xi32>
    %sign3A_67 = arith.constant 0 : i32
    %sign3A_68 = vector.broadcast %sign3A_67 : i32 to vector<96x16xi32>
    %sign3A_69 = arith.cmpi slt, %iota3A, %sign3A_68 : vector<96x16xi32>
    %sign3A_70 = arith.extui %sign3A_69 : vector<96x16xi1> to vector<96x16xi32>
    %sign3A_71 = arith.subi %sign3A_66, %sign3A_70 : vector<96x16xi32>
    %sign3A_72 = arith.constant 0 : i32
    %sign3A_73 = arith.cmpi sgt, %jit3A, %sign3A_72 : i32
    %sign3A_74 = arith.extui %sign3A_73 : i1 to i32
    %sign3A_75 = arith.constant 0 : i32
    %sign3A_76 = arith.cmpi slt, %jit3A, %sign3A_75 : i32
    %sign3A_77 = arith.extui %sign3A_76 : i1 to i32
    %sign3A_78 = arith.subi %sign3A_74, %sign3A_77 : i32
    %ne3A = vector.broadcast %sign3A_78 : i32 to vector<96x16xi32>
    %ne3A_79 = arith.cmpi ne, %sign3A_71, %ne3A : vector<96x16xi32>
    %rem3A = vector.broadcast %jit3A : i32 to vector<96x16xi32>
    %rem3A_80 = arith.remsi %iota3A, %rem3A : vector<96x16xi32>
    %ne3A_81 = arith.constant 0 : i32
    %ne3A_82 = vector.broadcast %ne3A_81 : i32 to vector<96x16xi32>
    %ne3A_83 = arith.cmpi ne, %rem3A_80, %ne3A_82 : vector<96x16xi32>
    %and3A = arith.andi %ne3A_79, %ne3A_83 : vector<96x16xi1>
    %sub3A = arith.constant 1 : i32
    %sub3A_84 = vector.broadcast %sub3A : i32 to vector<96x16xi32>
    %sub3A_85 = arith.subi %div3A_63, %sub3A_84 : vector<96x16xi32>
    %select_n3A = arith.select %and3A, %sub3A_85, %div3A_63 : vector<96x16xi1>, vector<96x16xi32>
    %jit3A_86 = arith.constant 4 : i32
    %eq3A = arith.constant 0 : i32
    %eq3A_87 = arith.cmpi eq, %jit3A_86, %eq3A : i32
    %jit3A_88 = arith.constant 1 : i32
    %select_n3A_89 = arith.select %eq3A_87, %jit3A_88, %jit3A_86 : i32
    %rem3A_90 = vector.broadcast %select_n3A_89 : i32 to vector<96x16xi32>
    %rem3A_91 = arith.remsi %iota3A, %rem3A_90 : vector<96x16xi32>
    %ne3A_92 = arith.constant 0 : i32
    %ne3A_93 = vector.broadcast %ne3A_92 : i32 to vector<96x16xi32>
    %ne3A_94 = arith.cmpi ne, %rem3A_91, %ne3A_93 : vector<96x16xi32>
    %lt3A = arith.constant 0 : i32
    %lt3A_95 = vector.broadcast %lt3A : i32 to vector<96x16xi32>
    %lt3A_96 = arith.cmpi slt, %rem3A_91, %lt3A_95 : vector<96x16xi32>
    %lt3A_97 = arith.constant 0 : i32
    %lt3A_98 = arith.cmpi slt, %select_n3A_89, %lt3A_97 : i32
    %ne3A_99 = vector.broadcast %lt3A_98 : i1 to vector<96x16xi1>
    %ne3A_100 = vector.broadcast %ne3A_99 : vector<96x16xi1> to vector<96x16xi1>
    %ne3A_101 = arith.xori %lt3A_96, %ne3A_100 : vector<96x16xi1>
    %and3A_102 = arith.andi %ne3A_101, %ne3A_94 : vector<96x16xi1>
    %add3A = vector.broadcast %select_n3A_89 : i32 to vector<96x16xi32>
    %add3A_103 = arith.addi %rem3A_91, %add3A : vector<96x16xi32>
    %select_n3A_104 = arith.select %and3A_102, %add3A_103, %rem3A_91 : vector<96x16xi1>, vector<96x16xi32>
    %eq3A_105 = arith.constant 0 : i32
    %eq3A_106 = vector.broadcast %eq3A_105 : i32 to vector<96x16xi32>
    %eq3A_107 = arith.cmpi eq, %concatenate3A_62, %eq3A_106 : vector<96x16xi32>
    %sub3A_108 = arith.subf %get3A_1, %concatenate3A : vector<96x16xf32>
    %add3A_109 = arith.addf %concatenate3A_42, %sub3A_108 : vector<96x16xf32>
    %eq3A_110 = arith.constant 0 : i32
    %eq3A_111 = vector.broadcast %eq3A_110 : i32 to vector<96x16xi32>
    %eq3A_112 = arith.cmpi eq, %select_n3A_104, %eq3A_111 : vector<96x16xi32>
    %jit3A_113 = arith.constant 0xFF800000 : f32
    %broadcast_in_dim3A = vector.broadcast %jit3A_113 : f32 to vector<96x16xf32>
    %select_n3A_114 = arith.select %eq3A_112, %concatenate3A_42, %broadcast_in_dim3A : vector<96x16xi1>, vector<96x16xf32>
    %select_n3A_115 = arith.select %eq3A_107, %select_n3A_114, %add3A_109 : vector<96x16xi1>, vector<96x16xf32>
    %jit3A_116 = arith.constant 0 : i32
    %broadcast_in_dim3A_117 = vector.broadcast %jit3A_116 : i32 to vector<96x16xi32>
    %select_n3A_118 = arith.select %eq3A_107, %broadcast_in_dim3A_117, %get3A_4 : vector<96x16xi1>, vector<96x16xi32>
    %mul3A = arith.constant 32768 : i32
    %mul3A_119 = vector.broadcast %mul3A : i32 to vector<96x16xi32>
    %mul3A_120 = arith.muli %select_n3A, %mul3A_119 : vector<96x16xi32>
    %add3A_121 = arith.addi %mul3A_120, %select_n3A_118 : vector<96x16xi32>
    %reduce_max3A = arith.constant dense<0xFF800000> : vector<96xf32>
    %reduce_max3A_122 = vector.multi_reduction <maximumf>, %select_n3A_115, %reduce_max3A [1] : vector<96x16xf32> to vector<96xf32>
    %broadcast_in_dim3A_123 = vector.shape_cast %reduce_max3A_122 : vector<96xf32> to vector<96x1xf32>
    %eq3A_124 = vector.broadcast %broadcast_in_dim3A_123 : vector<96x1xf32> to vector<96x16xf32>
    %eq3A_125 = arith.cmpf oeq, %select_n3A_115, %eq3A_124 : vector<96x16xf32>
    %jit3A_126 = arith.constant 131072 : i32
    %broadcast_in_dim3A_127 = vector.broadcast %jit3A_126 : i32 to vector<96x16xi32>
    %select_n3A_128 = arith.select %eq3A_125, %add3A_121, %broadcast_in_dim3A_127 : vector<96x16xi1>, vector<96x16xi32>
    %reduce_min3A = arith.constant dense<2147483647> : vector<96xi32>
    %reduce_min3A_129 = vector.multi_reduction <minsi>, %select_n3A_128, %reduce_min3A [1] : vector<96x16xi32> to vector<96xi32>
    %broadcast_in_dim3A_130 = vector.shape_cast %reduce_min3A_129 : vector<96xi32> to vector<96x1xi32>
    %jit3A_131 = arith.constant 32768 : i32
    %div3A_132 = vector.broadcast %jit3A_131 : i32 to vector<96x1xi32>
    %div3A_133 = arith.divsi %broadcast_in_dim3A_130, %div3A_132 : vector<96x1xi32>
    %sign3A_134 = arith.constant 0 : i32
    %sign3A_135 = vector.broadcast %sign3A_134 : i32 to vector<96x1xi32>
    %sign3A_136 = arith.cmpi sgt, %broadcast_in_dim3A_130, %sign3A_135 : vector<96x1xi32>
    %sign3A_137 = arith.extui %sign3A_136 : vector<96x1xi1> to vector<96x1xi32>
    %sign3A_138 = arith.constant 0 : i32
    %sign3A_139 = vector.broadcast %sign3A_138 : i32 to vector<96x1xi32>
    %sign3A_140 = arith.cmpi slt, %broadcast_in_dim3A_130, %sign3A_139 : vector<96x1xi32>
    %sign3A_141 = arith.extui %sign3A_140 : vector<96x1xi1> to vector<96x1xi32>
    %sign3A_142 = arith.subi %sign3A_137, %sign3A_141 : vector<96x1xi32>
    %sign3A_143 = arith.constant 0 : i32
    %sign3A_144 = arith.cmpi sgt, %jit3A_131, %sign3A_143 : i32
    %sign3A_145 = arith.extui %sign3A_144 : i1 to i32
    %sign3A_146 = arith.constant 0 : i32
    %sign3A_147 = arith.cmpi slt, %jit3A_131, %sign3A_146 : i32
    %sign3A_148 = arith.extui %sign3A_147 : i1 to i32
    %sign3A_149 = arith.subi %sign3A_145, %sign3A_148 : i32
    %ne3A_150 = vector.broadcast %sign3A_149 : i32 to vector<96x1xi32>
    %ne3A_151 = arith.cmpi ne, %sign3A_142, %ne3A_150 : vector<96x1xi32>
    %rem3A_152 = vector.broadcast %jit3A_131 : i32 to vector<96x1xi32>
    %rem3A_153 = arith.remsi %broadcast_in_dim3A_130, %rem3A_152 : vector<96x1xi32>
    %ne3A_154 = arith.constant 0 : i32
    %ne3A_155 = vector.broadcast %ne3A_154 : i32 to vector<96x1xi32>
    %ne3A_156 = arith.cmpi ne, %rem3A_153, %ne3A_155 : vector<96x1xi32>
    %and3A_157 = arith.andi %ne3A_151, %ne3A_156 : vector<96x1xi1>
    %sub3A_158 = arith.constant 1 : i32
    %sub3A_159 = vector.broadcast %sub3A_158 : i32 to vector<96x1xi32>
    %sub3A_160 = arith.subi %div3A_133, %sub3A_159 : vector<96x1xi32>
    %select_n3A_161 = arith.select %and3A_157, %sub3A_160, %div3A_133 : vector<96x1xi1>, vector<96x1xi32>
    %jit3A_162 = arith.constant 32768 : i32
    %eq3A_163 = arith.constant 0 : i32
    %eq3A_164 = arith.cmpi eq, %jit3A_162, %eq3A_163 : i32
    %jit3A_165 = arith.constant 1 : i32
    %select_n3A_166 = arith.select %eq3A_164, %jit3A_165, %jit3A_162 : i32
    %rem3A_167 = vector.broadcast %select_n3A_166 : i32 to vector<96x1xi32>
    %rem3A_168 = arith.remsi %broadcast_in_dim3A_130, %rem3A_167 : vector<96x1xi32>
    %ne3A_169 = arith.constant 0 : i32
    %ne3A_170 = vector.broadcast %ne3A_169 : i32 to vector<96x1xi32>
    %ne3A_171 = arith.cmpi ne, %rem3A_168, %ne3A_170 : vector<96x1xi32>
    %lt3A_172 = arith.constant 0 : i32
    %lt3A_173 = vector.broadcast %lt3A_172 : i32 to vector<96x1xi32>
    %lt3A_174 = arith.cmpi slt, %rem3A_168, %lt3A_173 : vector<96x1xi32>
    %lt3A_175 = arith.constant 0 : i32
    %lt3A_176 = arith.cmpi slt, %select_n3A_166, %lt3A_175 : i32
    %ne3A_177 = vector.broadcast %lt3A_176 : i1 to vector<96x1xi1>
    %ne3A_178 = vector.broadcast %ne3A_177 : vector<96x1xi1> to vector<96x1xi1>
    %ne3A_179 = arith.xori %lt3A_174, %ne3A_178 : vector<96x1xi1>
    %and3A_180 = arith.andi %ne3A_179, %ne3A_171 : vector<96x1xi1>
    %add3A_181 = vector.broadcast %select_n3A_166 : i32 to vector<96x1xi32>
    %add3A_182 = arith.addi %rem3A_168, %add3A_181 : vector<96x1xi32>
    %select_n3A_183 = arith.select %and3A_180, %add3A_182, %rem3A_168 : vector<96x1xi1>, vector<96x1xi32>
    %eq3A_184 = vector.broadcast %broadcast_in_dim3A_130 : vector<96x1xi32> to vector<96x16xi32>
    %eq3A_185 = arith.cmpi eq, %add3A_121, %eq3A_184 : vector<96x16xi32>
    %jit3A_186 = arith.constant 0xFF800000 : f32
    %broadcast_in_dim3A_187 = vector.broadcast %jit3A_186 : f32 to vector<96x16xf32>
    %select_n3A_188 = arith.select %eq3A_185, %broadcast_in_dim3A_187, %select_n3A_115 : vector<96x16xi1>, vector<96x16xf32>
    %reduce_max3A_189 = arith.constant dense<0xFF800000> : vector<96xf32>
    %reduce_max3A_190 = vector.multi_reduction <maximumf>, %select_n3A_188, %reduce_max3A_189 [1] : vector<96x16xf32> to vector<96xf32>
    %broadcast_in_dim3A_191 = vector.shape_cast %reduce_max3A_190 : vector<96xf32> to vector<96x1xf32>
    %eq3A_192 = vector.broadcast %broadcast_in_dim3A_191 : vector<96x1xf32> to vector<96x16xf32>
    %eq3A_193 = arith.cmpf oeq, %select_n3A_188, %eq3A_192 : vector<96x16xf32>
    %jit3A_194 = arith.constant 131072 : i32
    %broadcast_in_dim3A_195 = vector.broadcast %jit3A_194 : i32 to vector<96x16xi32>
    %select_n3A_196 = arith.select %eq3A_193, %add3A_121, %broadcast_in_dim3A_195 : vector<96x16xi1>, vector<96x16xi32>
    %reduce_min3A_197 = arith.constant dense<2147483647> : vector<96xi32>
    %reduce_min3A_198 = vector.multi_reduction <minsi>, %select_n3A_196, %reduce_min3A_197 [1] : vector<96x16xi32> to vector<96xi32>
    %broadcast_in_dim3A_199 = vector.shape_cast %reduce_min3A_198 : vector<96xi32> to vector<96x1xi32>
    %jit3A_200 = arith.constant 32768 : i32
    %div3A_201 = vector.broadcast %jit3A_200 : i32 to vector<96x1xi32>
    %div3A_202 = arith.divsi %broadcast_in_dim3A_199, %div3A_201 : vector<96x1xi32>
    %sign3A_203 = arith.constant 0 : i32
    %sign3A_204 = vector.broadcast %sign3A_203 : i32 to vector<96x1xi32>
    %sign3A_205 = arith.cmpi sgt, %broadcast_in_dim3A_199, %sign3A_204 : vector<96x1xi32>
    %sign3A_206 = arith.extui %sign3A_205 : vector<96x1xi1> to vector<96x1xi32>
    %sign3A_207 = arith.constant 0 : i32
    %sign3A_208 = vector.broadcast %sign3A_207 : i32 to vector<96x1xi32>
    %sign3A_209 = arith.cmpi slt, %broadcast_in_dim3A_199, %sign3A_208 : vector<96x1xi32>
    %sign3A_210 = arith.extui %sign3A_209 : vector<96x1xi1> to vector<96x1xi32>
    %sign3A_211 = arith.subi %sign3A_206, %sign3A_210 : vector<96x1xi32>
    %sign3A_212 = arith.constant 0 : i32
    %sign3A_213 = arith.cmpi sgt, %jit3A_200, %sign3A_212 : i32
    %sign3A_214 = arith.extui %sign3A_213 : i1 to i32
    %sign3A_215 = arith.constant 0 : i32
    %sign3A_216 = arith.cmpi slt, %jit3A_200, %sign3A_215 : i32
    %sign3A_217 = arith.extui %sign3A_216 : i1 to i32
    %sign3A_218 = arith.subi %sign3A_214, %sign3A_217 : i32
    %ne3A_219 = vector.broadcast %sign3A_218 : i32 to vector<96x1xi32>
    %ne3A_220 = arith.cmpi ne, %sign3A_211, %ne3A_219 : vector<96x1xi32>
    %rem3A_221 = vector.broadcast %jit3A_200 : i32 to vector<96x1xi32>
    %rem3A_222 = arith.remsi %broadcast_in_dim3A_199, %rem3A_221 : vector<96x1xi32>
    %ne3A_223 = arith.constant 0 : i32
    %ne3A_224 = vector.broadcast %ne3A_223 : i32 to vector<96x1xi32>
    %ne3A_225 = arith.cmpi ne, %rem3A_222, %ne3A_224 : vector<96x1xi32>
    %and3A_226 = arith.andi %ne3A_220, %ne3A_225 : vector<96x1xi1>
    %sub3A_227 = arith.constant 1 : i32
    %sub3A_228 = vector.broadcast %sub3A_227 : i32 to vector<96x1xi32>
    %sub3A_229 = arith.subi %div3A_202, %sub3A_228 : vector<96x1xi32>
    %select_n3A_230 = arith.select %and3A_226, %sub3A_229, %div3A_202 : vector<96x1xi1>, vector<96x1xi32>
    %jit3A_231 = arith.constant 32768 : i32
    %eq3A_232 = arith.constant 0 : i32
    %eq3A_233 = arith.cmpi eq, %jit3A_231, %eq3A_232 : i32
    %jit3A_234 = arith.constant 1 : i32
    %select_n3A_235 = arith.select %eq3A_233, %jit3A_234, %jit3A_231 : i32
    %rem3A_236 = vector.broadcast %select_n3A_235 : i32 to vector<96x1xi32>
    %rem3A_237 = arith.remsi %broadcast_in_dim3A_199, %rem3A_236 : vector<96x1xi32>
    %ne3A_238 = arith.constant 0 : i32
    %ne3A_239 = vector.broadcast %ne3A_238 : i32 to vector<96x1xi32>
    %ne3A_240 = arith.cmpi ne, %rem3A_237, %ne3A_239 : vector<96x1xi32>
    %lt3A_241 = arith.constant 0 : i32
    %lt3A_242 = vector.broadcast %lt3A_241 : i32 to vector<96x1xi32>
    %lt3A_243 = arith.cmpi slt, %rem3A_237, %lt3A_242 : vector<96x1xi32>
    %lt3A_244 = arith.constant 0 : i32
    %lt3A_245 = arith.cmpi slt, %select_n3A_235, %lt3A_244 : i32
    %ne3A_246 = vector.broadcast %lt3A_245 : i1 to vector<96x1xi1>
    %ne3A_247 = vector.broadcast %ne3A_246 : vector<96x1xi1> to vector<96x1xi1>
    %ne3A_248 = arith.xori %lt3A_243, %ne3A_247 : vector<96x1xi1>
    %and3A_249 = arith.andi %ne3A_248, %ne3A_240 : vector<96x1xi1>
    %add3A_250 = vector.broadcast %select_n3A_235 : i32 to vector<96x1xi32>
    %add3A_251 = arith.addi %rem3A_237, %add3A_250 : vector<96x1xi32>
    %select_n3A_252 = arith.select %and3A_249, %add3A_251, %rem3A_237 : vector<96x1xi1>, vector<96x1xi32>
    %eq3A_253 = vector.broadcast %broadcast_in_dim3A_199 : vector<96x1xi32> to vector<96x16xi32>
    %eq3A_254 = arith.cmpi eq, %add3A_121, %eq3A_253 : vector<96x16xi32>
    %jit3A_255 = arith.constant 0xFF800000 : f32
    %broadcast_in_dim3A_256 = vector.broadcast %jit3A_255 : f32 to vector<96x16xf32>
    %select_n3A_257 = arith.select %eq3A_254, %broadcast_in_dim3A_256, %select_n3A_188 : vector<96x16xi1>, vector<96x16xf32>
    %reduce_max3A_258 = arith.constant dense<0xFF800000> : vector<96xf32>
    %reduce_max3A_259 = vector.multi_reduction <maximumf>, %select_n3A_257, %reduce_max3A_258 [1] : vector<96x16xf32> to vector<96xf32>
    %broadcast_in_dim3A_260 = vector.shape_cast %reduce_max3A_259 : vector<96xf32> to vector<96x1xf32>
    %eq3A_261 = vector.broadcast %broadcast_in_dim3A_260 : vector<96x1xf32> to vector<96x16xf32>
    %eq3A_262 = arith.cmpf oeq, %select_n3A_257, %eq3A_261 : vector<96x16xf32>
    %jit3A_263 = arith.constant 131072 : i32
    %broadcast_in_dim3A_264 = vector.broadcast %jit3A_263 : i32 to vector<96x16xi32>
    %select_n3A_265 = arith.select %eq3A_262, %add3A_121, %broadcast_in_dim3A_264 : vector<96x16xi1>, vector<96x16xi32>
    %reduce_min3A_266 = arith.constant dense<2147483647> : vector<96xi32>
    %reduce_min3A_267 = vector.multi_reduction <minsi>, %select_n3A_265, %reduce_min3A_266 [1] : vector<96x16xi32> to vector<96xi32>
    %broadcast_in_dim3A_268 = vector.shape_cast %reduce_min3A_267 : vector<96xi32> to vector<96x1xi32>
    %jit3A_269 = arith.constant 32768 : i32
    %div3A_270 = vector.broadcast %jit3A_269 : i32 to vector<96x1xi32>
    %div3A_271 = arith.divsi %broadcast_in_dim3A_268, %div3A_270 : vector<96x1xi32>
    %sign3A_272 = arith.constant 0 : i32
    %sign3A_273 = vector.broadcast %sign3A_272 : i32 to vector<96x1xi32>
    %sign3A_274 = arith.cmpi sgt, %broadcast_in_dim3A_268, %sign3A_273 : vector<96x1xi32>
    %sign3A_275 = arith.extui %sign3A_274 : vector<96x1xi1> to vector<96x1xi32>
    %sign3A_276 = arith.constant 0 : i32
    %sign3A_277 = vector.broadcast %sign3A_276 : i32 to vector<96x1xi32>
    %sign3A_278 = arith.cmpi slt, %broadcast_in_dim3A_268, %sign3A_277 : vector<96x1xi32>
    %sign3A_279 = arith.extui %sign3A_278 : vector<96x1xi1> to vector<96x1xi32>
    %sign3A_280 = arith.subi %sign3A_275, %sign3A_279 : vector<96x1xi32>
    %sign3A_281 = arith.constant 0 : i32
    %sign3A_282 = arith.cmpi sgt, %jit3A_269, %sign3A_281 : i32
    %sign3A_283 = arith.extui %sign3A_282 : i1 to i32
    %sign3A_284 = arith.constant 0 : i32
    %sign3A_285 = arith.cmpi slt, %jit3A_269, %sign3A_284 : i32
    %sign3A_286 = arith.extui %sign3A_285 : i1 to i32
    %sign3A_287 = arith.subi %sign3A_283, %sign3A_286 : i32
    %ne3A_288 = vector.broadcast %sign3A_287 : i32 to vector<96x1xi32>
    %ne3A_289 = arith.cmpi ne, %sign3A_280, %ne3A_288 : vector<96x1xi32>
    %rem3A_290 = vector.broadcast %jit3A_269 : i32 to vector<96x1xi32>
    %rem3A_291 = arith.remsi %broadcast_in_dim3A_268, %rem3A_290 : vector<96x1xi32>
    %ne3A_292 = arith.constant 0 : i32
    %ne3A_293 = vector.broadcast %ne3A_292 : i32 to vector<96x1xi32>
    %ne3A_294 = arith.cmpi ne, %rem3A_291, %ne3A_293 : vector<96x1xi32>
    %and3A_295 = arith.andi %ne3A_289, %ne3A_294 : vector<96x1xi1>
    %sub3A_296 = arith.constant 1 : i32
    %sub3A_297 = vector.broadcast %sub3A_296 : i32 to vector<96x1xi32>
    %sub3A_298 = arith.subi %div3A_271, %sub3A_297 : vector<96x1xi32>
    %select_n3A_299 = arith.select %and3A_295, %sub3A_298, %div3A_271 : vector<96x1xi1>, vector<96x1xi32>
    %jit3A_300 = arith.constant 32768 : i32
    %eq3A_301 = arith.constant 0 : i32
    %eq3A_302 = arith.cmpi eq, %jit3A_300, %eq3A_301 : i32
    %jit3A_303 = arith.constant 1 : i32
    %select_n3A_304 = arith.select %eq3A_302, %jit3A_303, %jit3A_300 : i32
    %rem3A_305 = vector.broadcast %select_n3A_304 : i32 to vector<96x1xi32>
    %rem3A_306 = arith.remsi %broadcast_in_dim3A_268, %rem3A_305 : vector<96x1xi32>
    %ne3A_307 = arith.constant 0 : i32
    %ne3A_308 = vector.broadcast %ne3A_307 : i32 to vector<96x1xi32>
    %ne3A_309 = arith.cmpi ne, %rem3A_306, %ne3A_308 : vector<96x1xi32>
    %lt3A_310 = arith.constant 0 : i32
    %lt3A_311 = vector.broadcast %lt3A_310 : i32 to vector<96x1xi32>
    %lt3A_312 = arith.cmpi slt, %rem3A_306, %lt3A_311 : vector<96x1xi32>
    %lt3A_313 = arith.constant 0 : i32
    %lt3A_314 = arith.cmpi slt, %select_n3A_304, %lt3A_313 : i32
    %ne3A_315 = vector.broadcast %lt3A_314 : i1 to vector<96x1xi1>
    %ne3A_316 = vector.broadcast %ne3A_315 : vector<96x1xi1> to vector<96x1xi1>
    %ne3A_317 = arith.xori %lt3A_312, %ne3A_316 : vector<96x1xi1>
    %and3A_318 = arith.andi %ne3A_317, %ne3A_309 : vector<96x1xi1>
    %add3A_319 = vector.broadcast %select_n3A_304 : i32 to vector<96x1xi32>
    %add3A_320 = arith.addi %rem3A_306, %add3A_319 : vector<96x1xi32>
    %select_n3A_321 = arith.select %and3A_318, %add3A_320, %rem3A_306 : vector<96x1xi1>, vector<96x1xi32>
    %eq3A_322 = vector.broadcast %broadcast_in_dim3A_268 : vector<96x1xi32> to vector<96x16xi32>
    %eq3A_323 = arith.cmpi eq, %add3A_121, %eq3A_322 : vector<96x16xi32>
    %jit3A_324 = arith.constant 0xFF800000 : f32
    %broadcast_in_dim3A_325 = vector.broadcast %jit3A_324 : f32 to vector<96x16xf32>
    %select_n3A_326 = arith.select %eq3A_323, %broadcast_in_dim3A_325, %select_n3A_257 : vector<96x16xi1>, vector<96x16xf32>
    %reduce_max3A_327 = arith.constant dense<0xFF800000> : vector<96xf32>
    %reduce_max3A_328 = vector.multi_reduction <maximumf>, %select_n3A_326, %reduce_max3A_327 [1] : vector<96x16xf32> to vector<96xf32>
    %broadcast_in_dim3A_329 = vector.shape_cast %reduce_max3A_328 : vector<96xf32> to vector<96x1xf32>
    %eq3A_330 = vector.broadcast %broadcast_in_dim3A_329 : vector<96x1xf32> to vector<96x16xf32>
    %eq3A_331 = arith.cmpf oeq, %select_n3A_326, %eq3A_330 : vector<96x16xf32>
    %jit3A_332 = arith.constant 131072 : i32
    %broadcast_in_dim3A_333 = vector.broadcast %jit3A_332 : i32 to vector<96x16xi32>
    %select_n3A_334 = arith.select %eq3A_331, %add3A_121, %broadcast_in_dim3A_333 : vector<96x16xi1>, vector<96x16xi32>
    %reduce_min3A_335 = arith.constant dense<2147483647> : vector<96xi32>
    %reduce_min3A_336 = vector.multi_reduction <minsi>, %select_n3A_334, %reduce_min3A_335 [1] : vector<96x16xi32> to vector<96xi32>
    %broadcast_in_dim3A_337 = vector.shape_cast %reduce_min3A_336 : vector<96xi32> to vector<96x1xi32>
    %jit3A_338 = arith.constant 32768 : i32
    %div3A_339 = vector.broadcast %jit3A_338 : i32 to vector<96x1xi32>
    %div3A_340 = arith.divsi %broadcast_in_dim3A_337, %div3A_339 : vector<96x1xi32>
    %sign3A_341 = arith.constant 0 : i32
    %sign3A_342 = vector.broadcast %sign3A_341 : i32 to vector<96x1xi32>
    %sign3A_343 = arith.cmpi sgt, %broadcast_in_dim3A_337, %sign3A_342 : vector<96x1xi32>
    %sign3A_344 = arith.extui %sign3A_343 : vector<96x1xi1> to vector<96x1xi32>
    %sign3A_345 = arith.constant 0 : i32
    %sign3A_346 = vector.broadcast %sign3A_345 : i32 to vector<96x1xi32>
    %sign3A_347 = arith.cmpi slt, %broadcast_in_dim3A_337, %sign3A_346 : vector<96x1xi32>
    %sign3A_348 = arith.extui %sign3A_347 : vector<96x1xi1> to vector<96x1xi32>
    %sign3A_349 = arith.subi %sign3A_344, %sign3A_348 : vector<96x1xi32>
    %sign3A_350 = arith.constant 0 : i32
    %sign3A_351 = arith.cmpi sgt, %jit3A_338, %sign3A_350 : i32
    %sign3A_352 = arith.extui %sign3A_351 : i1 to i32
    %sign3A_353 = arith.constant 0 : i32
    %sign3A_354 = arith.cmpi slt, %jit3A_338, %sign3A_353 : i32
    %sign3A_355 = arith.extui %sign3A_354 : i1 to i32
    %sign3A_356 = arith.subi %sign3A_352, %sign3A_355 : i32
    %ne3A_357 = vector.broadcast %sign3A_356 : i32 to vector<96x1xi32>
    %ne3A_358 = arith.cmpi ne, %sign3A_349, %ne3A_357 : vector<96x1xi32>
    %rem3A_359 = vector.broadcast %jit3A_338 : i32 to vector<96x1xi32>
    %rem3A_360 = arith.remsi %broadcast_in_dim3A_337, %rem3A_359 : vector<96x1xi32>
    %ne3A_361 = arith.constant 0 : i32
    %ne3A_362 = vector.broadcast %ne3A_361 : i32 to vector<96x1xi32>
    %ne3A_363 = arith.cmpi ne, %rem3A_360, %ne3A_362 : vector<96x1xi32>
    %and3A_364 = arith.andi %ne3A_358, %ne3A_363 : vector<96x1xi1>
    %sub3A_365 = arith.constant 1 : i32
    %sub3A_366 = vector.broadcast %sub3A_365 : i32 to vector<96x1xi32>
    %sub3A_367 = arith.subi %div3A_340, %sub3A_366 : vector<96x1xi32>
    %select_n3A_368 = arith.select %and3A_364, %sub3A_367, %div3A_340 : vector<96x1xi1>, vector<96x1xi32>
    %jit3A_369 = arith.constant 32768 : i32
    %eq3A_370 = arith.constant 0 : i32
    %eq3A_371 = arith.cmpi eq, %jit3A_369, %eq3A_370 : i32
    %jit3A_372 = arith.constant 1 : i32
    %select_n3A_373 = arith.select %eq3A_371, %jit3A_372, %jit3A_369 : i32
    %rem3A_374 = vector.broadcast %select_n3A_373 : i32 to vector<96x1xi32>
    %rem3A_375 = arith.remsi %broadcast_in_dim3A_337, %rem3A_374 : vector<96x1xi32>
    %ne3A_376 = arith.constant 0 : i32
    %ne3A_377 = vector.broadcast %ne3A_376 : i32 to vector<96x1xi32>
    %ne3A_378 = arith.cmpi ne, %rem3A_375, %ne3A_377 : vector<96x1xi32>
    %lt3A_379 = arith.constant 0 : i32
    %lt3A_380 = vector.broadcast %lt3A_379 : i32 to vector<96x1xi32>
    %lt3A_381 = arith.cmpi slt, %rem3A_375, %lt3A_380 : vector<96x1xi32>
    %lt3A_382 = arith.constant 0 : i32
    %lt3A_383 = arith.cmpi slt, %select_n3A_373, %lt3A_382 : i32
    %ne3A_384 = vector.broadcast %lt3A_383 : i1 to vector<96x1xi1>
    %ne3A_385 = vector.broadcast %ne3A_384 : vector<96x1xi1> to vector<96x1xi1>
    %ne3A_386 = arith.xori %lt3A_381, %ne3A_385 : vector<96x1xi1>
    %and3A_387 = arith.andi %ne3A_386, %ne3A_378 : vector<96x1xi1>
    %add3A_388 = vector.broadcast %select_n3A_373 : i32 to vector<96x1xi32>
    %add3A_389 = arith.addi %rem3A_375, %add3A_388 : vector<96x1xi32>
    %select_n3A_390 = arith.select %and3A_387, %add3A_389, %rem3A_375 : vector<96x1xi1>, vector<96x1xi32>
    %concatenate3A_391 = tpu.concatenate %broadcast_in_dim3A_123, %broadcast_in_dim3A_191, %broadcast_in_dim3A_260, %broadcast_in_dim3A_329 in 1 : vector<96x1xf32>, vector<96x1xf32>, vector<96x1xf32>, vector<96x1xf32> -> vector<96x4xf32>
    %swap3A = arith.constant 0 : index
    %swap3A_392 = arith.constant 0 : index
    %swap3A_393 = vector.load %arg5[%swap3A, %swap3A_392] : memref<96x4xf32, #tpu.memory_space<vmem>>, vector<96x4xf32>
    tpu.vector_store %arg5[%swap3A, %swap3A_392], %concatenate3A_391 {strides = array<i32>} : memref<96x4xf32, #tpu.memory_space<vmem>>, vector<96x4xf32>,
    %concatenate3A_394 = tpu.concatenate %select_n3A_183, %select_n3A_252, %select_n3A_321, %select_n3A_390 in 1 : vector<96x1xi32>, vector<96x1xi32>, vector<96x1xi32>, vector<96x1xi32> -> vector<96x4xi32>
    %swap3A_395 = arith.constant 0 : index
    %swap3A_396 = arith.constant 0 : index
    %swap3A_397 = vector.load %arg6[%swap3A_395, %swap3A_396] : memref<96x4xi32, #tpu.memory_space<vmem>>, vector<96x4xi32>
    tpu.vector_store %arg6[%swap3A_395, %swap3A_396], %concatenate3A_394 {strides = array<i32>} : memref<96x4xi32, #tpu.memory_space<vmem>>, vector<96x4xi32>,
    %concatenate3A_398 = tpu.concatenate %select_n3A_161, %select_n3A_230, %select_n3A_299, %select_n3A_368 in 1 : vector<96x1xi32>, vector<96x1xi32>, vector<96x1xi32>, vector<96x1xi32> -> vector<96x4xi32>
    %swap3A_399 = arith.constant 0 : index
    %swap3A_400 = arith.constant 0 : index
    %swap3A_401 = vector.load %arg7[%swap3A_399, %swap3A_400] : memref<96x4xi32, #tpu.memory_space<vmem>>, vector<96x4xi32>
    tpu.vector_store %arg7[%swap3A_399, %swap3A_400], %concatenate3A_398 {strides = array<i32>} : memref<96x4xi32, #tpu.memory_space<vmem>>, vector<96x4xi32>,
    return
  }
}

</mosaic_0001>

<sc_bundles>
// kernel: kernel.5.cloned.1.call-start
scs
__scs_entry_jumppad:
0x0: {  	(pc) =	sbr.rel $0x88, $3  }
0x1: {  	(tag) =	ssettag $0x0;
	lr =	simm.s32 $0x1  }
0x2: {  	[smem:$0x3F9E] =	sst lr;
	_ =	strace $0xD0000000  }
0x3: {  	_ = 	snop  }
0x4: {  	_ = 	snop  }
0x5: {  	_ = 	snop  }
0x6: {  	_ = 	snop  }
0x7: {  	_ = 	snop  }
__scs_overlays_trampoline_lowered:
0x8: {  	[smem:$0x3FAD] =	sst s0  }
0x9: {  	[smem:$0x3FAE] =	sst s1  }
0xa: {  	[smem:$0x3FAF] =	sst s2  }
0xb: {  	[smem:$0x3FB0] =	sst s3  }
0xc: {  	[smem:$0x3FB1] =	sst s4  }
0xd: {  	[smem:$0x3FB2] =	sst s5  }
0xe: {  	[smem:$0x3FB3] =	sst s6  }
0xf: {  	[smem:$0x3FB4] =	sst s7  }
0x10: {  	[smem:$0x3FB5] =	sst s8  }
0x11: {  	[smem:$0x3FB6] =	sst s9;
	s0 =	simm.s32 @!p0 $0x0  }
0x12: {  	s1 =	sld [smem:$0x3F9C];
	s0 =	simm.s32 @p0 $0x1  }
0x13: {  	[smem:$0x3FB7] =	sst s0;
	s0 =	simm.s32 @!p1 $0x0  }
0x14: {  	s2 =	sld [smem:$0x3F9B];
	s0 =	simm.s32 @p1 $0x1  }
0x15: {  	[smem:$0x3FB8] =	sst s0;
	s0 =	simm.s32 @!p2 $0x0  }
0x16: {  	s3 =	sld [smem:$0x3FDB];
	s0 =	simm.s32 @p2 $0x1  }
0x17: {  	s4 =	simm.s32 $0x1BF5;
	[smem:$0x3FBA] =	sst s0  }
0x18: {  	s0 =	sld [smem:$0x3F9D];
	_ =	swait.ge [sflag:s4], $0x0  }
0x19: {  	s7 =	sld [smem:$0x3F9E]  }
0x1a: {  	s8 =	sadd.s32 $0xFFFFE003, lr  }
0x1b: {  	s9 =	sadd.s32 $0xFFFFFEF7, lr;
	s5 =	simm.s32 $0xFFFFFFFF;
	p2 =	slt.u32 s8, $0xFFFFF086  }
0x1c: {  	p1 =	slt.u32 s9, $0xF7A;
	s5 =	simm.s32 @!p2 $0x0  }
0x1d: {  	s5 =	simm.s32 @p1 $0x1;
	p0 =	seq.s32 s7, s2  }
0x1e: {  	s7 =	smul.u32 @!p0 $0xF7A, s2;
	p2 =	seq.s32 @!p0 s5, $0x0  }
0x1f: {  	s9 =	smul.u32 $0xF7A, s1;
	s8 =	simm.s32 @!p0 $0x1BF5;
	p2 =	por !p2, p0  }
0x20: {  	[sflag:s8] =	ssyncset.s32 @!p0 $0xFFFFF086;
	s6 =	sadd.s32 @!p0 s3, s7;
	s7 =	simm.s32 @!p0 $0x108  }
0x21: {  	s3 =	sadd.s32 s3, s9;
	s6 =	sadd.s32 @!p0 $0x88, s6;
	s7 =	simm.s32 @p2 $0x1082  }
0x22: {  	[simem:s7], [sflag:s8] =	dma.local @!p0 [hbm:s6], $0xF7A  }
0x23: {  	s9 =	sor.u32 $0xD0000000, s2;
	s6 =	simm.s32 $0x108;
	_ =	swait.ge @!p0 [sflag:s8], $0x0  }
0x24: {  	s3 =	sadd.s32 $0x88, s3;
	s6 =	simm.s32 @!p1 $0x1082;
	[sflag:s4] =	ssyncset.s32 $0xFFFFF086  }
0x25: {  	[simem:s6], [sflag:s4] =	dma.local [hbm:s3], $0xF7A  }
0x26: {  	[smem:$0x3F9E] =	sst s1;
	(tag) =	ssettag s2;
	_ =	strace s9  }
0x27: {  	s1 =	sld [smem:$0x3FAE]  }
0x28: {  	s2 =	sld [smem:$0x3FAF]  }
0x29: {  	s4 =	sld [smem:$0x3FB1]  }
0x2a: {  	p0 =	seq.s32 s5, $0x0;
	s5 =	sld [smem:$0x3FB2]  }
0x2b: {  	s6 =	sld [smem:$0x3FB3]  }
0x2c: {  	s7 =	sld [smem:$0x3FB4]  }
0x2d: {  	s3 =	simm.s32 $0x108;
	s8 =	sld [smem:$0x3FB5]  }
0x2e: {  	s3 =	simm.s32 @!p0 $0x1082;
	s9 =	sld [smem:$0x3FB6]  }
0x2f: {  	lr =	sadd.s32 s0, s3;
	s0 =	sld [smem:$0x3FAD]  }
0x30: {  	s3 =	sld [smem:$0x3FB0]  }
0x31: {  	[smem:$0x3FB9] =	sst s10  }
0x32: {  	s10 =	sld [smem:$0x3FB7];
	_ =	sdelay $0x3  }
0x33: {  	p0 =	seq.s32 s10, $0x1;
	s10 =	sld [smem:$0x3FB9];
	_ =	sdelay $0x3  }
0x34: {  	[smem:$0x3FB9] =	sst s10  }
0x35: {  	s10 =	sld [smem:$0x3FB8];
	_ =	sdelay $0x3  }
0x36: {  	p1 =	seq.s32 s10, $0x1;
	s10 =	sld [smem:$0x3FB9];
	_ =	sdelay $0x3  }
0x37: {  	[smem:$0x3FB9] =	sst s10  }
0x38: {  	s10 =	sld [smem:$0x3FBA]  }
0x39: {  	_ = 	snop;
	(pc) =	sbr.ind lr, $3  }
0x3a: {  	_ = 	snop  }
0x3b: {  	_ = 	snop  }
0x3c: {  	p2 =	seq.s32 s10, $0x1;
	s10 =	sld [smem:$0x3FB9]  }
0x3d: {  	_ =	shalt  }
0x3e: {  	_ =	shalt  }
0x3f: {  	_ =	shalt  }
0x40: {  	_ =	shalt  }
0x41: {  	_ =	shalt  }
0x42: {  	_ =	shalt  }
0x43: {  	_ =	shalt  }
0x44: {  	_ =	shalt  }
0x45: {  	_ =	shalt  }
0x46: {  	_ =	shalt  }
0x47: {  	_ =	shalt  }
0x48: {  	_ =	shalt  }
0x49: {  	_ =	shalt  }
0x4a: {  	_ =	shalt  }
0x4b: {  	_ =	shalt  }
0x4c: {  	_ =	shalt  }
0x4d: {  	_ =	shalt  }
0x4e: {  	_ =	shalt  }
0x4f: {  	_ =	shalt  }
0x50: {  	_ =	shalt  }
0x51: {  	_ =	shalt  }
0x52: {  	_ =	shalt  }
0x53: {  	_ =	shalt  }
0x54: {  	_ =	shalt  }
0x55: {  	_ =	shalt  }
0x56: {  	_ =	shalt  }
0x57: {  	_ =	shalt  }
0x58: {  	_ =	shalt  }
0x59: {  	_ =	shalt  }
0x5a: {  	_ =	shalt  }
0x5b: {  	_ =	shalt  }
0x5c: {  	_ =	shalt  }
0x5d: {  	_ =	shalt  }
0x5e: {  	_ =	shalt  }
0x5f: {  	_ =	shalt  }
0x60: {  	_ =	shalt  }
0x61: {  	_ =	shalt  }
0x62: {  	_ =	shalt  }
0x63: {  	_ =	shalt  }
0x64: {  	_ =	shalt  }
0x65: {  	_ =	shalt  }
0x66: {  	_ =	shalt  }
0x67: {  	_ =	shalt  }
0x68: {  	_ =	shalt  }
0x69: {  	_ =	shalt  }
0x6a: {  	_ =	shalt  }
0x6b: {  	_ =	shalt  }
0x6c: {  	_ =	shalt  }
0x6d: {  	_ =	shalt  }
0x6e: {  	_ =	shalt  }
0x6f: {  	_ =	shalt  }
0x70: {  	_ =	shalt  }
0x71: {  	_ =	shalt  }
0x72: {  	_ =	shalt  }
0x73: {  	_ =	shalt  }
0x74: {  	_ =	shalt  }
0x75: {  	_ =	shalt  }
0x76: {  	_ =	shalt  }
0x77: {  	_ =	shalt  }
0x78: {  	_ =	shalt  }
0x79: {  	_ =	shalt  }
0x7a: {  	_ =	shalt  }
0x7b: {  	_ =	shalt  }
0x7c: {  	_ =	shalt  }
0x7d: {  	_ =	shalt  }
0x7e: {  	_ =	shalt  }
0x7f: {  	_ =	shalt  }
0x80: {  	_ =	shalt  }
0x81: {  	_ =	shalt  }
0x82: {  	_ =	shalt  }
0x83: {  	_ =	shalt  }
0x84: {  	_ =	shalt  }
0x85: {  	_ =	shalt  }
0x86: {  	_ =	shalt  }
0x87: {  	_ =	shalt  }
.Lfunc_end0:
.L_simem_size_0:
called_computation_lowered:
.L_overlay_start_0:
0x88: {  	s2 =	sld [smem:$0x3FD9]  }
0x89: {  	s3 =	sld [smem:$0x3FFE];
	_ =	sdelay $0x1  }
0x8a: {  	s1 =	srdreg.scid  }
0x8b: {  	s0 =	sand.u32 $0x1, s1  }
0x8c: {  	s17 =	sshll.u32 s0, $0xA;
	s2 =	sadd.s32 s3, s2  }
0x8d: {  	s2 =	sadd.s32 s2, s17  }
0x8e: {  	[smem:$0x3FC5] =	sst s2  }
0x8f: {  	_ = 	snop  }
0x90: {  	s2 =	sld [smem:$0x3FC9];
	(tm) =	ssettm $0x1  }
0x91: {  	s18 =	sld [smem:$0x3FFB];
	_ =	sdelay $0x3  }
0x92: {  	_ =	strace s18  }
0x93: {  	s3 =	sld [smem:$0x3FFC];
	_ =	sdelay $0x3  }
0x94: {  	_ =	strace s3  }
0x95: {  	s3 =	sld [smem:$0x3FFD];
	_ =	sdelay $0x3  }
0x96: {  	_ =	strace s3  }
0x97: {  	_ =	strace $0x8FFFFFFF  }
0x98: {  	s19 =	sld [smem:$0x3FDB];
	_ =	sdelay $0x1  }
0x99: {  	s4 =	simm.s32 $_scs_section_size  }
0x9a: {  	s5 =	simm.s32 $_size__tile_overlayer_lowered;
	s6 =	simm.s32 $_tile_overlayer_lowered  }
0x9b: {  	s22 =	simm.s32 $0x1BFF;
	s21 =	sshll.u32 s6, $0x1;
	s3 =	sadd.s32 s4, s19  }
0x9c: {  	s7 =	simm.s32 $0x0;
	s20 =	sshll.u32 s5, $0x1;
	s5 =	sadd.s32 s21, s3  }
0x9d: {  	[timem:s7], [sflag:s22] =	dma.local [hbm:s5], s20  }
0x9e: {  	_ =	swait.ge [sflag:s22], s20  }
0x9f: {  	s4 =	ssub.s32 $0x0, s20;
	[sflag:s22] =	ssyncset.done $0x0  }
0xa0: {  	[sflag:s22] =	ssyncadd.s32 s4;
	_ =	sdelay $0x1  }
0xa1: {  	s23 =	simm.s32 $0x1B8B  }
0xa2: {  	_ =	swait.ge [sflag:s23], $0x1  }
0xa3: {  	[sflag:s23] =	ssyncset.done $0x0  }
0xa4: {  	s25 =	simm.s32 $0x1B8E;
	s24 =	sld [smem:$0x3FFE];
	[sflag:s23] =	ssyncadd.s32 $0xFFFFFFFF  }
0xa5: {  	s26 =	simm.s32 $execute0_lowered;
	[smem:$0x3FD2] =	sst s25  }
0xa6: {  	s5 =	sshll.u32 s26, $0x1;
	_ =	strace $0x80000046;
	[dreg:$0x1] =	wrdreg $0xFFFFFFFF  }
0xa7: {  	s28 =	simm.s32 $_size_execute0_lowered;
	s3 =	sadd.s32 s3, s5;
	[dreg:$0x0] =	wrdreg $0x0  }
0xa8: {  	s5 =	sshll.u32 s28, $0x1;
	[dreg:$0x2] =	wrdreg s3  }
0xa9: {  	[dreg:$0x3] =	wrdreg s5  }
0xaa: {  	[dreg:$0x4] =	wrdreg $0xC0  }
0xab: {  	_ =	task [dreg:s7], $0x5FFFF  }
0xac: {  	[dreg:$0x1] =	wrdreg $0xFFFFFFFF  }
0xad: {  	[dreg:$0x0] =	wrdreg $0x60  }
0xae: {  	[dreg:$0x2] =	wrdreg s2  }
0xaf: {  	[dreg:$0x3] =	wrdreg s24  }
0xb0: {  	[dreg:$0x4] =	wrdreg $0x9  }
0xb1: {  	_ =	task.clear_ibuf [dreg:s7], $0x5FFFF;
	_ =	strace $0x90000046  }
0xb2: {  	s29 =	simm.s32 $0x9;
	_ =	strace $0x80000048  }
0xb3: {  	_ =	swait.ge [sflag:s29], $0x1  }
0xb4: {  	[sflag:s29] =	ssyncadd.s32 $0xFFFFFFFF  }
0xb5: {  	_ =	strace $0x90000048  }
0xb6: {  	_ =	sfence  }
0xb7: {  	s30 =	sld [smem:$0x0];
	_ =	sdelay $0x2  }
0xb8: {  	s31 =	sshll.u32 s1, $0xD;
	s1 =	sshrl.u32 s1, $0x2  }
0xb9: {  	s3 =	sand.u32 $0x4000, s31;
	s1 =	sadd.s32 s1, s30  }
0xba: {  	s0 =	sor.u32 s3, s0;
	s1 =	sshll.u32 s1, $0x11  }
0xbb: {  	s0 =	sor.u32 s1, s0  }
0xbc: {  	s0 =	sadd.s32 $0x8F2B, s0  }
0xbd: {  	[sflag:s0] =	ssyncadd.remote.s32 $0x1  }
0xbe: {  	_ =	sfence.sel $0xFFFF  }
0xbf: {  	[dreg:$0x0] =	wrdreg $0xFFFFFFFF;
	(pc) =	sbr.abs _section_cstart, $3  }
0xc0: {  	[dreg:$0x1] =	wrdreg $0xFFFFFFFF  }
0xc1: {  	_ =	task.clear_ibuf [dreg:s7], $0x2FFFF;
	_ =	strace $0x9FFFFFFF  }
0xc2: {  	(tm) =	ssettm $0x7FFFFFFF  }
0xc3: {  	_ =	shalt  }
tec
execute0_lowered:
.L_overlay_start_1:
0x0: {  	(tag) =	ssettag $0x1  }
0x1: {  	v0 =	vimm.s32 $0xEFCDAB89  }
0x2: {  	v1 =	vimm.s32 $0x67452301;
	v2 =	vimm.s32 $0xDCFE98BA;
	v3 =	vimm.s32 $0x54761032  }
0x3: {  	v4 =	vimm.s32 $0xBA98FEDC;
	v5 =	vimm.s32 $0x32107654;
	v6 =	vimm.s32 $0x76543210  }
0x4: {  	vm0 =	vcmask $0x1F1C;
	vm1 =	vcmask $0xF0C;
	vm2 =	vcmask $0x1F18  }
0x5: {  	vm3 =	vcmask $0xF08;
	vm4 =	vcmask $0x3F38;
	vm6 =	vcmask $0x730  }
0x6: {  	vm7 =	vcmask $0x1710;
	vm8 =	vcmask $0x2720;
	vm9 =	vcmask $0x1B10  }
0x7: {  	vm12 =	vcmask $0x2B20;
	vm10 =	vcmask $0x1B30;
	v0 =	vunpack.c.l.s4.s8 v0  }
0x8: {  	v1 =	vunpack.c.l.s4.s8 v1;
	v2 =	vunpack.c.l.s4.s8 v2;
	v3 =	vunpack.c.l.s4.s8 v3  }
0x9: {  	s1 =	srdreg.scid;
	s3 =	rddreg [dreg:$0x0];
	v4 =	vunpack.c.l.s4.s8 v4;
	vm0 =	vmor vm1, vm0;
	vm1 =	vcmask $0x2F2C  }
0xa: {  	s0 =	stileid.u32;
	s5 =	rddreg [dreg:$0x1];
	s2 =	simm.s32 $0x0;
	v5 =	vunpack.c.l.s4.s8 v5;
	vm12 =	vmor vm10, vm12;
	vm0 =	vmor vm0, vm1  }
0xb: {  	s11 =	simm.s32 $0x80;
	s12 =	simm.s32 $0x400;
	s13 =	simm.s32 $0x1;
	vm1 =	vcmask $0x3F3C;
	v0 =	vunpack.c.0.s8.s32 v0;
	v1 =	vunpack.c.0.s8.s32 v1  }
0xc: {  	s14 =	simm.s32 $0x8000;
	s15 =	simm.s32 $0x2;
	s16 =	simm.s32 $0x10080;
	vm0 =	vmor vm0, vm1;
	vm1 =	vmor vm3, vm2;
	vm2 =	vcmask $0x2F28  }
0xd: {  	s4 =	sand.u32 $0x1, s1;
	s28 =	sshll.u32 s0, $0x1;
	s1 =	rddreg [dreg:$0x2];
	vm3 =	vmor vm1, vm2;
	vm1 =	vcmask $0x1310;
	vm2 =	vcmask $0x300  }
0xe: {  	s17 =	simm.s32 $0x0;
	[smem:$0x7FF] =	sst s2;
	s6 =	sor.u32 s4, s28;
	v1 =	vcombine.low v1, v0;
	v0 =	vunpack.c.0.s8.s32 v2;
	v2 =	vunpack.c.0.s8.s32 v3  }
0xf: {  	_ =	strace $0x80000047;
	s29 =	sshll.u32 s4, $0x6;
	s4 =	ssub.s32 $0x2, s4;
	v3 =	vunpack.c.0.s8.s32 v4;
	v4 =	vunpack.c.0.s8.s32 v5;
	v5 =	vimm.s32 $0xFEDCBA98  }
0x10: {  	s7 =	sor.u32 $0x60, s6;
	s6 =	sshll.u32 s6, $0x4;
	s3 =	sadd.s32 s3, s29;
	vm5 =	vmor vm2, vm1;
	vm2 =	vcmask $0x2320;
	vm3 =	vmor vm3, vm4  }
0x11: {  	s31 =	sshrl.u32 s4, $0x1;
	s8 =	sshll.u32 s7, $0x4;
	s9 =	sand.u32 $0x70, s6;
	vm1 =	vcmask $0xB30;
	v5 =	vunpack.c.l.s4.s8 v5;
	vm4 =	vmor vm5, vm2  }
0x12: {  	s7 =	sshll.u32 s7, $0xE;
	s30 =	sadd.s32 s6, s5;
	s8 =	sand.u32 $0x780, s8;
	vm5 =	vcmask $0x3330;
	v3 =	vcombine.low v4, v3;
	v4 =	vunpack.c.l.s4.s8 v6  }
0x13: {  	s10 =	ssub.s32 s4, s31;
	s7 =	sand.u32 $0x1F8000, s7;
	s8 =	sor.u32 s9, s8;
	vm11 =	vmor vm1, vm9;
	v2 =	vcombine.low v2, v0;
	v5 =	vunpack.c.0.s8.s32 v5  }
0x14: {  	s3 =	sadd.s32 s7, s3;
	s7 =	sadd.s32 $0x1200, s30;
	s9 =	simm.s32 $0x10000;
	v0 =	vlaneseq.u32;
	v1 =	vand.u32 $0xF, v1;
	v4 =	vunpack.c.0.s8.s32 v4  }
0x15: {  	s8 =	sadd.s32 s8, s5;
	s5 =	sadd.s32 $0x10, s3;
	s6 =	sadd.s32 $0x20, s3;
	vm4 =	vmor vm4, vm5;
	vm5 =	vcmask $0x330;
	v5 =	vand.u32 $0xF, v5  }
0x16: {  	s4 =	sadd.s32 $0xA00, s8;
	s8 =	smax.u32 s10, $0x1;
	s10 =	simm.s32 $0x3;
	v2 =	vand.u32 $0xF, v2;
	v3 =	vand.u32 $0xF, v3;
	v4 =	vcombine.low v5, v4  }
.LBB2_1:
0x17: {  	[tilespmem:s9], [sflag:$0x3] =	stream.linear.gather [hbm4b:s4+s2], $0x80, $0x38;
	[tilespmem:$0x10100] =	vst v63  }
0x18: {  	v5 =	vimm.f32 $0.0e+00;
	v6 =	vimm.s32 $0x0;
	_ =	swait.ge [sflag:s10], $0x80  }
0x19: {  	v7 =	vimm.s32 $0x0;
	v9 =	vimm.s32 $0x0;
	v8 =	vimm.s32 $0x0;
	[sflag:s10] =	ssyncset.done $0x0  }
0x1a: {  	v10 =	vimm.s32 $0x0;
	v11 =	vimm.f32 $0.0e+00;
	v12 =	vimm.f32 $0.0e+00;
	p1 =	por $0x1, $0x1;
	s18 =	simm.s32 $0x0;
	[sflag:s10] =	ssyncadd.s32 $0xFFFFFF80  }
0x1b: {  	v13 =	vimm.f32 $0.0e+00;
	v15 =	vimm.f32 $0.0e+00;
	v14 =	vimm.f32 $0.0e+00;
	[tilespmem:s2], [sflag:$0x1] =	stream.strided.gather [hbm4b:s3+s11], $0x8000, s12, s11, $0x38;
	[tilespmem:$0x10100] =	vst v63  }
.LBB2_2:
0x1c: {  	_ =	swait.ge [sflag:s13], $0x8000  }
0x1d: {  	s19 =	sshll.u32 s18, $0x5;
	[sflag:s13] =	ssyncset.done $0x0  }
0x1e: {  	s30 =	simm.s32 $0x20;
	s19 =	sadd.s32 s19, s5;
	[sflag:s13] =	ssyncadd.s32 $0xFFFF8000  }
0x1f: {  	[tilespmem:s14], [sflag:$0x2] =	stream.strided.gather [hbm4b:s19+s11], $0x8000, s12, s11, $0x38;
	[tilespmem:$0x10100] =	vst v63  }
0x20: {  	v18 =	vld [tilespmem:s30+$0xFFFFFFF0]  }
0x21: {  	v16 =	vld [tilespmem:s30+$0xFFFFFFE0];
	_ =	sdelay $0x1  }
0x22: {  	v17 =	vld [tilespmem:s30+$0x10]  }
0x23: {  	v19 =	vld [tilespmem:s30+$0x0]  }
0x24: {  	v20 =	vmul.f32 $1.442695020e+00, v18  }
0x25: {  	v21 =	vmul.f32 $1.442695020e+00, v16  }
0x26: {  	(erf) = vpow2.f32 v20  }
0x27: {  	v20 =	vmul.f32 $1.442695020e+00, v17;
	(erf) = vpow2.f32 v21  }
0x28: {  	v22 =	vimm.f32 $-Inf;
	v21 =	vmul.f32 $1.442695020e+00, v19  }
0x29: {  	s19 =	simm.s32 $0x0;
	vm9 =	vgt.f32 v16, v22;
	(erf) = vpow2.f32 v20  }
0x2a: {  	v20 =	vor.u32 s19, v0;
	(erf) = vpow2.f32 v21;
	v21 =	vsel vm9, v16, v22  }
0x2b: {  	v20 =	vsel vm9, v20, v6;
	v22 =	vsel vm9, v22, v21  }
0x2c: {  	v24 =	vsel vm9, v6, v20;
	vm9 =	vgt.f32 v18, v22  }
0x2d: {  	s21 =	simm.s32 $0x10;
	v25 =	vsel vm9, v18, v22  }
0x2e: {  	s20 =	simm.s32 $0x30;
	s31 =	simm.s32 $0x20;
	v23 =	vor.u32 s21, v0  }
0x2f: {  	v32 =	vor.u32 s31, v0;
	v16 =	vor.u32 s20, v0;
	vm10 =	vgt.f32 v18, v21;
	v27 =	vpop (erf)  }
0x30: {  	v26 =	vsel vm9, v23, v24;
	v29 =	vsel vm10, v21, v25;
	v22 =	vsel vm9, v22, v25;
	v25 =	vpop (erf)  }
0x31: {  	v24 =	vsel vm9, v24, v26;
	v21 =	vsel vm10, v18, v21;
	v18 =	vadd.f32 v25, v5  }
0x32: {  	v30 =	vsel vm10, v20, v26;
	vm13 =	vgt.f32 v19, v22;
	vm15 =	vgt.f32 v19, v21  }
0x33: {  	v28 =	vsel vm15, v19, v21;
	v18 =	vadd.f32 v27, v18;
	v27 =	vsel vm10, v23, v20;
	v23 =	vpop (erf)  }
0x34: {  	v31 =	vsel vm13, v19, v22;
	v26 =	vsel vm13, v32, v24;
	vm9 =	vgt.f32 v17, v28;
	v20 =	vpop (erf)  }
0x35: {  	vm10 =	vgt.f32 v19, v29;
	v25 =	vsel vm15, v32, v27;
	v33 =	vadd.f32 v20, v18  }
0x36: {  	v18 =	vsel vm13, v24, v26;
	v20 =	vsel vm13, v22, v31;
	v22 =	vsel vm10, v19, v29  }
0x37: {  	v19 =	vsel vm10, v30, v26;
	v26 =	vsel vm15, v21, v22;
	v22 =	vsel vm10, v29, v31  }
0x38: {  	v21 =	vsel vm10, v32, v30;
	vm14 =	vgt.f32 v17, v20;
	v23 =	vadd.f32 v23, v33  }
0x39: {  	p0 =	por p1, p1;
	s21 =	simm.s32 $0x60;
	s20 =	simm.s32 $0x0;
	v24 =	vsel vm15, v27, v21;
	vm15 =	vgt.f32 v17, v26;
	v27 =	vsel vm9, v17, v28  }
.LBB2_3:
0x3a: {  	v21 =	vld [tilespmem:s21+$0xFFFFFFF0];
	s20 =	sadd.s32 $0x4, s20;
	v29 =	vsel vm15, v17, v26;
	v30 =	vsel vm15, v16, v24;
	v31 =	vsel vm9, v16, v25;
	s19 =	sadd.s32 $0x40, s19  }
0x3b: {  	vm10 =	vgt.f32 v17, v22;
	v32 =	vld [tilespmem:s21+$0x10];
	p1 =	slt.u32 s20, $0x7FC;
	v28 =	vsel vm9, v28, v29;
	v25 =	vsel vm9, v25, v30  }
0x3c: {  	v20 =	vsel vm14, v17, v20;
	v18 =	vsel vm14, v16, v18;
	v17 =	vsel vm10, v17, v22;
	v29 =	vld [tilespmem:s21+$0xFFFFFFE0]  }
0x3d: {  	v20 =	vsel vm10, v22, v20;
	v18 =	vsel vm10, v19, v18;
	v16 =	vsel vm10, v16, v19;
	v30 =	vld [tilespmem:s21+$0x0]  }
0x3e: {  	s22 =	sadd.s32 $0x30, s19;
	v19 =	vsel vm15, v26, v17;
	v22 =	vsel vm15, v24, v16  }
0x3f: {  	s23 =	sadd.s32 $0x10, s19;
	v16 =	vor.u32 s22, v0;
	v24 =	vmul.f32 $1.442695020e+00, v21  }
0x40: {  	v26 =	vor.u32 s19, v0;
	v33 =	vor.u32 s23, v0;
	v34 =	vmul.f32 $1.442695020e+00, v32;
	v17 =	vmovc v32  }
0x41: {  	v32 =	vmul.f32 $1.442695020e+00, v29;
	vm9 =	vgt.f32 v29, v28;
	vm10 =	vgt.f32 v29, v19  }
0x42: {  	vm13 =	vgt.f32 v29, v20;
	v35 =	vsel vm10, v26, v22;
	v36 =	vmul.f32 $1.442695020e+00, v30  }
0x43: {  	v20 =	vsel vm13, v29, v20;
	v37 =	vsel vm9, v26, v25;
	(erf) = vpow2.f32 v24  }
0x44: {  	v20 =	vsel vm10, v19, v20;
	v24 =	vsel vm9, v25, v35;
	(erf) = vpow2.f32 v32  }
0x45: {  	vm14 =	vgt.f32 v29, v27;
	v18 =	vsel vm13, v26, v18;
	vm15 =	vgt.f32 v21, v20  }
0x46: {  	v19 =	vsel vm10, v29, v19;
	v25 =	vsel vm9, v29, v28;
	v20 =	vsel vm15, v21, v20  }
0x47: {  	v19 =	vsel vm9, v28, v19;
	v28 =	vsel vm14, v29, v27;
	(erf) = vpow2.f32 v34  }
0x48: {  	v18 =	vsel vm10, v22, v18;
	v22 =	vsel vm14, v27, v25;
	(erf) = vpow2.f32 v36  }
0x49: {  	v27 =	vsel vm14, v31, v37;
	vm13 =	vgt.f32 v21, v22;
	vm9 =	vgt.f32 v21, v19  }
0x4a: {  	v18 =	vsel vm15, v33, v18;
	v29 =	vsel vm13, v33, v27;
	v34 =	vsel vm13, v21, v22  }
0x4b: {  	v26 =	vsel vm14, v26, v31;
	vm14 =	vgt.f32 v21, v28;
	v18 =	vsel vm9, v24, v18  }
0x4c: {  	v31 =	vsel vm9, v21, v19;
	v21 =	vsel vm14, v21, v28;
	v32 =	vsel vm14, v28, v34;
	v25 =	vpop (erf)  }
0x4d: {  	v19 =	vsel vm9, v19, v20;
	v29 =	vsel vm14, v26, v29;
	vm10 =	vgt.f32 v30, v21;
	v20 =	vpop (erf)  }
0x4e: {  	v20 =	vadd.f32 v20, v23;
	v23 =	vsel vm9, v33, v24;
	vm9 =	vgt.f32 v30, v19  }
0x4f: {  	s22 =	sadd.s32 $0x20, s19;
	v22 =	vsel vm13, v22, v31;
	v28 =	vsel vm10, v30, v21;
	v19 =	vsel vm9, v30, v19  }
0x50: {  	v31 =	vor.u32 s22, v0;
	v24 =	vsel vm14, v33, v26;
	v20 =	vadd.f32 v25, v20;
	v26 =	vpop (erf)  }
0x51: {  	v18 =	vsel vm9, v31, v18;
	vm9 =	vgt.f32 v17, v28;
	v25 =	vsel vm10, v31, v24;
	v33 =	vpop (erf)  }
0x52: {  	v23 =	vsel vm13, v27, v23;
	vm13 =	vgt.f32 v30, v22;
	v27 =	vadd.f32 v33, v20  }
.Ltmp0:
0x53: {  	vm14 =	vgt.f32 v30, v32;
	v18 =	vsel vm13, v23, v18;
	v33 =	vsel vm13, v31, v23;
	(pc) =	sbr.rel @p1 .LBB2_3-.Ltmp0, $4  }
0x54: {  	v34 =	vsel vm14, v30, v32;
	v20 =	vsel vm13, v22, v19;
	v23 =	vadd.f32 v26, v27  }
0x55: {  	v22 =	vsel vm13, v30, v22;
	v19 =	vsel vm14, v29, v33;
	v26 =	vsel vm10, v21, v34  }
0x56: {  	v22 =	vsel vm14, v32, v22;
	v21 =	vsel vm14, v31, v29;
	vm14 =	vgt.f32 v17, v20  }
0x57: {  	s21 =	sadd.s32 $0x40, s21;
	v27 =	vsel vm9, v17, v28;
	v24 =	vsel vm10, v24, v21;
	vm15 =	vgt.f32 v17, v26  }
0x58: {  	v21 =	vperm.xlane v27, v1;
	_ =	sdelay $0x1  }
0x59: {  	v21 =	vmax.f32 v27, v21  }
0x5a: {  	v29 =	vperm.xlane v21, v2;
	_ =	sdelay $0x1  }
0x5b: {  	v21 =	vmax.f32 v21, v29  }
0x5c: {  	v29 =	vperm.xlane v21, v3;
	_ =	sdelay $0x1  }
0x5d: {  	v21 =	vmax.f32 v21, v29  }
0x5e: {  	v29 =	vperm.xlane v21, v4;
	_ =	sdelay $0x1  }
0x5f: {  	v21 =	vmax.f32 v21, v29  }
0x60: {  	v29 =	vsel vm9, v16, v25;
	vm10 =	veq.f32 v27, v21  }
0x61: {  	v30 =	vnsel vm10, $0x8000, v29  }
0x62: {  	v31 =	vperm.xlane v30, v1;
	_ =	sdelay $0x1  }
0x63: {  	vm13 =	vlt.s32 v30, v31  }
0x64: {  	v30 =	vsel vm13, v30, v31  }
0x65: {  	v31 =	vperm.xlane v30, v2;
	_ =	sdelay $0x1  }
0x66: {  	vm13 =	vlt.s32 v30, v31  }
0x67: {  	v30 =	vsel vm13, v30, v31  }
0x68: {  	v31 =	vperm.xlane v30, v3;
	_ =	sdelay $0x1  }
0x69: {  	vm13 =	vlt.s32 v30, v31  }
0x6a: {  	v30 =	vsel vm13, v30, v31  }
0x6b: {  	v31 =	vperm.xlane v23, v1;
	v32 =	vperm.xlane v30, v4;
	_ =	sdelay $0x1  }
0x6c: {  	v31 =	vadd.f32 v31, v23;
	vm13 =	vlt.s32 v30, v32  }
0x6d: {  	v23 =	vsel vm13, v30, v32  }
0x6e: {  	v30 =	vsel vm15, v17, v26;
	v43 =	vperm.xlane v31, v2;
	vm13 =	veq.s32 v29, v23  }
0x6f: {  	v28 =	vsel vm9, v28, v30;
	vm13 =	vmand vm10, vm13  }
0x70: {  	v30 =	vadd.f32 v43, v31;
	v27 =	vsel vm13, v28, v27  }
0x71: {  	v31 =	vperm.xlane v27, v1  }
0x72: {  	v32 =	vperm.xlane v30, v3  }
0x73: {  	v31 =	vmax.f32 v27, v31  }
0x74: {  	v30 =	vadd.f32 v32, v30;
	v44 =	vperm.xlane v31, v2;
	_ =	sdelay $0x1  }
0x75: {  	v33 =	vperm.xlane v30, v4;
	v31 =	vmax.f32 v31, v44  }
0x76: {  	v32 =	vperm.xlane v31, v3  }
0x77: {  	v30 =	vadd.f32 v33, v30  }
0x78: {  	v31 =	vmax.f32 v31, v32  }
0x79: {  	v45 =	vand.u32 $0x7FFFFF, v30;
	v46 =	vperm.xlane v31, v4  }
0x7a: {  	v34 =	vsel vm15, v16, v24;
	v32 =	vor.u32 $0x3F800000, v45  }
0x7b: {  	v34 =	vsel vm9, v25, v34;
	v32 =	vadd.f32 $-1.000000000e+00, v32;
	v25 =	vmax.f32 v31, v46  }
0x7c: {  	v29 =	vsel vm13, v34, v29;
	vm10 =	veq.f32 v27, v25  }
0x7d: {  	v31 =	vmul.f32 $3.333333430e-01, v32;
	v47 =	vnsel vm10, $0x8000, v29  }
0x7e: {  	v35 =	vperm.xlane v47, v1  }
0x7f: {  	v31 =	vadd.f32 $-5.000000000e-01, v31  }
0x80: {  	v36 =	vshrl.u32 v30, $0x17;
	vm9 =	vlt.s32 v47, v35  }
0x81: {  	v36 =	vand.u32 $0xFF, v36;
	v31 =	vmul.f32 v31, v32;
	v33 =	vsel vm9, v47, v35  }
0x82: {  	v48 =	vadd.s32 $0xFFFFFF81, v36;
	v49 =	vperm.xlane v33, v2  }
0x83: {  	v35 =	vcvt.s32.f32 v48;
	v31 =	vadd.f32 $1.000000000e+00, v31  }
0x84: {  	vm9 =	vlt.s32 v33, v49  }
0x85: {  	v35 =	vmul.f32 $6.931471820e-01, v35;
	v31 =	vmul.f32 v31, v32;
	v50 =	vsel vm9, v33, v49  }
0x86: {  	v33 =	vperm.xlane v50, v3  }
0x87: {  	v31 =	vadd.f32 v31, v35  }
0x88: {  	vm9 =	vlt.s32 v50, v33  }
0x89: {  	v35 =	vsub.f32 $0.0e+00, v31;
	v32 =	vsel vm9, v50, v33  }
0x8a: {  	v33 =	vperm.xlane v32, v4  }
0x8b: {  	v35 =	vmul.f32 $1.442695020e+00, v35  }
0x8c: {  	vm9 =	vgt.f32 v17, v22;
	vm1 =	vlt.s32 v32, v33  }
0x8d: {  	v51 =	vsel vm9, v17, v22;
	(erf) = vpow2.f32 v35;
	v32 =	vsel vm1, v32, v33  }
0x8e: {  	v26 =	vsel vm15, v26, v51;
	vm1 =	veq.s32 v29, v32  }
0x8f: {  	v28 =	vsel vm13, v26, v28;
	vm10 =	vmand vm10, vm1  }
0x90: {  	v27 =	vsel vm10, v28, v27  }
0x91: {  	v52 =	vperm.xlane v27, v1;
	_ =	sdelay $0x1  }
0x92: {  	v33 =	vmax.f32 v27, v52  }
0x93: {  	v53 =	vperm.xlane v33, v2;
	_ =	sdelay $0x1  }
0x94: {  	v54 =	vpop (erf);
	v33 =	vmax.f32 v33, v53  }
0x95: {  	v55 =	vmul.f32 v54, v30;
	v56 =	vperm.xlane v33, v3;
	_ =	sdelay $0x1  }
0x96: {  	v31 =	vadd.f32 v55, v31;
	v33 =	vmax.f32 v33, v56  }
0x97: {  	v57 =	vsel vm9, v16, v19;
	v36 =	vperm.xlane v33, v4  }
0x98: {  	v24 =	vsel vm15, v24, v57;
	v31 =	vadd.f32 $-1.000000000e+00, v31  }
0x99: {  	v34 =	vsel vm13, v24, v34;
	v33 =	vmax.f32 v33, v36  }
0x9a: {  	v29 =	vsel vm10, v34, v29;
	v58 =	vsub.f32 $0.0e+00, v31;
	vm1 =	veq.f32 v27, v33  }
0x9b: {  	v59 =	vnsel vm1, $0x8000, v29  }
0x9c: {  	v35 =	vmul.f32 $1.442695020e+00, v58;
	v37 =	vperm.xlane v59, v1;
	_ =	sdelay $0x1  }
0x9d: {  	(erf) = vpow2.f32 v35;
	vm15 =	vlt.s32 v59, v37  }
0x9e: {  	v60 =	vsel vm15, v59, v37  }
0x9f: {  	v36 =	vperm.xlane v60, v2;
	_ =	sdelay $0x1  }
0xa0: {  	vm15 =	vlt.s32 v60, v36  }
0xa1: {  	v35 =	vsel vm15, v60, v36  }
0xa2: {  	v36 =	vperm.xlane v35, v3;
	_ =	sdelay $0x1  }
0xa3: {  	vm15 =	vlt.s32 v35, v36  }
0xa4: {  	v61 =	vpop (erf);
	v35 =	vsel vm15, v35, v36  }
0xa5: {  	v36 =	vmul.f32 v61, v30;
	v62 =	vperm.xlane v35, v4;
	_ =	sdelay $0x1  }
0xa6: {  	v17 =	vsel vm14, v17, v20;
	v20 =	vadd.f32 v36, v31;
	vm15 =	vlt.s32 v35, v62  }
0xa7: {  	v17 =	vsel vm9, v22, v17;
	v22 =	vsel vm15, v35, v62  }
0xa8: {  	v17 =	vsel vm13, v17, v26;
	v20 =	vadd.f32 $-1.000000000e+00, v20;
	vm15 =	veq.s32 v29, v22  }
0xa9: {  	v17 =	vsel vm10, v17, v28;
	vm1 =	vmand vm1, vm15  }
0xaa: {  	v26 =	vsub.f32 $0.0e+00, v20;
	v17 =	vsel vm1, v17, v27  }
0xab: {  	v27 =	vperm.xlane v17, v1  }
0xac: {  	v26 =	vmul.f32 $1.442695020e+00, v26  }
0xad: {  	v27 =	vmax.f32 v17, v27  }
0xae: {  	(erf) = vpow2.f32 v26;
	v26 =	vperm.xlane v27, v2;
	_ =	sdelay $0x1  }
0xaf: {  	v26 =	vmax.f32 v27, v26  }
0xb0: {  	v27 =	vperm.xlane v26, v3;
	_ =	sdelay $0x1  }
0xb1: {  	v16 =	vsel vm14, v16, v18;
	v18 =	vmax.f32 v26, v27  }
0xb2: {  	v16 =	vsel vm9, v19, v16;
	v19 =	vperm.xlane v18, v4  }
0xb3: {  	v16 =	vsel vm13, v16, v24  }
0xb4: {  	v16 =	vsel vm10, v16, v34;
	v18 =	vmax.f32 v18, v19  }
0xb5: {  	v16 =	vsel vm1, v16, v29;
	vm1 =	veq.f32 v17, v18  }
0xb6: {  	v16 =	vnsel vm1, $0x8000, v16  }
0xb7: {  	v17 =	vperm.xlane v16, v1  }
0xb8: {  	v19 =	vpop (erf)  }
0xb9: {  	_ =	swait.ge [sflag:s15], $0x8000;
	vm1 =	vlt.s32 v16, v17  }
0xba: {  	s19 =	simm.s32 @p0 $0x80;
	s20 =	simm.s32 @p0 $0x400;
	v19 =	vmul.f32 v19, v30;
	[sflag:s15] =	ssyncset.done $0x0;
	v16 =	vsel vm1, v16, v17  }
0xbb: {  	s21 =	simm.s32 @p0 $0x0;
	s26 =	simm.s32 $0x8020;
	[sflag:s15] =	ssyncadd.s32 $0xFFFF8000;
	v17 =	vperm.xlane v16, v2  }
0xbc: {  	v19 =	vadd.f32 v19, v20;
	[tilespmem:s21], [sflag:$0x1] =	stream.strided.gather @p0 [hbm4b:s6+s19], $0x8000, s20, s19, $0x38;
	[tilespmem:$0x10100] =	vst v63  }
0xbd: {  	s28 =	sshll.u32 s18, $0x1;
	v20 =	vld [tilespmem:s26+$0xFFFFFFF0];
	vm1 =	vlt.s32 v16, v17  }
0xbe: {  	v26 =	vmov s28;
	v24 =	vld [tilespmem:s26+$0xFFFFFFE0];
	v19 =	vadd.f32 $-1.000000000e+00, v19;
	v17 =	vsel vm1, v16, v17  }
0xbf: {  	vm1 =	veq.s32 v26, v0;
	v26 =	vperm.xlane v17, v3  }
0xc0: {  	v16 =	vld [tilespmem:s26+$0x10];
	v14 =	vsel vm1, v19, v14;
	v15 =	vsel vm1, v21, v15;
	v10 =	vsel vm1, v23, v10  }
0xc1: {  	v19 =	vld [tilespmem:s26+$0x0];
	v13 =	vsel vm1, v25, v13;
	v8 =	vsel vm1, v32, v8;
	vm9 =	vlt.s32 v17, v26  }
0xc2: {  	v12 =	vsel vm1, v33, v12;
	v21 =	vmul.f32 $1.442695020e+00, v20;
	v17 =	vsel vm9, v17, v26  }
0xc3: {  	v9 =	vsel vm1, v22, v9;
	v23 =	vmul.f32 $1.442695020e+00, v24;
	v25 =	vperm.xlane v17, v4  }
0xc4: {  	v11 =	vsel vm1, v18, v11;
	v22 =	vimm.f32 $-Inf;
	(erf) = vpow2.f32 v21  }
0xc5: {  	s19 =	simm.s32 $0x0;
	(erf) = vpow2.f32 v23;
	v21 =	vmul.f32 $1.442695020e+00, v16;
	vm9 =	vlt.s32 v17, v25  }
0xc6: {  	v23 =	vor.u32 s19, v0;
	v18 =	vmul.f32 $1.442695020e+00, v19;
	v17 =	vsel vm9, v17, v25  }
0xc7: {  	(erf) = vpow2.f32 v21;
	v7 =	vsel vm1, v17, v7;
	vm1 =	vgt.f32 v24, v22  }
0xc8: {  	(erf) = vpow2.f32 v18;
	v18 =	vimm.s32 $0x0;
	v24 =	vsel vm1, v24, v22  }
0xc9: {  	v23 =	vsel vm1, v23, v18;
	v22 =	vsel vm1, v22, v24  }
0xca: {  	v18 =	vsel vm1, v18, v23;
	vm1 =	vgt.f32 v20, v22  }
0xcb: {  	s30 =	simm.s32 $0x10;
	v26 =	vsel vm1, v20, v22  }
0xcc: {  	s29 =	simm.s32 $0x30;
	v21 =	vimm.f32 $0.0e+00;
	v25 =	vor.u32 s30, v0  }
0xcd: {  	v17 =	vor.u32 s29, v0;
	vm9 =	vgt.f32 v20, v24;
	v27 =	vsel vm1, v25, v18;
	v28 =	vpop (erf)  }
0xce: {  	v25 =	vsel vm9, v25, v23;
	v30 =	vsel vm9, v24, v26;
	v22 =	vsel vm1, v22, v26;
	v26 =	vpop (erf)  }
0xcf: {  	v18 =	vsel vm1, v18, v27;
	v24 =	vsel vm9, v20, v24;
	v20 =	vadd.f32 v26, v21  }
0xd0: {  	v31 =	vsel vm9, v23, v27;
	vm1 =	vgt.f32 v19, v22;
	vm10 =	vgt.f32 v19, v24  }
0xd1: {  	s31 =	simm.s32 $0x20;
	vm13 =	vgt.f32 v19, v30;
	v29 =	vsel vm10, v19, v24;
	v23 =	vpop (erf);
	v20 =	vadd.f32 v28, v20  }
0xd2: {  	v21 =	vsel vm1, v19, v22;
	vm9 =	vgt.f32 v16, v29;
	v63 =	vpop (erf);
	v28 =	vor.u32 s31, v0  }
0xd3: {  	v26 =	vsel vm1, v28, v18;
	v27 =	vsel vm10, v28, v25;
	v32 =	vadd.f32 v63, v20  }
0xd4: {  	v18 =	vsel vm1, v18, v26;
	v20 =	vsel vm1, v22, v21;
	v22 =	vsel vm13, v19, v30  }
0xd5: {  	v19 =	vsel vm13, v31, v26;
	v21 =	vsel vm13, v30, v21;
	v26 =	vsel vm10, v24, v22  }
0xd6: {  	v22 =	vsel vm13, v28, v31;
	vm14 =	vgt.f32 v16, v20;
	v28 =	vsel vm9, v16, v29  }
0xd7: {  	s18 =	sshllo.u32 s18, $0x1;
	s20 =	simm.s32 $0x0;
	s21 =	simm.s32 $0x8060;
	v23 =	vadd.f32 v23, v32;
	v25 =	vsel vm10, v25, v22;
	vm15 =	vgt.f32 v16, v26  }
.LBB2_5:
0xd8: {  	v22 =	vld [tilespmem:s21+$0xFFFFFFF0];
	s20 =	sadd.s32 $0x4, s20;
	v24 =	vsel vm15, v16, v26;
	v30 =	vsel vm15, v17, v25;
	v31 =	vsel vm9, v17, v27;
	s19 =	sadd.s32 $0x40, s19  }
0xd9: {  	vm1 =	vgt.f32 v16, v21;
	v32 =	vld [tilespmem:s21+$0x10];
	p1 =	slt.u32 s20, $0x7FC;
	v24 =	vsel vm9, v29, v24;
	v27 =	vsel vm9, v27, v30  }
0xda: {  	v20 =	vsel vm14, v16, v20;
	v18 =	vsel vm14, v17, v18;
	v16 =	vsel vm1, v16, v21;
	v29 =	vld [tilespmem:s21+$0xFFFFFFE0]  }
0xdb: {  	v20 =	vsel vm1, v21, v20;
	v18 =	vsel vm1, v19, v18;
	v17 =	vsel vm1, v17, v19;
	v30 =	vld [tilespmem:s21+$0x0]  }
0xdc: {  	s22 =	sadd.s32 $0x30, s19;
	v19 =	vsel vm15, v26, v16;
	v21 =	vsel vm15, v25, v17  }
0xdd: {  	s23 =	sadd.s32 $0x10, s19;
	v17 =	vor.u32 s22, v0;
	v25 =	vmul.f32 $1.442695020e+00, v22  }
0xde: {  	v26 =	vor.u32 s19, v0;
	v33 =	vor.u32 s23, v0;
	v34 =	vmul.f32 $1.442695020e+00, v32;
	v16 =	vmovc v32  }
0xdf: {  	v32 =	vmul.f32 $1.442695020e+00, v29;
	vm1 =	vgt.f32 v29, v24;
	vm9 =	vgt.f32 v29, v19  }
0xe0: {  	vm10 =	vgt.f32 v29, v20;
	v35 =	vsel vm9, v26, v21;
	v36 =	vmul.f32 $1.442695020e+00, v30  }
0xe1: {  	v20 =	vsel vm10, v29, v20;
	v37 =	vsel vm1, v26, v27;
	(erf) = vpow2.f32 v25  }
0xe2: {  	v20 =	vsel vm9, v19, v20;
	v25 =	vsel vm1, v27, v35;
	(erf) = vpow2.f32 v32  }
0xe3: {  	vm14 =	vgt.f32 v29, v28;
	v18 =	vsel vm10, v26, v18;
	vm10 =	vgt.f32 v22, v20  }
0xe4: {  	v19 =	vsel vm9, v29, v19;
	v27 =	vsel vm1, v29, v24;
	v20 =	vsel vm10, v22, v20  }
0xe5: {  	v19 =	vsel vm1, v24, v19;
	v24 =	vsel vm14, v29, v28;
	(erf) = vpow2.f32 v34  }
0xe6: {  	v18 =	vsel vm9, v21, v18;
	v21 =	vsel vm14, v28, v27;
	(erf) = vpow2.f32 v36  }
0xe7: {  	v28 =	vsel vm14, v31, v37;
	vm13 =	vgt.f32 v22, v21;
	vm1 =	vgt.f32 v22, v19  }
0xe8: {  	v18 =	vsel vm10, v33, v18;
	v27 =	vsel vm13, v22, v21;
	v29 =	vsel vm13, v33, v28  }
0xe9: {  	v26 =	vsel vm14, v26, v31;
	vm9 =	vgt.f32 v22, v24;
	v18 =	vsel vm1, v25, v18  }
0xea: {  	v31 =	vsel vm1, v22, v19;
	v22 =	vsel vm9, v22, v24;
	v32 =	vsel vm9, v24, v27;
	v24 =	vpop (erf)  }
0xeb: {  	v19 =	vsel vm1, v19, v20;
	v34 =	vsel vm9, v26, v29;
	vm10 =	vgt.f32 v30, v22;
	v20 =	vpop (erf)  }
0xec: {  	v20 =	vadd.f32 v20, v23;
	v23 =	vsel vm1, v33, v25;
	vm1 =	vgt.f32 v30, v19  }
0xed: {  	s22 =	sadd.s32 $0x20, s19;
	v21 =	vsel vm13, v21, v31;
	v29 =	vsel vm10, v30, v22;
	v19 =	vsel vm1, v30, v19  }
0xee: {  	v25 =	vor.u32 s22, v0;
	v20 =	vadd.f32 v24, v20;
	v24 =	vsel vm9, v33, v26;
	v26 =	vpop (erf)  }
0xef: {  	v18 =	vsel vm1, v25, v18;
	vm9 =	vgt.f32 v16, v29;
	v27 =	vsel vm10, v25, v24;
	v31 =	vpop (erf)  }
0xf0: {  	v23 =	vsel vm13, v28, v23;
	vm1 =	vgt.f32 v30, v21;
	v28 =	vadd.f32 v31, v20  }
.Ltmp1:
0xf1: {  	vm13 =	vgt.f32 v30, v32;
	v18 =	vsel vm1, v23, v18;
	v31 =	vsel vm1, v25, v23;
	(pc) =	sbr.rel @p1 .LBB2_5-.Ltmp1, $4  }
0xf2: {  	v33 =	vsel vm13, v30, v32;
	v20 =	vsel vm1, v21, v19;
	v23 =	vadd.f32 v26, v28  }
0xf3: {  	v21 =	vsel vm1, v30, v21;
	v19 =	vsel vm13, v34, v31;
	v26 =	vsel vm10, v22, v33  }
0xf4: {  	v21 =	vsel vm13, v32, v21;
	vm14 =	vgt.f32 v16, v20;
	v22 =	vsel vm13, v25, v34  }
0xf5: {  	s21 =	sadd.s32 $0x40, s21;
	v28 =	vsel vm9, v16, v29;
	v25 =	vsel vm10, v24, v22;
	vm15 =	vgt.f32 v16, v26  }
0xf6: {  	v22 =	vperm.xlane v28, v1;
	_ =	sdelay $0x1  }
0xf7: {  	v22 =	vmax.f32 v28, v22  }
0xf8: {  	v24 =	vperm.xlane v22, v2;
	_ =	sdelay $0x1  }
0xf9: {  	v22 =	vmax.f32 v22, v24  }
0xfa: {  	v24 =	vperm.xlane v22, v3;
	_ =	sdelay $0x1  }
0xfb: {  	v22 =	vmax.f32 v22, v24  }
0xfc: {  	v24 =	vperm.xlane v22, v4;
	_ =	sdelay $0x1  }
0xfd: {  	v22 =	vmax.f32 v22, v24  }
0xfe: {  	v30 =	vsel vm9, v17, v27;
	vm1 =	veq.f32 v28, v22  }
0xff: {  	v53 =	vnsel vm1, $0x8000, v30  }
0x100: {  	v31 =	vperm.xlane v53, v1;
	_ =	sdelay $0x1  }
0x101: {  	vm10 =	vlt.s32 v53, v31  }
0x102: {  	v24 =	vsel vm10, v53, v31  }
0x103: {  	v31 =	vperm.xlane v24, v2;
	_ =	sdelay $0x1  }
0x104: {  	vm10 =	vlt.s32 v24, v31  }
0x105: {  	v24 =	vsel vm10, v24, v31  }
0x106: {  	v31 =	vperm.xlane v24, v3;
	_ =	sdelay $0x1  }
0x107: {  	vm10 =	vlt.s32 v24, v31  }
0x108: {  	v24 =	vsel vm10, v24, v31  }
0x109: {  	v31 =	vperm.xlane v24, v4;
	_ =	sdelay $0x1  }
0x10a: {  	vm10 =	vlt.s32 v24, v31  }
0x10b: {  	v24 =	vsel vm10, v24, v31  }
0x10c: {  	v54 =	vsel vm15, v16, v26;
	vm10 =	veq.s32 v30, v24  }
0x10d: {  	v29 =	vsel vm9, v29, v54;
	vm13 =	vmand vm1, vm10  }
0x10e: {  	v55 =	vsel vm13, v29, v28  }
0x10f: {  	v56 =	vperm.xlane v55, v1  }
0x110: {  	v32 =	vperm.xlane v23, v1  }
0x111: {  	v31 =	vmax.f32 v55, v56  }
0x112: {  	v23 =	vadd.f32 v32, v23;
	v57 =	vperm.xlane v31, v2;
	_ =	sdelay $0x1  }
0x113: {  	v33 =	vperm.xlane v23, v2;
	v31 =	vmax.f32 v31, v57  }
0x114: {  	v32 =	vperm.xlane v31, v3  }
0x115: {  	v23 =	vadd.f32 v33, v23  }
0x116: {  	v31 =	vmax.f32 v31, v32  }
0x117: {  	v58 =	vperm.xlane v23, v3;
	v59 =	vperm.xlane v31, v4  }
0x118: {  	v34 =	vsel vm15, v17, v25  }
0x119: {  	v60 =	vsel vm9, v27, v34;
	v23 =	vadd.f32 v58, v23;
	v31 =	vmax.f32 v31, v59  }
0x11a: {  	v30 =	vsel vm13, v60, v30;
	vm10 =	veq.f32 v55, v31  }
0x11b: {  	v32 =	vperm.xlane v23, v4;
	v61 =	vnsel vm10, $0x8000, v30  }
0x11c: {  	v62 =	vperm.xlane v61, v1  }
0x11d: {  	v23 =	vadd.f32 v32, v23  }
0x11e: {  	vm1 =	vlt.s32 v61, v62  }
0x11f: {  	v32 =	vand.u32 $0x7FFFFF, v23;
	v33 =	vsel vm1, v61, v62  }
0x120: {  	v32 =	vor.u32 $0x3F800000, v32;
	v34 =	vperm.xlane v33, v2  }
0x121: {  	v32 =	vadd.f32 $-1.000000000e+00, v32  }
0x122: {  	vm1 =	vlt.s32 v33, v34  }
0x123: {  	v35 =	vmul.f32 $3.333333430e-01, v32;
	v33 =	vsel vm1, v33, v34  }
0x124: {  	v34 =	vperm.xlane v33, v3  }
0x125: {  	v35 =	vadd.f32 $-5.000000000e-01, v35  }
0x126: {  	v36 =	vshrl.u32 v23, $0x17;
	vm1 =	vlt.s32 v33, v34  }
0x127: {  	v36 =	vand.u32 $0xFF, v36;
	v35 =	vmul.f32 v35, v32;
	v33 =	vsel vm1, v33, v34  }
0x128: {  	v63 =	vadd.s32 $0xFFFFFF81, v36;
	v40 =	vperm.xlane v33, v4  }
0x129: {  	vm9 =	vgt.f32 v16, v21;
	v35 =	vadd.f32 $1.000000000e+00, v35;
	v34 =	vcvt.s32.f32 v63  }
0x12a: {  	v37 =	vsel vm9, v16, v21;
	vm1 =	vlt.s32 v33, v40  }
0x12b: {  	v32 =	vmul.f32 v35, v32;
	v34 =	vmul.f32 $6.931471820e-01, v34;
	v33 =	vsel vm1, v33, v40  }
0x12c: {  	v41 =	vsel vm15, v26, v37;
	vm1 =	veq.s32 v30, v33  }
0x12d: {  	v29 =	vsel vm13, v41, v29;
	v32 =	vadd.f32 v32, v34;
	vm10 =	vmand vm10, vm1  }
0x12e: {  	v28 =	vsel vm10, v29, v55  }
0x12f: {  	v34 =	vsub.f32 $0.0e+00, v32;
	v42 =	vperm.xlane v28, v1;
	_ =	sdelay $0x1  }
0x130: {  	v34 =	vmul.f32 $1.442695020e+00, v34;
	v35 =	vmax.f32 v28, v42  }
0x131: {  	v43 =	vperm.xlane v35, v2  }
0x132: {  	(erf) = vpow2.f32 v34  }
0x133: {  	v44 =	vmax.f32 v35, v43  }
0x134: {  	v35 =	vperm.xlane v44, v3;
	_ =	sdelay $0x1  }
0x135: {  	v34 =	vmax.f32 v44, v35  }
0x136: {  	v45 =	vsel vm9, v17, v19;
	v46 =	vperm.xlane v34, v4  }
0x137: {  	v47 =	vsel vm15, v25, v45  }
0x138: {  	v27 =	vsel vm13, v47, v60;
	v34 =	vmax.f32 v34, v46  }
0x139: {  	v30 =	vsel vm10, v27, v30;
	vm1 =	veq.f32 v28, v34  }
0x13a: {  	v48 =	vpop (erf);
	v49 =	vnsel vm1, $0x8000, v30  }
0x13b: {  	v35 =	vmul.f32 v48, v23;
	v50 =	vperm.xlane v49, v1;
	_ =	sdelay $0x1  }
0x13c: {  	v32 =	vadd.f32 v35, v32;
	vm15 =	vlt.s32 v49, v50  }
0x13d: {  	v51 =	vsel vm15, v49, v50  }
0x13e: {  	v32 =	vadd.f32 $-1.000000000e+00, v32;
	v36 =	vperm.xlane v51, v2;
	_ =	sdelay $0x1  }
0x13f: {  	v52 =	vsub.f32 $0.0e+00, v32;
	vm15 =	vlt.s32 v51, v36  }
0x140: {  	v35 =	vsel vm15, v51, v36  }
0x141: {  	v53 =	vmul.f32 $1.442695020e+00, v52;
	v54 =	vperm.xlane v35, v3;
	_ =	sdelay $0x1  }
0x142: {  	(erf) = vpow2.f32 v53;
	vm15 =	vlt.s32 v35, v54  }
0x143: {  	v35 =	vsel vm15, v35, v54  }
0x144: {  	v55 =	vperm.xlane v35, v4;
	_ =	sdelay $0x1  }
0x145: {  	v16 =	vsel vm14, v16, v20;
	vm15 =	vlt.s32 v35, v55  }
0x146: {  	v16 =	vsel vm9, v21, v16;
	v56 =	vsel vm15, v35, v55  }
0x147: {  	v16 =	vsel vm13, v16, v41;
	vm15 =	veq.s32 v30, v56  }
0x148: {  	v16 =	vsel vm10, v16, v29;
	vm1 =	vmand vm1, vm15  }
0x149: {  	v16 =	vsel vm1, v16, v28  }
0x14a: {  	v57 =	vpop (erf);
	v58 =	vperm.xlane v16, v1  }
0x14b: {  	v21 =	vmul.f32 v57, v23  }
0x14c: {  	v26 =	vmax.f32 v16, v58  }
0x14d: {  	v21 =	vadd.f32 v21, v32;
	v59 =	vperm.xlane v26, v2;
	_ =	sdelay $0x1  }
0x14e: {  	v21 =	vadd.f32 $-1.000000000e+00, v21;
	v26 =	vmax.f32 v26, v59  }
0x14f: {  	v28 =	vperm.xlane v26, v3  }
0x150: {  	v60 =	vsub.f32 $0.0e+00, v21  }
0x151: {  	v17 =	vsel vm14, v17, v18;
	v61 =	vmax.f32 v26, v28  }
0x152: {  	v17 =	vsel vm9, v19, v17;
	v62 =	vmul.f32 $1.442695020e+00, v60;
	v26 =	vperm.xlane v61, v4  }
0x153: {  	v17 =	vsel vm13, v17, v47  }
0x154: {  	v17 =	vsel vm10, v17, v27;
	(erf) = vpow2.f32 v62;
	v18 =	vmax.f32 v61, v26  }
0x155: {  	v17 =	vsel vm1, v17, v30;
	vm1 =	veq.f32 v16, v18  }
0x156: {  	v16 =	vnsel vm1, $0x8000, v17  }
0x157: {  	v17 =	vperm.xlane v16, v1;
	_ =	sdelay $0x1  }
0x158: {  	vm1 =	vlt.s32 v16, v17  }
0x159: {  	v16 =	vsel vm1, v16, v17  }
0x15a: {  	v17 =	vperm.xlane v16, v2;
	_ =	sdelay $0x1  }
0x15b: {  	v19 =	vpop (erf);
	vm1 =	vlt.s32 v16, v17  }
0x15c: {  	v19 =	vmul.f32 v19, v23;
	v16 =	vsel vm1, v16, v17  }
0x15d: {  	v17 =	vperm.xlane v16, v3  }
0x15e: {  	v19 =	vadd.f32 v19, v21  }
0x15f: {  	vm1 =	vlt.s32 v16, v17  }
0x160: {  	v63 =	vmov s18;
	v19 =	vadd.f32 $-1.000000000e+00, v19;
	v16 =	vsel vm1, v16, v17  }
.Ltmp2:
0x161: {  	vm1 =	veq.s32 v63, v0;
	v17 =	vperm.xlane v16, v4;
	(pc) =	sbr.rel @p0 .LBB2_2-.Ltmp2, $4  }
0x162: {  	v14 =	vsel vm1, v19, v14;
	v15 =	vsel vm1, v22, v15  }
0x163: {  	v10 =	vsel vm1, v24, v10;
	v13 =	vsel vm1, v31, v13;
	vm9 =	vlt.s32 v16, v17  }
0x164: {  	v8 =	vsel vm1, v33, v8;
	v12 =	vsel vm1, v34, v12;
	v16 =	vsel vm9, v16, v17  }
0x165: {  	p1 =	por $0x0, $0x0;
	s18 =	simm.s32 $0x1;
	v9 =	vsel vm1, v56, v9;
	v11 =	vsel vm1, v18, v11;
	v7 =	vsel vm1, v16, v7  }
0x166: {  	v5 =	vshrl.u32 v0, $0x2  }
0x167: {  	v6 =	vld [tilespmem:$0x10000];
	v12 =	vperm.xlane v12, v5;
	v11 =	vperm.xlane v11, v5  }
0x168: {  	v13 =	vperm.xlane v13, v5  }
0x169: {  	v15 =	vperm.xlane v15, v5;
	v11 =	vsel vm0, v11, v12  }
0x16a: {  	v43 =	vperm.xlane v14, v5;
	v11 =	vsel vm3, v11, v13  }
0x16b: {  	v11 =	vsel vm4, v15, v11  }
0x16c: {  	v45 =	vor.u32 $0x4, v5;
	v44 =	vperm.xlane v6, v5;
	v11 =	vsub.f32 v11, v43  }
0x16d: {  	v6 =	vperm.xlane v6, v45  }
0x16e: {  	v11 =	vadd.f32 v11, v44  }
0x16f: {  	vm1 =	veq.f32 v6, $0.0e+00;
	v6 =	vnsel vm4, $0xFF800000, v44  }
0x170: {  	v6 =	vsel vm1, v6, v11  }
0x171: {  	v11 =	vperm.xlane v6, v1;
	_ =	sdelay $0x1  }
0x172: {  	v11 =	vmax.f32 v6, v11  }
0x173: {  	v46 =	vperm.xlane v11, v2;
	_ =	sdelay $0x1  }
0x174: {  	v9 =	vperm.xlane v9, v5;
	v11 =	vmax.f32 v11, v46  }
0x175: {  	v7 =	vperm.xlane v7, v5;
	v12 =	vperm.xlane v11, v3  }
0x176: {  	v8 =	vperm.xlane v8, v5  }
0x177: {  	v10 =	vperm.xlane v10, v5;
	v7 =	vsel vm0, v7, v9;
	v47 =	vmax.f32 v11, v12  }
0x178: {  	v7 =	vsel vm3, v7, v8;
	v5 =	vmul.u32 $0x8000, v5;
	v48 =	vperm.xlane v47, v4  }
0x179: {  	v7 =	vsel vm4, v10, v7  }
0x17a: {  	v7 =	vor.u32 v5, v7;
	v8 =	vmax.f32 v47, v48  }
0x17b: {  	v5 =	vsel vm1, v5, v7;
	vm1 =	veq.f32 v6, v8  }
0x17c: {  	v7 =	vnsel vm1, $0x20000, v5  }
0x17d: {  	v49 =	vperm.xlane v7, v1;
	_ =	sdelay $0x1  }
0x17e: {  	vm1 =	vlt.s32 v7, v49  }
0x17f: {  	v7 =	vsel vm1, v7, v49  }
0x180: {  	v9 =	vperm.xlane v7, v2;
	_ =	sdelay $0x1  }
0x181: {  	vm1 =	vlt.s32 v7, v9  }
0x182: {  	v7 =	vsel vm1, v7, v9  }
0x183: {  	v9 =	vperm.xlane v7, v3;
	_ =	sdelay $0x1  }
0x184: {  	vm1 =	vlt.s32 v7, v9  }
0x185: {  	v7 =	vsel vm1, v7, v9  }
0x186: {  	v9 =	vperm.xlane v7, v4;
	_ =	sdelay $0x1  }
0x187: {  	vm1 =	vlt.s32 v7, v9  }
0x188: {  	v7 =	vsel vm1, v7, v9  }
0x189: {  	vm1 =	veq.s32 v5, v7  }
0x18a: {  	v6 =	vsel vm1, $0xFF800000, v6  }
0x18b: {  	v50 =	vperm.xlane v6, v1;
	_ =	sdelay $0x1  }
0x18c: {  	v9 =	vmax.f32 v6, v50  }
0x18d: {  	v51 =	vperm.xlane v9, v2;
	_ =	sdelay $0x1  }
0x18e: {  	v9 =	vmax.f32 v9, v51  }
0x18f: {  	v10 =	vperm.xlane v9, v3;
	_ =	sdelay $0x1  }
0x190: {  	v9 =	vmax.f32 v9, v10  }
0x191: {  	v10 =	vperm.xlane v9, v4;
	_ =	sdelay $0x1  }
0x192: {  	v9 =	vmax.f32 v9, v10  }
0x193: {  	vm1 =	veq.f32 v6, v9  }
0x194: {  	v52 =	vnsel vm1, $0x20000, v5  }
0x195: {  	v53 =	vperm.xlane v52, v1;
	_ =	sdelay $0x1  }
0x196: {  	vm1 =	vlt.s32 v52, v53  }
0x197: {  	v10 =	vsel vm1, v52, v53  }
0x198: {  	v11 =	vperm.xlane v10, v2;
	_ =	sdelay $0x1  }
0x199: {  	vm1 =	vlt.s32 v10, v11  }
0x19a: {  	v10 =	vsel vm1, v10, v11  }
0x19b: {  	v11 =	vperm.xlane v10, v3;
	_ =	sdelay $0x1  }
0x19c: {  	vm1 =	vlt.s32 v10, v11  }
0x19d: {  	v10 =	vsel vm1, v10, v11  }
0x19e: {  	v11 =	vperm.xlane v10, v4;
	_ =	sdelay $0x1  }
0x19f: {  	vm1 =	vlt.s32 v10, v11  }
0x1a0: {  	v10 =	vsel vm1, v10, v11  }
0x1a1: {  	vm1 =	veq.s32 v5, v10  }
0x1a2: {  	v6 =	vsel vm1, $0xFF800000, v6  }
0x1a3: {  	v54 =	vperm.xlane v6, v1;
	_ =	sdelay $0x1  }
0x1a4: {  	v11 =	vmax.f32 v6, v54  }
0x1a5: {  	v55 =	vperm.xlane v11, v2;
	_ =	sdelay $0x1  }
0x1a6: {  	v11 =	vmax.f32 v11, v55  }
0x1a7: {  	v12 =	vperm.xlane v11, v3;
	_ =	sdelay $0x1  }
0x1a8: {  	v11 =	vmax.f32 v11, v12  }
0x1a9: {  	v12 =	vperm.xlane v11, v4;
	_ =	sdelay $0x1  }
0x1aa: {  	v11 =	vmax.f32 v11, v12  }
0x1ab: {  	vm1 =	veq.f32 v6, v11  }
0x1ac: {  	v56 =	vnsel vm1, $0x20000, v5  }
0x1ad: {  	v57 =	vperm.xlane v56, v1;
	_ =	sdelay $0x1  }
0x1ae: {  	vm1 =	vlt.s32 v56, v57  }
0x1af: {  	v12 =	vsel vm1, v56, v57  }
0x1b0: {  	v13 =	vperm.xlane v12, v2;
	_ =	sdelay $0x1  }
0x1b1: {  	vm1 =	vlt.s32 v12, v13  }
0x1b2: {  	v12 =	vsel vm1, v12, v13  }
0x1b3: {  	v13 =	vperm.xlane v12, v3;
	_ =	sdelay $0x1  }
0x1b4: {  	vm1 =	vlt.s32 v12, v13  }
0x1b5: {  	v12 =	vsel vm1, v12, v13  }
0x1b6: {  	v13 =	vperm.xlane v12, v4;
	_ =	sdelay $0x1  }
0x1b7: {  	vm1 =	vlt.s32 v12, v13  }
0x1b8: {  	v12 =	vsel vm1, v12, v13  }
0x1b9: {  	vm1 =	veq.s32 v5, v12  }
0x1ba: {  	v6 =	vsel vm1, $0xFF800000, v6  }
0x1bb: {  	v58 =	vperm.xlane v6, v1;
	_ =	sdelay $0x1  }
0x1bc: {  	v13 =	vmax.f32 v6, v58  }
0x1bd: {  	v59 =	vperm.xlane v13, v2;
	_ =	sdelay $0x1  }
0x1be: {  	v13 =	vmax.f32 v13, v59  }
0x1bf: {  	v14 =	vperm.xlane v13, v3;
	_ =	sdelay $0x1  }
0x1c0: {  	v13 =	vmax.f32 v13, v14  }
0x1c1: {  	v14 =	vperm.xlane v13, v4;
	_ =	sdelay $0x1  }
0x1c2: {  	v13 =	vmax.f32 v13, v14  }
0x1c3: {  	vm1 =	veq.f32 v6, v13  }
0x1c4: {  	v5 =	vnsel vm1, $0x20000, v5  }
0x1c5: {  	v60 =	vperm.xlane v5, v1  }
0x1c6: {  	vm10 =	vcmask $0x1310;
	v6 =	vand.u32 $0x7FFF, v7;
	v7 =	vshra.s32 v7, $0xF  }
0x1c7: {  	v6 =	vcvt.s32.f32 v6;
	vm1 =	vmmov $0x1;
	vm9 =	vlt.s32 v5, v60  }
0x1c8: {  	v7 =	vcvt.s32.f32 v7;
	v8 =	vnsel vm1, $0x0, v8;
	v5 =	vsel vm9, v5, v60  }
0x1c9: {  	vm1 =	vmor vm5, vm10;
	v6 =	vsel vm5, v8, v6;
	v61 =	vperm.xlane v5, v2  }
0x1ca: {  	v62 =	vshra.s32 v12, $0xF;
	v6 =	vsel vm1, v6, v7  }
0x1cb: {  	v7 =	vand.u32 $0x7FFF, v10;
	v10 =	vshra.s32 v10, $0xF;
	vm9 =	vlt.s32 v5, v61  }
0x1cc: {  	vm1 =	vmor vm1, vm2;
	v7 =	vcvt.s32.f32 v7;
	v5 =	vsel vm9, v5, v61  }
0x1cd: {  	v10 =	vcvt.s32.f32 v10;
	vm9 =	vmor vm6, vm10;
	v8 =	vperm.xlane v5, v3  }
0x1ce: {  	v6 =	vsel vm1, v6, v9;
	vm1 =	vmor vm9, vm2;
	vm9 =	vmor vm6, vm7  }
0x1cf: {  	v6 =	vsel vm1, v6, v7;
	vm1 =	vmor vm9, vm2;
	vm10 =	vlt.s32 v5, v8  }
0x1d0: {  	v7 =	vand.u32 $0x7FFF, v12;
	v6 =	vsel vm1, v6, v10;
	v5 =	vsel vm10, v5, v8  }
0x1d1: {  	vm1 =	vmor vm9, vm8;
	vm9 =	vcmask $0xB30;
	v63 =	vperm.xlane v5, v4  }
0x1d2: {  	v7 =	vcvt.s32.f32 v7;
	v8 =	vcvt.s32.f32 v62;
	vm9 =	vmor vm9, vm7  }
0x1d3: {  	v6 =	vsel vm1, v6, v11;
	vm1 =	vmor vm9, vm8;
	vm9 =	vlt.s32 v5, v63  }
0x1d4: {  	v6 =	vsel vm1, v6, v7;
	vm1 =	vmor vm11, vm8;
	v5 =	vsel vm9, v5, v63  }
0x1d5: {  	v6 =	vsel vm1, v6, v8;
	vm1 =	vcmask $0x2B20;
	v7 =	vand.u32 $0x7FFF, v5  }
0x1d6: {  	vm1 =	vmor vm11, vm1;
	v5 =	vshra.s32 v5, $0xF;
	v7 =	vcvt.s32.f32 v7  }
0x1d7: {  	v6 =	vsel vm1, v6, v13;
	v5 =	vcvt.s32.f32 v5  }
0x1d8: {  	s17 =	sadd.s32 $0x1, s17;
	vm1 =	vcmask $0x2B30;
	v6 =	vsel vm12, v6, v7  }
0x1d9: {  	p0 =	sne.s32 s17, s8;
	v5 =	vsel vm1, v6, v5  }
.Ltmp3:
0x1da: {  	[tilespmem:$0x10080] =	vst v5;
	(pc) =	sbr.rel @p0 .LBB2_1-.Ltmp3, $4  }
0x1db: {  	[hbm4b:s7+s2] =	stream.linear.scatter [tilespmem:s16], [sflag:$0x3], $0x80, $0x38;
	[tilespmem:$0x10100] =	vst v63  }
0x1dc: {  	_ =	swait.ge [sflag:s10], $0x80  }
0x1dd: {  	[sflag:s10] =	ssyncset.done $0x0  }
0x1de: {  	[sflag:s10] =	ssyncadd.s32 $0xFFFFFF80  }
0x1df: {  	_ =	sfence.sel $0x180000  }
0x1e0: {  	[bflag:$0x0] =	sbarrier.arrive $0xFFFF  }
0x1e1: {  	p0 =	sne.s32 s0, $0x0;
	_ =	strace $0x90000047  }
0x1e2: {  	s0 =	sadd.s32 @!p0 $0x100000, s1;
	[bflag:$0x2] =	sbarrier.arrive $0xFFFF  }
0x1e3: {  	[sflag:s0] =	ssyncadd.tile.s32 @!p0 $0x1;
	_ =	shalt  }
.Lfunc_end2:
_tile_overlayer_lowered:
.L_overlay_start_2:
0x1e4: {  	(tag) =	ssettag $0x2  }
0x1e5: {  	s0 =	rddreg [dreg:$0x0];
	s2 =	stileid.u32  }
0x1e6: {  	s1 =	rddreg [dreg:$0x1];
	p0 =	sne.s32 s2, $0x0  }
0x1e7: {  	s3 =	rddreg [dreg:$0x2];
	[bflag:$0x3] =	sbarrier.arrive $0xFFFF;
	s2 =	simm.s32 @!p0 $0x1C03  }
0x1e8: {  	[timem:s3], [sflag:s2] =	dma.local @!p0 [hbm:s0], s1  }
0x1e9: {  	s0 =	simm.s32 @!p0 $0x3  }
0x1ea: {  	_ =	swait.ge @!p0 [sflag:s0], s1  }
0x1eb: {  	s1 =	ssub.s32 @!p0 $0x0, s1;
	[sflag:s0] =	ssyncset.done @!p0 $0x0  }
0x1ec: {  	[sflag:s0] =	ssyncadd.s32 @!p0 s1  }
0x1ed: {  	[bflag:$0x3] =	sbarrier.arrive $0xFFFF  }
0x1ee: {  	_ =	shalt  }

</sc_bundles>
